<compile_context>
chip_gen: v7x
topology: tpu7x:2x2x1
jax: 0.10.2.dev20260603
libtpu: 0.0.44.dev20260713+nightly
codegen_flags: <defaults>
</compile_context>

<pallas_src>
import functools

import jax
import jax.numpy as jnp
from jax import lax
from jax.experimental import pallas as pl
from jax.experimental.pallas import tpu as pltpu
from jax.experimental.pallas import tpu_sc as plsc

N = 10000
F = 256
H1 = 128
H2 = 64
R = 4
E = 40000
L = 20000

NC = 2
NS = 16

NP = 10240
EP = 40960
KCH = 20
CH = 128
PR = NP // NS
W1T = H1 + 16
W2T = H2 + 16
BN = 512
LP = 2 * L + 960
LK = 10
BL = 1000
NBL = L // BL



def _sc_mesh():
  return plsc.VectorSubcoreMesh(
      core_axis_name="c", subcore_axis_name="s", num_cores=NC, num_subcores=NS)


def _make_segsum(Wd):

  @functools.partial(
      pl.kernel,
      out_type=jax.ShapeDtypeStruct((R * NP, Wd), jnp.float32),
      mesh=_sc_mesh(),
      scratch_types=[
          pltpu.VMEM((KCH, CH), jnp.int32),
          pltpu.VMEM((KCH, CH), jnp.int32),
          pltpu.VMEM((CH, Wd), jnp.float32),
          pltpu.VMEM_SHARED((NP, Wd), jnp.float32),
          pltpu.SemaphoreType.DMA,
      ],
      compiler_params=pltpu.CompilerParams(use_tc_tiling_on_sc=False),
  )
  def segsum(table_hbm, srcs_hbm, dsts_hbm, zeros_hbm, out_hbm,
             src_v, dst_v, rows_v, acc_sh, sem):
    c = lax.axis_index("c")
    s = lax.axis_index("s")
    for rr in range(R // NC):
      r = rr * NC + c
      pltpu.sync_copy(zeros_hbm.at[pl.ds(s * PR, PR)],
                      acc_sh.at[pl.ds(s * PR, PR)])
      pltpu.sync_copy(srcs_hbm.at[r * NS + s], src_v)
      pltpu.sync_copy(dsts_hbm.at[r * NS + s], dst_v)
      plsc.subcore_barrier()

      def body(j, carry):
        pltpu.async_copy(table_hbm.at[src_v.at[j]], rows_v, sem).wait()
        pltpu.sync_copy(rows_v, acc_sh.at[dst_v.at[j]], add=True)
        return carry

      lax.fori_loop(0, KCH, body, 0)
      plsc.subcore_barrier()
      pltpu.sync_copy(acc_sh.at[pl.ds(s * PR, PR)],
                      out_hbm.at[pl.ds(r * NP + s * PR, PR)])
      plsc.subcore_barrier()

  return segsum


def _make_label_gather():

  @functools.partial(
      pl.kernel,
      out_type=jax.ShapeDtypeStruct((LP, H2), jnp.float32),
      mesh=_sc_mesh(),
      scratch_types=[
          pltpu.VMEM((LK, CH), jnp.int32),
          pltpu.VMEM((CH, H2), jnp.float32),
          pltpu.SemaphoreType.DMA,
      ],
      compiler_params=pltpu.CompilerParams(use_tc_tiling_on_sc=False),
  )
  def gather(h2_hbm, idx_hbm, out_hbm, idx_v, rows_v, sem):
    c = lax.axis_index("c")
    s = lax.axis_index("s")
    w = s * NC + c
    pltpu.sync_copy(idx_hbm.at[w], idx_v)

    def body(j, carry):
      pltpu.async_copy(h2_hbm.at[idx_v.at[j]], rows_v, sem).wait()
      pltpu.sync_copy(rows_v, out_hbm.at[pl.ds(w * (LK * CH) + j * CH, CH)])
      return carry

    lax.fori_loop(0, LK, body, 0)

  return gather



def _proj1_body(x_ref, wl_ref, wr_ref, b_ref, tbl_ref, xr_ref):
  xb = x_ref[...]
  y = jnp.dot(xb, wl_ref[...], preferred_element_type=jnp.float32)
  tbl_ref[:, :H1] = y
  col = lax.broadcasted_iota(jnp.int32, (BN, 16), 1)
  tbl_ref[:, H1:] = jnp.where(col == 0, 1.0, 0.0).astype(jnp.float32)
  xr_ref[...] = (jnp.dot(xb, wr_ref[...], preferred_element_type=jnp.float32)
                 + b_ref[...])


def _proj1(x_pad, W1l, W1r, b1):
  nb = NP // BN
  return pl.pallas_call(
      _proj1_body,
      grid=(R, nb),
      in_specs=[
          pl.BlockSpec((BN, F), lambda r, i: (i, 0)),
          pl.BlockSpec((None, F, H1), lambda r, i: (r, 0, 0)),
          pl.BlockSpec((None, F, H1), lambda r, i: (r, 0, 0)),
          pl.BlockSpec((None, 1, H1), lambda r, i: (r, 0, 0)),
      ],
      out_specs=[
          pl.BlockSpec((None, BN, W1T), lambda r, i: (r, i, 0)),
          pl.BlockSpec((None, BN, H1), lambda r, i: (r, i, 0)),
      ],
      out_shape=[
          jax.ShapeDtypeStruct((R, NP, W1T), jnp.float32),
          jax.ShapeDtypeStruct((R, NP, H1), jnp.float32),
      ],
  )(x_pad, W1l, W1r, b1.reshape(R, 1, H1))


def _make_att(D, Wd):

  def body(acc_ref, xr_ref, wa_ref, ba_ref, qa_ref, out_ref, ws_ref):
    i = pl.program_id(0)

    @pl.when(i == 0)
    def _():
      ws_ref[...] = jnp.zeros_like(ws_ref)

    rowid = i * BN + lax.broadcasted_iota(jnp.int32, (BN, 1), 0)
    mask = rowid < N
    wa = wa_ref[...]
    ba = ba_ref[...]
    qa = qa_ref[...]
    contribs = []
    for r in range(R):
      cnt = acc_ref[r, :, D:D + 1]
      o = acc_ref[r, :, :D] / jnp.maximum(cnt, 1.0) + xr_ref[r]
      out_ref[:, r, :] = o
      t = jnp.dot(jnp.tanh(jnp.dot(o, wa, preferred_element_type=jnp.float32)
                           + ba), qa, preferred_element_type=jnp.float32)
      contribs.append(jnp.sum(jnp.where(mask, t, 0.0)))
    ws_ref[...] += jnp.stack(contribs).reshape(1, R)

  def run(acc, xr, Wa, ba, qa):
    nb = NP // BN
    return pl.pallas_call(
        body,
        grid=(nb,),
        in_specs=[
            pl.BlockSpec((R, BN, Wd), lambda i: (0, i, 0)),
            pl.BlockSpec((R, BN, D), lambda i: (0, i, 0)),
            pl.BlockSpec((D, D), lambda i: (0, 0)),
            pl.BlockSpec((1, D), lambda i: (0, 0)),
            pl.BlockSpec((D, 1), lambda i: (0, 0)),
        ],
        out_specs=[
            pl.BlockSpec((BN, R, D), lambda i: (i, 0, 0)),
            pl.BlockSpec((1, R), lambda i: (0, 0)),
        ],
        out_shape=[
            jax.ShapeDtypeStruct((NP, R, D), jnp.float32),
            jax.ShapeDtypeStruct((1, R), jnp.float32),
        ],
    )(acc, xr, Wa, ba.reshape(1, D), qa)

  return run


def _softmax_row(w):
  m = jnp.max(w, axis=1, keepdims=True)
  e = jnp.exp(w - m)
  return e / jnp.sum(e, axis=1, keepdims=True)


def _combine2_body(o1_ref, ws_ref, w2l_ref, w2r_ref, b2_ref, tbl_ref, xr_ref):
  beta = _softmax_row(ws_ref[...] / float(N))
  blk = o1_ref[...]
  h1 = jnp.sum(blk * beta.reshape(1, R, 1), axis=1)
  col = lax.broadcasted_iota(jnp.int32, (BN, 16), 1)
  ones = jnp.where(col == 0, 1.0, 0.0).astype(jnp.float32)
  for r in range(R):
    tbl_ref[r, :, :H2] = jnp.dot(h1, w2l_ref[r],
                                 preferred_element_type=jnp.float32)
    tbl_ref[r, :, H2:] = ones
    xr_ref[r, :, :] = (jnp.dot(h1, w2r_ref[r],
                               preferred_element_type=jnp.float32)
                       + b2_ref[r])


def _combine2(out1p, wsum1, W2l, W2r, b2):
  nb = NP // BN
  return pl.pallas_call(
      _combine2_body,
      grid=(nb,),
      in_specs=[
          pl.BlockSpec((BN, R, H1), lambda i: (i, 0, 0)),
          pl.BlockSpec((1, R), lambda i: (0, 0)),
          pl.BlockSpec((R, H1, H2), lambda i: (0, 0, 0)),
          pl.BlockSpec((R, H1, H2), lambda i: (0, 0, 0)),
          pl.BlockSpec((R, 1, H2), lambda i: (0, 0, 0)),
      ],
      out_specs=[
          pl.BlockSpec((R, BN, W2T), lambda i: (0, i, 0)),
          pl.BlockSpec((R, BN, H2), lambda i: (0, i, 0)),
      ],
      out_shape=[
          jax.ShapeDtypeStruct((R, NP, W2T), jnp.float32),
          jax.ShapeDtypeStruct((R, NP, H2), jnp.float32),
      ],
  )(out1p, wsum1, W2l, W2r, b2.reshape(R, 1, H2))


def _h2_body(o2_ref, ws_ref, h2_ref):
  beta = _softmax_row(ws_ref[...] / float(N))
  h2_ref[...] = jnp.sum(o2_ref[...] * beta.reshape(1, R, 1), axis=1)


def _h2_combine(out2p, wsum2):
  nb = NP // BN
  return pl.pallas_call(
      _h2_body,
      grid=(nb,),
      in_specs=[
          pl.BlockSpec((BN, R, H2), lambda i: (i, 0, 0)),
          pl.BlockSpec((1, R), lambda i: (0, 0)),
      ],
      out_specs=pl.BlockSpec((BN, H2), lambda i: (i, 0)),
      out_shape=jax.ShapeDtypeStruct((NP, H2), jnp.float32),
  )(out2p, wsum2)


def _scores_body(hs_ref, hd_ref, wp_ref, bp_ref, out_ref):
  had = hs_ref[...] * hd_ref[...]
  sc = jnp.dot(had, wp_ref[...], preferred_element_type=jnp.float32) + bp_ref[...]
  out_ref[...] = jnp.sum(sc, axis=-1).reshape(1, BL)


def _scores(hs, hd, Wp, bp):
  return pl.pallas_call(
      _scores_body,
      grid=(NBL,),
      in_specs=[
          pl.BlockSpec((BL, H2), lambda i: (i, 0)),
          pl.BlockSpec((BL, H2), lambda i: (i, 0)),
          pl.BlockSpec((H2, 2), lambda i: (0, 0)),
          pl.BlockSpec((1, 2), lambda i: (0, 0)),
      ],
      out_specs=pl.BlockSpec((None, 1, BL), lambda i: (i, 0, 0)),
      out_shape=jax.ShapeDtypeStruct((NBL, 1, BL), jnp.float32),
  )(hs, hd, Wp, bp.reshape(1, 2))



_att1 = _make_att(H1, W1T)
_att2 = _make_att(H2, W2T)


@functools.lru_cache(maxsize=None)
def _get_segsum(Wd):
  return _make_segsum(Wd)


@functools.lru_cache(maxsize=None)
def _get_lgather():
  return _make_label_gather()


def kernel(x_node, edge_index_rel0, edge_index_rel1, edge_index_rel2,
           edge_index_rel3, edge_label_index, snap, W1l, W1r, b1, W2l, W2r,
           b2, Wa1, ba1, qa1, Wa2, ba2, qa2, Wp, bp):
  x_pad = jnp.pad(x_node, ((0, NP - N), (0, 0)))

  eis = [edge_index_rel0, edge_index_rel1, edge_index_rel2, edge_index_rel3]
  srcs = jnp.stack([e[0] for e in eis]).astype(jnp.int32)
  dsts = jnp.stack([e[1] for e in eis]).astype(jnp.int32)
  srcs = jnp.pad(srcs, ((0, 0), (0, EP - E)), constant_values=N)
  dsts = jnp.pad(dsts, ((0, 0), (0, EP - E)), constant_values=N)
  srcs = srcs + (jnp.arange(R, dtype=jnp.int32) * NP)[:, None]
  srcs = srcs.reshape(R * NS, KCH, CH)
  dsts = dsts.reshape(R * NS, KCH, CH)

  zeros1 = jnp.zeros((NP, W1T), jnp.float32)
  zeros2 = jnp.zeros((NP, W2T), jnp.float32)

  table1, xr1 = _proj1(x_pad, W1l, W1r, b1)
  acc1 = _get_segsum(W1T)(table1.reshape(R * NP, W1T), srcs, dsts, zeros1)
  out1p, wsum1 = _att1(acc1.reshape(R, NP, W1T), xr1, Wa1, ba1, qa1)

  table2, xr2 = _combine2(out1p, wsum1, W2l, W2r, b2)
  acc2 = _get_segsum(W2T)(table2.reshape(R * NP, W2T), srcs, dsts, zeros2)
  out2p, wsum2 = _att2(acc2.reshape(R, NP, W2T), xr2, Wa2, ba2, qa2)

  h2 = _h2_combine(out2p, wsum2)
  lidx = jnp.concatenate([edge_label_index[0], edge_label_index[1]])
  lidx = jnp.pad(lidx.astype(jnp.int32), (0, LP - 2 * L))
  rows = _get_lgather()(h2, lidx.reshape(NC * NS, LK, CH))
  hs = rows[:L]
  hd = rows[L:2 * L]
  scores = _scores(hs, hd, Wp, bp).reshape(L)

  return (scores, out1p[:N], out2p[:N])

# --- scband reference (transcript-rebuilt; emitter-appended) ---
"""Pipeline reference for scband-icewsdurendal-45646912422129 (READ-ONLY COPY).

The authoritative reference and input builder live on the scoring server;
editing this copy changes nothing except your own understanding.
"""

import jax, jax.numpy as jnp
import numpy as np

N = 10000
F = 256
H1 = 128
H2 = 64
R = 4
E = 40000
L = 20000


def glorot(key, shape):
    lim = float(np.sqrt(6.0 / (shape[0] + shape[1])))
    return jax.random.uniform(key, shape, minval=-lim, maxval=lim, dtype=jnp.float32)


def setup_inputs(seed: int = 0) -> dict:
    key = jax.random.key(seed)
    ks = jax.random.split(key, 40)
    inp = {}
    inp['x_node'] = jax.random.normal(ks[0], (N, F), dtype=jnp.float32)
    for r in range(R):
        inp['edge_index_rel%d' % r] = jax.random.randint(ks[1 + r], (2, E), 0, N)
    inp['edge_label_index'] = jax.random.randint(ks[5], (2, L), 0, N)
    inp['snap'] = jnp.zeros((), dtype=jnp.int32)
    inp['W1l'] = jnp.stack([glorot(ks[6 + r], (F, H1)) for r in range(R)])
    inp['W1r'] = jnp.stack([glorot(ks[10 + r], (F, H1)) for r in range(R)])
    inp['b1'] = jnp.zeros((R, H1), dtype=jnp.float32)
    inp['W2l'] = jnp.stack([glorot(ks[14 + r], (H1, H2)) for r in range(R)])
    inp['W2r'] = jnp.stack([glorot(ks[18 + r], (H1, H2)) for r in range(R)])
    inp['b2'] = jnp.zeros((R, H2), dtype=jnp.float32)
    inp['Wa1'] = glorot(ks[22], (H1, H1))
    inp['ba1'] = jnp.zeros((H1,), dtype=jnp.float32)
    inp['qa1'] = glorot(ks[23], (H1, 1))
    inp['Wa2'] = glorot(ks[24], (H2, H2))
    inp['ba2'] = jnp.zeros((H2,), dtype=jnp.float32)
    inp['qa2'] = glorot(ks[25], (H2, 1))
    inp['Wp'] = glorot(ks[26], (H2, 2))
    inp['bp'] = jnp.zeros((2,), dtype=jnp.float32)
    return inp


def _sage(x, edge_index, Wl, Wr, b):
    # SAGE-style mean-aggregation relation conv (DurendalConv per edge type)
    src, dst = edge_index[0], edge_index[1]
    msgs = x[src]
    agg = jax.ops.segment_sum(msgs, dst, num_segments=N)
    cnt = jax.ops.segment_sum(jnp.ones((edge_index.shape[1],), dtype=x.dtype), dst, num_segments=N)
    mean = agg / jnp.clip(cnt, 1.0)[:, None]
    return mean @ Wl + x @ Wr + b


def _sem_att(embeds, W, b, q):
    # SemanticAttention: project -> tanh -> score, mean over nodes, softmax over relations
    w = jnp.tanh(embeds @ W + b) @ q  # [N, R, 1]
    beta = jax.nn.softmax(w.mean(axis=0), axis=0)  # [R, 1]
    return (beta[None, :, :] * embeds).sum(axis=1)


def reference(x_node, edge_index_rel0, edge_index_rel1, edge_index_rel2, edge_index_rel3,
              edge_label_index, snap=0, W1l=None, W1r=None, b1=None, W2l=None, W2r=None, b2=None,
              Wa1=None, ba1=None, qa1=None, Wa2=None, ba2=None, qa2=None, Wp=None, bp=None):
    eis = [edge_index_rel0, edge_index_rel1, edge_index_rel2, edge_index_rel3]
    out1 = jnp.stack([_sage(x_node, eis[r], W1l[r], W1r[r], b1[r]) for r in range(R)], axis=1)  # [N,R,H1]
    # snap == 0: no GRU temporal update, current == conv output
    snapf = jnp.asarray(snap, dtype=jnp.float32)
    h1 = _sem_att(out1, Wa1, ba1, qa1) + 0.0 * snapf  # [N,H1]
    out2 = jnp.stack([_sage(h1, eis[r], W2l[r], W2r[r], b2[r]) for r in range(R)], axis=1)  # [N,R,H2]
    h2 = _sem_att(out2, Wa2, ba2, qa2)  # [N,H2]
    h_src = h2[edge_label_index[0]]
    h_dst = h2[edge_label_index[1]]
    h_hadamard = h_src * h_dst
    scores = (h_hadamard @ Wp + bp).sum(axis=-1)  # [L]
    return (scores, out1, out2)

if __name__ == "__main__":
    import jax
    _d = setup_inputs()
    print(jax.jit(kernel)(*tuple(_d.values())))

</pallas_src>

<mosaic_0001>
#map = affine_map<(d0, d1) -> (0, 0)>
#map1 = affine_map<(d0, d1) -> (0, 0, 0)>
module attributes {stable_mosaic.version = 14 : i64} {
  func.func @segsum(%arg0: i32, %arg1: i32, %arg2: memref<40960x144xf32, #tpu.memory_space<hbm>>, %arg3: memref<64x20x128xi32, #tpu.memory_space<hbm>>, %arg4: memref<64x20x128xi32, #tpu.memory_space<hbm>>, %arg5: memref<10240x144xf32, #tpu.memory_space<hbm>>, %arg6: memref<40960x144xf32, #tpu.memory_space<hbm>>, %arg7: memref<20x128xi32, #tpu.memory_space<vmem>>, %arg8: memref<20x128xi32, #tpu.memory_space<vmem>>, %arg9: memref<128x144xf32, #tpu.memory_space<vmem>>, %arg10: memref<10240x144xf32, #tpu.memory_space<vmem_shared>>, %arg11: memref<!tpu.dma_semaphore, #tpu.memory_space<semaphore_mem>>) attributes {dimension_semantics = [#tpu.dimension_semantics<core_parallel>, #tpu.dimension_semantics<subcore_parallel>], iteration_bounds = array<i64: 2, 16>, scalar_prefetch = 0 : i64, scratch_operands = 5 : i64, tpu.core_type = #tpu.core_type<sc_vector_subcore>, window_params = [{transform_indices = #map}, {transform_indices = #map1}, {transform_indices = #map1}, {transform_indices = #map}, {transform_indices = #map}]} {
    %add3A = arith.constant 0 : i32
    %add3A_0 = arith.addi %add3A, %arg0 : i32
    %mul3A = arith.constant 640 : i32
    %mul3A_1 = arith.muli %arg1, %mul3A : i32
    %mul3A_2 = arith.constant 640 : i32
    %mul3A_3 = arith.muli %arg1, %mul3A_2 : i32
    "tpu.region"() ({
      %run_scoped3A = tpu.sem_alloc : memref<!tpu.dma_semaphore, #tpu.memory_space<semaphore_mem>>
      %dma_start3A = arith.constant 0 : i32
      %dma_start3A_52 = tpu.memref_slice %arg10[%mul3A_3, %dma_start3A] : memref<10240x144xf32, #tpu.memory_space<vmem_shared>> -> memref<640x144xf32, #tpu.memory_space<vmem_shared>>
      %dma_start3A_53 = arith.constant 0 : i32
      %dma_start3A_54 = tpu.memref_slice %arg5[%mul3A_1, %dma_start3A_53] : memref<10240x144xf32, #tpu.memory_space<hbm>> -> memref<640x144xf32, #tpu.memory_space<hbm>>
      tpu.enqueue_dma source(%dma_start3A_54 : memref<640x144xf32, #tpu.memory_space<hbm>>) target(%dma_start3A_52 : memref<640x144xf32, #tpu.memory_space<vmem_shared>>) target_semaphore(%run_scoped3A : memref<!tpu.dma_semaphore, #tpu.memory_space<semaphore_mem>>)
      %dma_wait3A = arith.constant 0 : i32
      %dma_wait3A_55 = tpu.memref_slice %arg10[%mul3A_3, %dma_wait3A] : memref<10240x144xf32, #tpu.memory_space<vmem_shared>> -> memref<640x144xf32, #tpu.memory_space<vmem_shared>>
      %dma_wait3A_56 = arith.constant 0 : i32
      %dma_wait3A_57 = tpu.memref_slice %arg5[%mul3A_1, %dma_wait3A_56] : memref<10240x144xf32, #tpu.memory_space<hbm>> -> memref<640x144xf32, #tpu.memory_space<hbm>>
      tpu.wait_dma2 semaphore(%run_scoped3A : memref<!tpu.dma_semaphore, #tpu.memory_space<semaphore_mem>>) src(%dma_wait3A_57 : memref<640x144xf32, #tpu.memory_space<hbm>>) dst(%dma_wait3A_55 : memref<640x144xf32, #tpu.memory_space<vmem_shared>>)
      tpu.yield
    }) : () -> ()
    %mul3A_4 = arith.constant 16 : i32
    %mul3A_5 = arith.muli %add3A_0, %mul3A_4 : i32
    %add3A_6 = arith.addi %mul3A_5, %arg1 : i32
    "tpu.region"() ({
      %run_scoped3A = tpu.sem_alloc : memref<!tpu.dma_semaphore, #tpu.memory_space<semaphore_mem>>
      %dma_start3A = arith.constant 0 : i32
      %dma_start3A_52 = arith.constant 0 : i32
      %dma_start3A_53 = tpu.memref_slice %arg3[%add3A_6, %dma_start3A, %dma_start3A_52] : memref<64x20x128xi32, #tpu.memory_space<hbm>> -> memref<1x20x128xi32, #tpu.memory_space<hbm>>
      %dma_start3A_54 = tpu.memref_squeeze %dma_start3A_53 : memref<1x20x128xi32, #tpu.memory_space<hbm>> -> memref<20x128xi32, #tpu.memory_space<hbm>>
      %dma_start3A_55 = arith.constant 0 : i32
      %dma_start3A_56 = arith.constant 0 : i32
      %dma_start3A_57 = tpu.memref_slice %arg3[%add3A_6, %dma_start3A_55, %dma_start3A_56] : memref<64x20x128xi32, #tpu.memory_space<hbm>> -> memref<1x20x128xi32, #tpu.memory_space<hbm>>
      %dma_start3A_58 = tpu.memref_squeeze %dma_start3A_57 : memref<1x20x128xi32, #tpu.memory_space<hbm>> -> memref<20x128xi32, #tpu.memory_space<hbm>>
      tpu.enqueue_dma source(%dma_start3A_58 : memref<20x128xi32, #tpu.memory_space<hbm>>) target(%arg7 : memref<20x128xi32, #tpu.memory_space<vmem>>) target_semaphore(%run_scoped3A : memref<!tpu.dma_semaphore, #tpu.memory_space<semaphore_mem>>)
      %dma_wait3A = arith.constant 0 : i32
      %dma_wait3A_59 = arith.constant 0 : i32
      %dma_wait3A_60 = tpu.memref_slice %arg3[%add3A_6, %dma_wait3A, %dma_wait3A_59] : memref<64x20x128xi32, #tpu.memory_space<hbm>> -> memref<1x20x128xi32, #tpu.memory_space<hbm>>
      %dma_wait3A_61 = tpu.memref_squeeze %dma_wait3A_60 : memref<1x20x128xi32, #tpu.memory_space<hbm>> -> memref<20x128xi32, #tpu.memory_space<hbm>>
      %dma_wait3A_62 = arith.constant 0 : i32
      %dma_wait3A_63 = arith.constant 0 : i32
      %dma_wait3A_64 = tpu.memref_slice %arg3[%add3A_6, %dma_wait3A_62, %dma_wait3A_63] : memref<64x20x128xi32, #tpu.memory_space<hbm>> -> memref<1x20x128xi32, #tpu.memory_space<hbm>>
      %dma_wait3A_65 = tpu.memref_squeeze %dma_wait3A_64 : memref<1x20x128xi32, #tpu.memory_space<hbm>> -> memref<20x128xi32, #tpu.memory_space<hbm>>
      tpu.wait_dma2 semaphore(%run_scoped3A : memref<!tpu.dma_semaphore, #tpu.memory_space<semaphore_mem>>) src(%dma_wait3A_65 : memref<20x128xi32, #tpu.memory_space<hbm>>) dst(%arg7 : memref<20x128xi32, #tpu.memory_space<vmem>>)
      tpu.yield
    }) : () -> ()
    %mul3A_7 = arith.constant 16 : i32
    %mul3A_8 = arith.muli %add3A_0, %mul3A_7 : i32
    %add3A_9 = arith.addi %mul3A_8, %arg1 : i32
    "tpu.region"() ({
      %run_scoped3A = tpu.sem_alloc : memref<!tpu.dma_semaphore, #tpu.memory_space<semaphore_mem>>
      %dma_start3A = arith.constant 0 : i32
      %dma_start3A_52 = arith.constant 0 : i32
      %dma_start3A_53 = tpu.memref_slice %arg4[%add3A_9, %dma_start3A, %dma_start3A_52] : memref<64x20x128xi32, #tpu.memory_space<hbm>> -> memref<1x20x128xi32, #tpu.memory_space<hbm>>
      %dma_start3A_54 = tpu.memref_squeeze %dma_start3A_53 : memref<1x20x128xi32, #tpu.memory_space<hbm>> -> memref<20x128xi32, #tpu.memory_space<hbm>>
      %dma_start3A_55 = arith.constant 0 : i32
      %dma_start3A_56 = arith.constant 0 : i32
      %dma_start3A_57 = tpu.memref_slice %arg4[%add3A_9, %dma_start3A_55, %dma_start3A_56] : memref<64x20x128xi32, #tpu.memory_space<hbm>> -> memref<1x20x128xi32, #tpu.memory_space<hbm>>
      %dma_start3A_58 = tpu.memref_squeeze %dma_start3A_57 : memref<1x20x128xi32, #tpu.memory_space<hbm>> -> memref<20x128xi32, #tpu.memory_space<hbm>>
      tpu.enqueue_dma source(%dma_start3A_58 : memref<20x128xi32, #tpu.memory_space<hbm>>) target(%arg8 : memref<20x128xi32, #tpu.memory_space<vmem>>) target_semaphore(%run_scoped3A : memref<!tpu.dma_semaphore, #tpu.memory_space<semaphore_mem>>)
      %dma_wait3A = arith.constant 0 : i32
      %dma_wait3A_59 = arith.constant 0 : i32
      %dma_wait3A_60 = tpu.memref_slice %arg4[%add3A_9, %dma_wait3A, %dma_wait3A_59] : memref<64x20x128xi32, #tpu.memory_space<hbm>> -> memref<1x20x128xi32, #tpu.memory_space<hbm>>
      %dma_wait3A_61 = tpu.memref_squeeze %dma_wait3A_60 : memref<1x20x128xi32, #tpu.memory_space<hbm>> -> memref<20x128xi32, #tpu.memory_space<hbm>>
      %dma_wait3A_62 = arith.constant 0 : i32
      %dma_wait3A_63 = arith.constant 0 : i32
      %dma_wait3A_64 = tpu.memref_slice %arg4[%add3A_9, %dma_wait3A_62, %dma_wait3A_63] : memref<64x20x128xi32, #tpu.memory_space<hbm>> -> memref<1x20x128xi32, #tpu.memory_space<hbm>>
      %dma_wait3A_65 = tpu.memref_squeeze %dma_wait3A_64 : memref<1x20x128xi32, #tpu.memory_space<hbm>> -> memref<20x128xi32, #tpu.memory_space<hbm>>
      tpu.wait_dma2 semaphore(%run_scoped3A : memref<!tpu.dma_semaphore, #tpu.memory_space<semaphore_mem>>) src(%dma_wait3A_65 : memref<20x128xi32, #tpu.memory_space<hbm>>) dst(%arg8 : memref<20x128xi32, #tpu.memory_space<vmem>>)
      tpu.yield
    }) : () -> ()
    %barrier3A = arith.constant 0 : index
    tpu.barrier barrier_id(%barrier3A)
    %scan3A = arith.constant 0 : i32
    %scan3A_10 = arith.constant 0 : i32
    %scan3A_11 = arith.constant 20 : i32
    %scan3A_12 = arith.addi %scan3A_10, %scan3A_11 : i32
    %scan3A_13 = arith.constant 1 : i32
    scf.for %scan3A_52 = %scan3A_10 to %scan3A_12 step %scan3A_13  : i32 {
      %dma_start3A = arith.constant 0 : i32
      %dma_start3A_53 = tpu.memref_slice %arg7[%scan3A_52, %dma_start3A] : memref<20x128xi32, #tpu.memory_space<vmem>> -> memref<1x128xi32, #tpu.memory_space<vmem>>
      %dma_start3A_54 = tpu.memref_squeeze %dma_start3A_53 : memref<1x128xi32, #tpu.memory_space<vmem>> -> memref<128xi32, #tpu.memory_space<vmem>>
      %dma_start3A_55 = arith.constant 0 : i32
      %dma_start3A_56 = arith.constant 0 : i32
      %dma_start3A_57 = tpu.memref_slice %arg2[%dma_start3A_55, %dma_start3A_56] : memref<40960x144xf32, #tpu.memory_space<hbm>> -> memref<40960x144xf32, #tpu.memory_space<hbm>>
      tpu.enqueue_indirect_dma source(%dma_start3A_57 : memref<40960x144xf32, #tpu.memory_space<hbm>>) target(%arg9 : memref<128x144xf32, #tpu.memory_space<vmem>>) offsets(%dma_start3A_54 : memref<128xi32, #tpu.memory_space<vmem>>) semaphore(%arg11 : memref<!tpu.dma_semaphore, #tpu.memory_space<semaphore_mem>>)
      %dma_wait3A = arith.constant 0 : i32
      %dma_wait3A_58 = tpu.memref_slice %arg7[%scan3A_52, %dma_wait3A] : memref<20x128xi32, #tpu.memory_space<vmem>> -> memref<1x128xi32, #tpu.memory_space<vmem>>
      %dma_wait3A_59 = tpu.memref_squeeze %dma_wait3A_58 : memref<1x128xi32, #tpu.memory_space<vmem>> -> memref<128xi32, #tpu.memory_space<vmem>>
      %dma_wait3A_60 = arith.constant 0 : i32
      %dma_wait3A_61 = arith.constant 0 : i32
      %dma_wait3A_62 = tpu.memref_slice %arg2[%dma_wait3A_60, %dma_wait3A_61] : memref<40960x144xf32, #tpu.memory_space<hbm>> -> memref<40960x144xf32, #tpu.memory_space<hbm>>
      tpu.wait_indirect_dma semaphore(%arg11 : memref<!tpu.dma_semaphore, #tpu.memory_space<semaphore_mem>>) src(%dma_wait3A_62 : memref<40960x144xf32, #tpu.memory_space<hbm>>) dst(%arg9 : memref<128x144xf32, #tpu.memory_space<vmem>>)
      "tpu.region"() ({
        %run_scoped3A = tpu.sem_alloc : memref<!tpu.dma_semaphore, #tpu.memory_space<semaphore_mem>>
        %dma_start3A_63 = arith.constant 0 : i32
        %dma_start3A_64 = tpu.memref_slice %arg8[%scan3A_52, %dma_start3A_63] : memref<20x128xi32, #tpu.memory_space<vmem>> -> memref<1x128xi32, #tpu.memory_space<vmem>>
        %dma_start3A_65 = tpu.memref_squeeze %dma_start3A_64 : memref<1x128xi32, #tpu.memory_space<vmem>> -> memref<128xi32, #tpu.memory_space<vmem>>
        %dma_start3A_66 = arith.constant 0 : i32
        %dma_start3A_67 = arith.constant 0 : i32
        %dma_start3A_68 = tpu.memref_slice %arg10[%dma_start3A_66, %dma_start3A_67] : memref<10240x144xf32, #tpu.memory_space<vmem_shared>> -> memref<10240x144xf32, #tpu.memory_space<vmem_shared>>
        tpu.enqueue_indirect_dma source(%arg9 : memref<128x144xf32, #tpu.memory_space<vmem>>) target(%dma_start3A_68 : memref<10240x144xf32, #tpu.memory_space<vmem_shared>>) offsets(%dma_start3A_65 : memref<128xi32, #tpu.memory_space<vmem>>) semaphore(%run_scoped3A : memref<!tpu.dma_semaphore, #tpu.memory_space<semaphore_mem>>) {add = true}
        %dma_wait3A_69 = arith.constant 0 : i32
        %dma_wait3A_70 = tpu.memref_slice %arg8[%scan3A_52, %dma_wait3A_69] : memref<20x128xi32, #tpu.memory_space<vmem>> -> memref<1x128xi32, #tpu.memory_space<vmem>>
        %dma_wait3A_71 = tpu.memref_squeeze %dma_wait3A_70 : memref<1x128xi32, #tpu.memory_space<vmem>> -> memref<128xi32, #tpu.memory_space<vmem>>
        %dma_wait3A_72 = arith.constant 0 : i32
        %dma_wait3A_73 = arith.constant 0 : i32
        %dma_wait3A_74 = tpu.memref_slice %arg10[%dma_wait3A_72, %dma_wait3A_73] : memref<10240x144xf32, #tpu.memory_space<vmem_shared>> -> memref<10240x144xf32, #tpu.memory_space<vmem_shared>>
        tpu.wait_indirect_dma semaphore(%run_scoped3A : memref<!tpu.dma_semaphore, #tpu.memory_space<semaphore_mem>>) src(%arg9 : memref<128x144xf32, #tpu.memory_space<vmem>>) dst(%dma_wait3A_74 : memref<10240x144xf32, #tpu.memory_space<vmem_shared>>)
        tpu.yield
      }) : () -> ()
    }
    %scan3A_14 = arith.constant 20 : i32
    %barrier3A_15 = arith.constant 0 : index
    tpu.barrier barrier_id(%barrier3A_15)
    %mul3A_16 = arith.constant 640 : i32
    %mul3A_17 = arith.muli %arg1, %mul3A_16 : i32
    %mul3A_18 = arith.constant 10240 : i32
    %mul3A_19 = arith.muli %add3A_0, %mul3A_18 : i32
    %mul3A_20 = arith.constant 640 : i32
    %mul3A_21 = arith.muli %arg1, %mul3A_20 : i32
    %add3A_22 = arith.addi %mul3A_19, %mul3A_21 : i32
    "tpu.region"() ({
      %run_scoped3A = tpu.sem_alloc : memref<!tpu.dma_semaphore, #tpu.memory_space<semaphore_mem>>
      %dma_start3A = arith.constant 0 : i32
      %dma_start3A_52 = tpu.memref_slice %arg6[%add3A_22, %dma_start3A] : memref<40960x144xf32, #tpu.memory_space<hbm>> -> memref<640x144xf32, #tpu.memory_space<hbm>>
      %dma_start3A_53 = arith.constant 0 : i32
      %dma_start3A_54 = tpu.memref_slice %arg10[%mul3A_17, %dma_start3A_53] : memref<10240x144xf32, #tpu.memory_space<vmem_shared>> -> memref<640x144xf32, #tpu.memory_space<vmem_shared>>
      tpu.enqueue_dma source(%dma_start3A_54 : memref<640x144xf32, #tpu.memory_space<vmem_shared>>) target(%dma_start3A_52 : memref<640x144xf32, #tpu.memory_space<hbm>>) target_semaphore(%run_scoped3A : memref<!tpu.dma_semaphore, #tpu.memory_space<semaphore_mem>>)
      %dma_wait3A = arith.constant 0 : i32
      %dma_wait3A_55 = tpu.memref_slice %arg6[%add3A_22, %dma_wait3A] : memref<40960x144xf32, #tpu.memory_space<hbm>> -> memref<640x144xf32, #tpu.memory_space<hbm>>
      %dma_wait3A_56 = arith.constant 0 : i32
      %dma_wait3A_57 = tpu.memref_slice %arg10[%mul3A_17, %dma_wait3A_56] : memref<10240x144xf32, #tpu.memory_space<vmem_shared>> -> memref<640x144xf32, #tpu.memory_space<vmem_shared>>
      tpu.wait_dma2 semaphore(%run_scoped3A : memref<!tpu.dma_semaphore, #tpu.memory_space<semaphore_mem>>) src(%dma_wait3A_57 : memref<640x144xf32, #tpu.memory_space<vmem_shared>>) dst(%dma_wait3A_55 : memref<640x144xf32, #tpu.memory_space<hbm>>)
      tpu.yield
    }) : () -> ()
    %barrier3A_23 = arith.constant 0 : index
    tpu.barrier barrier_id(%barrier3A_23)
    %add3A_24 = arith.constant 2 : i32
    %add3A_25 = arith.addi %add3A_24, %arg0 : i32
    %mul3A_26 = arith.constant 640 : i32
    %mul3A_27 = arith.muli %arg1, %mul3A_26 : i32
    %mul3A_28 = arith.constant 640 : i32
    %mul3A_29 = arith.muli %arg1, %mul3A_28 : i32
    "tpu.region"() ({
      %run_scoped3A = tpu.sem_alloc : memref<!tpu.dma_semaphore, #tpu.memory_space<semaphore_mem>>
      %dma_start3A = arith.constant 0 : i32
      %dma_start3A_52 = tpu.memref_slice %arg10[%mul3A_29, %dma_start3A] : memref<10240x144xf32, #tpu.memory_space<vmem_shared>> -> memref<640x144xf32, #tpu.memory_space<vmem_shared>>
      %dma_start3A_53 = arith.constant 0 : i32
      %dma_start3A_54 = tpu.memref_slice %arg5[%mul3A_27, %dma_start3A_53] : memref<10240x144xf32, #tpu.memory_space<hbm>> -> memref<640x144xf32, #tpu.memory_space<hbm>>
      tpu.enqueue_dma source(%dma_start3A_54 : memref<640x144xf32, #tpu.memory_space<hbm>>) target(%dma_start3A_52 : memref<640x144xf32, #tpu.memory_space<vmem_shared>>) target_semaphore(%run_scoped3A : memref<!tpu.dma_semaphore, #tpu.memory_space<semaphore_mem>>)
      %dma_wait3A = arith.constant 0 : i32
      %dma_wait3A_55 = tpu.memref_slice %arg10[%mul3A_29, %dma_wait3A] : memref<10240x144xf32, #tpu.memory_space<vmem_shared>> -> memref<640x144xf32, #tpu.memory_space<vmem_shared>>
      %dma_wait3A_56 = arith.constant 0 : i32
      %dma_wait3A_57 = tpu.memref_slice %arg5[%mul3A_27, %dma_wait3A_56] : memref<10240x144xf32, #tpu.memory_space<hbm>> -> memref<640x144xf32, #tpu.memory_space<hbm>>
      tpu.wait_dma2 semaphore(%run_scoped3A : memref<!tpu.dma_semaphore, #tpu.memory_space<semaphore_mem>>) src(%dma_wait3A_57 : memref<640x144xf32, #tpu.memory_space<hbm>>) dst(%dma_wait3A_55 : memref<640x144xf32, #tpu.memory_space<vmem_shared>>)
      tpu.yield
    }) : () -> ()
    %mul3A_30 = arith.constant 16 : i32
    %mul3A_31 = arith.muli %add3A_25, %mul3A_30 : i32
    %add3A_32 = arith.addi %mul3A_31, %arg1 : i32
    "tpu.region"() ({
      %run_scoped3A = tpu.sem_alloc : memref<!tpu.dma_semaphore, #tpu.memory_space<semaphore_mem>>
      %dma_start3A = arith.constant 0 : i32
      %dma_start3A_52 = arith.constant 0 : i32
      %dma_start3A_53 = tpu.memref_slice %arg3[%add3A_32, %dma_start3A, %dma_start3A_52] : memref<64x20x128xi32, #tpu.memory_space<hbm>> -> memref<1x20x128xi32, #tpu.memory_space<hbm>>
      %dma_start3A_54 = tpu.memref_squeeze %dma_start3A_53 : memref<1x20x128xi32, #tpu.memory_space<hbm>> -> memref<20x128xi32, #tpu.memory_space<hbm>>
      %dma_start3A_55 = arith.constant 0 : i32
      %dma_start3A_56 = arith.constant 0 : i32
      %dma_start3A_57 = tpu.memref_slice %arg3[%add3A_32, %dma_start3A_55, %dma_start3A_56] : memref<64x20x128xi32, #tpu.memory_space<hbm>> -> memref<1x20x128xi32, #tpu.memory_space<hbm>>
      %dma_start3A_58 = tpu.memref_squeeze %dma_start3A_57 : memref<1x20x128xi32, #tpu.memory_space<hbm>> -> memref<20x128xi32, #tpu.memory_space<hbm>>
      tpu.enqueue_dma source(%dma_start3A_58 : memref<20x128xi32, #tpu.memory_space<hbm>>) target(%arg7 : memref<20x128xi32, #tpu.memory_space<vmem>>) target_semaphore(%run_scoped3A : memref<!tpu.dma_semaphore, #tpu.memory_space<semaphore_mem>>)
      %dma_wait3A = arith.constant 0 : i32
      %dma_wait3A_59 = arith.constant 0 : i32
      %dma_wait3A_60 = tpu.memref_slice %arg3[%add3A_32, %dma_wait3A, %dma_wait3A_59] : memref<64x20x128xi32, #tpu.memory_space<hbm>> -> memref<1x20x128xi32, #tpu.memory_space<hbm>>
      %dma_wait3A_61 = tpu.memref_squeeze %dma_wait3A_60 : memref<1x20x128xi32, #tpu.memory_space<hbm>> -> memref<20x128xi32, #tpu.memory_space<hbm>>
      %dma_wait3A_62 = arith.constant 0 : i32
      %dma_wait3A_63 = arith.constant 0 : i32
      %dma_wait3A_64 = tpu.memref_slice %arg3[%add3A_32, %dma_wait3A_62, %dma_wait3A_63] : memref<64x20x128xi32, #tpu.memory_space<hbm>> -> memref<1x20x128xi32, #tpu.memory_space<hbm>>
      %dma_wait3A_65 = tpu.memref_squeeze %dma_wait3A_64 : memref<1x20x128xi32, #tpu.memory_space<hbm>> -> memref<20x128xi32, #tpu.memory_space<hbm>>
      tpu.wait_dma2 semaphore(%run_scoped3A : memref<!tpu.dma_semaphore, #tpu.memory_space<semaphore_mem>>) src(%dma_wait3A_65 : memref<20x128xi32, #tpu.memory_space<hbm>>) dst(%arg7 : memref<20x128xi32, #tpu.memory_space<vmem>>)
      tpu.yield
    }) : () -> ()
    %mul3A_33 = arith.constant 16 : i32
    %mul3A_34 = arith.muli %add3A_25, %mul3A_33 : i32
    %add3A_35 = arith.addi %mul3A_34, %arg1 : i32
    "tpu.region"() ({
      %run_scoped3A = tpu.sem_alloc : memref<!tpu.dma_semaphore, #tpu.memory_space<semaphore_mem>>
      %dma_start3A = arith.constant 0 : i32
      %dma_start3A_52 = arith.constant 0 : i32
      %dma_start3A_53 = tpu.memref_slice %arg4[%add3A_35, %dma_start3A, %dma_start3A_52] : memref<64x20x128xi32, #tpu.memory_space<hbm>> -> memref<1x20x128xi32, #tpu.memory_space<hbm>>
      %dma_start3A_54 = tpu.memref_squeeze %dma_start3A_53 : memref<1x20x128xi32, #tpu.memory_space<hbm>> -> memref<20x128xi32, #tpu.memory_space<hbm>>
      %dma_start3A_55 = arith.constant 0 : i32
      %dma_start3A_56 = arith.constant 0 : i32
      %dma_start3A_57 = tpu.memref_slice %arg4[%add3A_35, %dma_start3A_55, %dma_start3A_56] : memref<64x20x128xi32, #tpu.memory_space<hbm>> -> memref<1x20x128xi32, #tpu.memory_space<hbm>>
      %dma_start3A_58 = tpu.memref_squeeze %dma_start3A_57 : memref<1x20x128xi32, #tpu.memory_space<hbm>> -> memref<20x128xi32, #tpu.memory_space<hbm>>
      tpu.enqueue_dma source(%dma_start3A_58 : memref<20x128xi32, #tpu.memory_space<hbm>>) target(%arg8 : memref<20x128xi32, #tpu.memory_space<vmem>>) target_semaphore(%run_scoped3A : memref<!tpu.dma_semaphore, #tpu.memory_space<semaphore_mem>>)
      %dma_wait3A = arith.constant 0 : i32
      %dma_wait3A_59 = arith.constant 0 : i32
      %dma_wait3A_60 = tpu.memref_slice %arg4[%add3A_35, %dma_wait3A, %dma_wait3A_59] : memref<64x20x128xi32, #tpu.memory_space<hbm>> -> memref<1x20x128xi32, #tpu.memory_space<hbm>>
      %dma_wait3A_61 = tpu.memref_squeeze %dma_wait3A_60 : memref<1x20x128xi32, #tpu.memory_space<hbm>> -> memref<20x128xi32, #tpu.memory_space<hbm>>
      %dma_wait3A_62 = arith.constant 0 : i32
      %dma_wait3A_63 = arith.constant 0 : i32
      %dma_wait3A_64 = tpu.memref_slice %arg4[%add3A_35, %dma_wait3A_62, %dma_wait3A_63] : memref<64x20x128xi32, #tpu.memory_space<hbm>> -> memref<1x20x128xi32, #tpu.memory_space<hbm>>
      %dma_wait3A_65 = tpu.memref_squeeze %dma_wait3A_64 : memref<1x20x128xi32, #tpu.memory_space<hbm>> -> memref<20x128xi32, #tpu.memory_space<hbm>>
      tpu.wait_dma2 semaphore(%run_scoped3A : memref<!tpu.dma_semaphore, #tpu.memory_space<semaphore_mem>>) src(%dma_wait3A_65 : memref<20x128xi32, #tpu.memory_space<hbm>>) dst(%arg8 : memref<20x128xi32, #tpu.memory_space<vmem>>)
      tpu.yield
    }) : () -> ()
    %barrier3A_36 = arith.constant 0 : index
    tpu.barrier barrier_id(%barrier3A_36)
    %scan3A_37 = arith.constant 0 : i32
    %scan3A_38 = arith.constant 0 : i32
    %scan3A_39 = arith.constant 20 : i32
    %scan3A_40 = arith.addi %scan3A_38, %scan3A_39 : i32
    %scan3A_41 = arith.constant 1 : i32
    scf.for %scan3A_52 = %scan3A_38 to %scan3A_40 step %scan3A_41  : i32 {
      %dma_start3A = arith.constant 0 : i32
      %dma_start3A_53 = tpu.memref_slice %arg7[%scan3A_52, %dma_start3A] : memref<20x128xi32, #tpu.memory_space<vmem>> -> memref<1x128xi32, #tpu.memory_space<vmem>>
      %dma_start3A_54 = tpu.memref_squeeze %dma_start3A_53 : memref<1x128xi32, #tpu.memory_space<vmem>> -> memref<128xi32, #tpu.memory_space<vmem>>
      %dma_start3A_55 = arith.constant 0 : i32
      %dma_start3A_56 = arith.constant 0 : i32
      %dma_start3A_57 = tpu.memref_slice %arg2[%dma_start3A_55, %dma_start3A_56] : memref<40960x144xf32, #tpu.memory_space<hbm>> -> memref<40960x144xf32, #tpu.memory_space<hbm>>
      tpu.enqueue_indirect_dma source(%dma_start3A_57 : memref<40960x144xf32, #tpu.memory_space<hbm>>) target(%arg9 : memref<128x144xf32, #tpu.memory_space<vmem>>) offsets(%dma_start3A_54 : memref<128xi32, #tpu.memory_space<vmem>>) semaphore(%arg11 : memref<!tpu.dma_semaphore, #tpu.memory_space<semaphore_mem>>)
      %dma_wait3A = arith.constant 0 : i32
      %dma_wait3A_58 = tpu.memref_slice %arg7[%scan3A_52, %dma_wait3A] : memref<20x128xi32, #tpu.memory_space<vmem>> -> memref<1x128xi32, #tpu.memory_space<vmem>>
      %dma_wait3A_59 = tpu.memref_squeeze %dma_wait3A_58 : memref<1x128xi32, #tpu.memory_space<vmem>> -> memref<128xi32, #tpu.memory_space<vmem>>
      %dma_wait3A_60 = arith.constant 0 : i32
      %dma_wait3A_61 = arith.constant 0 : i32
      %dma_wait3A_62 = tpu.memref_slice %arg2[%dma_wait3A_60, %dma_wait3A_61] : memref<40960x144xf32, #tpu.memory_space<hbm>> -> memref<40960x144xf32, #tpu.memory_space<hbm>>
      tpu.wait_indirect_dma semaphore(%arg11 : memref<!tpu.dma_semaphore, #tpu.memory_space<semaphore_mem>>) src(%dma_wait3A_62 : memref<40960x144xf32, #tpu.memory_space<hbm>>) dst(%arg9 : memref<128x144xf32, #tpu.memory_space<vmem>>)
      "tpu.region"() ({
        %run_scoped3A = tpu.sem_alloc : memref<!tpu.dma_semaphore, #tpu.memory_space<semaphore_mem>>
        %dma_start3A_63 = arith.constant 0 : i32
        %dma_start3A_64 = tpu.memref_slice %arg8[%scan3A_52, %dma_start3A_63] : memref<20x128xi32, #tpu.memory_space<vmem>> -> memref<1x128xi32, #tpu.memory_space<vmem>>
        %dma_start3A_65 = tpu.memref_squeeze %dma_start3A_64 : memref<1x128xi32, #tpu.memory_space<vmem>> -> memref<128xi32, #tpu.memory_space<vmem>>
        %dma_start3A_66 = arith.constant 0 : i32
        %dma_start3A_67 = arith.constant 0 : i32
        %dma_start3A_68 = tpu.memref_slice %arg10[%dma_start3A_66, %dma_start3A_67] : memref<10240x144xf32, #tpu.memory_space<vmem_shared>> -> memref<10240x144xf32, #tpu.memory_space<vmem_shared>>
        tpu.enqueue_indirect_dma source(%arg9 : memref<128x144xf32, #tpu.memory_space<vmem>>) target(%dma_start3A_68 : memref<10240x144xf32, #tpu.memory_space<vmem_shared>>) offsets(%dma_start3A_65 : memref<128xi32, #tpu.memory_space<vmem>>) semaphore(%run_scoped3A : memref<!tpu.dma_semaphore, #tpu.memory_space<semaphore_mem>>) {add = true}
        %dma_wait3A_69 = arith.constant 0 : i32
        %dma_wait3A_70 = tpu.memref_slice %arg8[%scan3A_52, %dma_wait3A_69] : memref<20x128xi32, #tpu.memory_space<vmem>> -> memref<1x128xi32, #tpu.memory_space<vmem>>
        %dma_wait3A_71 = tpu.memref_squeeze %dma_wait3A_70 : memref<1x128xi32, #tpu.memory_space<vmem>> -> memref<128xi32, #tpu.memory_space<vmem>>
        %dma_wait3A_72 = arith.constant 0 : i32
        %dma_wait3A_73 = arith.constant 0 : i32
        %dma_wait3A_74 = tpu.memref_slice %arg10[%dma_wait3A_72, %dma_wait3A_73] : memref<10240x144xf32, #tpu.memory_space<vmem_shared>> -> memref<10240x144xf32, #tpu.memory_space<vmem_shared>>
        tpu.wait_indirect_dma semaphore(%run_scoped3A : memref<!tpu.dma_semaphore, #tpu.memory_space<semaphore_mem>>) src(%arg9 : memref<128x144xf32, #tpu.memory_space<vmem>>) dst(%dma_wait3A_74 : memref<10240x144xf32, #tpu.memory_space<vmem_shared>>)
        tpu.yield
      }) : () -> ()
    }
    %scan3A_42 = arith.constant 20 : i32
    %barrier3A_43 = arith.constant 0 : index
    tpu.barrier barrier_id(%barrier3A_43)
    %mul3A_44 = arith.constant 640 : i32
    %mul3A_45 = arith.muli %arg1, %mul3A_44 : i32
    %mul3A_46 = arith.constant 10240 : i32
    %mul3A_47 = arith.muli %add3A_25, %mul3A_46 : i32
    %mul3A_48 = arith.constant 640 : i32
    %mul3A_49 = arith.muli %arg1, %mul3A_48 : i32
    %add3A_50 = arith.addi %mul3A_47, %mul3A_49 : i32
    "tpu.region"() ({
      %run_scoped3A = tpu.sem_alloc : memref<!tpu.dma_semaphore, #tpu.memory_space<semaphore_mem>>
      %dma_start3A = arith.constant 0 : i32
      %dma_start3A_52 = tpu.memref_slice %arg6[%add3A_50, %dma_start3A] : memref<40960x144xf32, #tpu.memory_space<hbm>> -> memref<640x144xf32, #tpu.memory_space<hbm>>
      %dma_start3A_53 = arith.constant 0 : i32
      %dma_start3A_54 = tpu.memref_slice %arg10[%mul3A_45, %dma_start3A_53] : memref<10240x144xf32, #tpu.memory_space<vmem_shared>> -> memref<640x144xf32, #tpu.memory_space<vmem_shared>>
      tpu.enqueue_dma source(%dma_start3A_54 : memref<640x144xf32, #tpu.memory_space<vmem_shared>>) target(%dma_start3A_52 : memref<640x144xf32, #tpu.memory_space<hbm>>) target_semaphore(%run_scoped3A : memref<!tpu.dma_semaphore, #tpu.memory_space<semaphore_mem>>)
      %dma_wait3A = arith.constant 0 : i32
      %dma_wait3A_55 = tpu.memref_slice %arg6[%add3A_50, %dma_wait3A] : memref<40960x144xf32, #tpu.memory_space<hbm>> -> memref<640x144xf32, #tpu.memory_space<hbm>>
      %dma_wait3A_56 = arith.constant 0 : i32
      %dma_wait3A_57 = tpu.memref_slice %arg10[%mul3A_45, %dma_wait3A_56] : memref<10240x144xf32, #tpu.memory_space<vmem_shared>> -> memref<640x144xf32, #tpu.memory_space<vmem_shared>>
      tpu.wait_dma2 semaphore(%run_scoped3A : memref<!tpu.dma_semaphore, #tpu.memory_space<semaphore_mem>>) src(%dma_wait3A_57 : memref<640x144xf32, #tpu.memory_space<vmem_shared>>) dst(%dma_wait3A_55 : memref<640x144xf32, #tpu.memory_space<hbm>>)
      tpu.yield
    }) : () -> ()
    %barrier3A_51 = arith.constant 0 : index
    tpu.barrier barrier_id(%barrier3A_51)
    return
  }
}

#map = affine_map<(d0, d1) -> (0, 0)>
#map1 = affine_map<(d0, d1) -> (0, 0, 0)>
module attributes {stable_mosaic.version = 14 : i64} {
  func.func @segsum(%arg0: i32, %arg1: i32, %arg2: memref<40960x80xf32, #tpu.memory_space<hbm>>, %arg3: memref<64x20x128xi32, #tpu.memory_space<hbm>>, %arg4: memref<64x20x128xi32, #tpu.memory_space<hbm>>, %arg5: memref<10240x80xf32, #tpu.memory_space<hbm>>, %arg6: memref<40960x80xf32, #tpu.memory_space<hbm>>, %arg7: memref<20x128xi32, #tpu.memory_space<vmem>>, %arg8: memref<20x128xi32, #tpu.memory_space<vmem>>, %arg9: memref<128x80xf32, #tpu.memory_space<vmem>>, %arg10: memref<10240x80xf32, #tpu.memory_space<vmem_shared>>, %arg11: memref<!tpu.dma_semaphore, #tpu.memory_space<semaphore_mem>>) attributes {dimension_semantics = [#tpu.dimension_semantics<core_parallel>, #tpu.dimension_semantics<subcore_parallel>], iteration_bounds = array<i64: 2, 16>, scalar_prefetch = 0 : i64, scratch_operands = 5 : i64, tpu.core_type = #tpu.core_type<sc_vector_subcore>, window_params = [{transform_indices = #map}, {transform_indices = #map1}, {transform_indices = #map1}, {transform_indices = #map}, {transform_indices = #map}]} {
    %add3A = arith.constant 0 : i32
    %add3A_0 = arith.addi %add3A, %arg0 : i32
    %mul3A = arith.constant 640 : i32
    %mul3A_1 = arith.muli %arg1, %mul3A : i32
    %mul3A_2 = arith.constant 640 : i32
    %mul3A_3 = arith.muli %arg1, %mul3A_2 : i32
    "tpu.region"() ({
      %run_scoped3A = tpu.sem_alloc : memref<!tpu.dma_semaphore, #tpu.memory_space<semaphore_mem>>
      %dma_start3A = arith.constant 0 : i32
      %dma_start3A_52 = tpu.memref_slice %arg10[%mul3A_3, %dma_start3A] : memref<10240x80xf32, #tpu.memory_space<vmem_shared>> -> memref<640x80xf32, #tpu.memory_space<vmem_shared>>
      %dma_start3A_53 = arith.constant 0 : i32
      %dma_start3A_54 = tpu.memref_slice %arg5[%mul3A_1, %dma_start3A_53] : memref<10240x80xf32, #tpu.memory_space<hbm>> -> memref<640x80xf32, #tpu.memory_space<hbm>>
      tpu.enqueue_dma source(%dma_start3A_54 : memref<640x80xf32, #tpu.memory_space<hbm>>) target(%dma_start3A_52 : memref<640x80xf32, #tpu.memory_space<vmem_shared>>) target_semaphore(%run_scoped3A : memref<!tpu.dma_semaphore, #tpu.memory_space<semaphore_mem>>)
      %dma_wait3A = arith.constant 0 : i32
      %dma_wait3A_55 = tpu.memref_slice %arg10[%mul3A_3, %dma_wait3A] : memref<10240x80xf32, #tpu.memory_space<vmem_shared>> -> memref<640x80xf32, #tpu.memory_space<vmem_shared>>
      %dma_wait3A_56 = arith.constant 0 : i32
      %dma_wait3A_57 = tpu.memref_slice %arg5[%mul3A_1, %dma_wait3A_56] : memref<10240x80xf32, #tpu.memory_space<hbm>> -> memref<640x80xf32, #tpu.memory_space<hbm>>
      tpu.wait_dma2 semaphore(%run_scoped3A : memref<!tpu.dma_semaphore, #tpu.memory_space<semaphore_mem>>) src(%dma_wait3A_57 : memref<640x80xf32, #tpu.memory_space<hbm>>) dst(%dma_wait3A_55 : memref<640x80xf32, #tpu.memory_space<vmem_shared>>)
      tpu.yield
    }) : () -> ()
    %mul3A_4 = arith.constant 16 : i32
    %mul3A_5 = arith.muli %add3A_0, %mul3A_4 : i32
    %add3A_6 = arith.addi %mul3A_5, %arg1 : i32
    "tpu.region"() ({
      %run_scoped3A = tpu.sem_alloc : memref<!tpu.dma_semaphore, #tpu.memory_space<semaphore_mem>>
      %dma_start3A = arith.constant 0 : i32
      %dma_start3A_52 = arith.constant 0 : i32
      %dma_start3A_53 = tpu.memref_slice %arg3[%add3A_6, %dma_start3A, %dma_start3A_52] : memref<64x20x128xi32, #tpu.memory_space<hbm>> -> memref<1x20x128xi32, #tpu.memory_space<hbm>>
      %dma_start3A_54 = tpu.memref_squeeze %dma_start3A_53 : memref<1x20x128xi32, #tpu.memory_space<hbm>> -> memref<20x128xi32, #tpu.memory_space<hbm>>
      %dma_start3A_55 = arith.constant 0 : i32
      %dma_start3A_56 = arith.constant 0 : i32
      %dma_start3A_57 = tpu.memref_slice %arg3[%add3A_6, %dma_start3A_55, %dma_start3A_56] : memref<64x20x128xi32, #tpu.memory_space<hbm>> -> memref<1x20x128xi32, #tpu.memory_space<hbm>>
      %dma_start3A_58 = tpu.memref_squeeze %dma_start3A_57 : memref<1x20x128xi32, #tpu.memory_space<hbm>> -> memref<20x128xi32, #tpu.memory_space<hbm>>
      tpu.enqueue_dma source(%dma_start3A_58 : memref<20x128xi32, #tpu.memory_space<hbm>>) target(%arg7 : memref<20x128xi32, #tpu.memory_space<vmem>>) target_semaphore(%run_scoped3A : memref<!tpu.dma_semaphore, #tpu.memory_space<semaphore_mem>>)
      %dma_wait3A = arith.constant 0 : i32
      %dma_wait3A_59 = arith.constant 0 : i32
      %dma_wait3A_60 = tpu.memref_slice %arg3[%add3A_6, %dma_wait3A, %dma_wait3A_59] : memref<64x20x128xi32, #tpu.memory_space<hbm>> -> memref<1x20x128xi32, #tpu.memory_space<hbm>>
      %dma_wait3A_61 = tpu.memref_squeeze %dma_wait3A_60 : memref<1x20x128xi32, #tpu.memory_space<hbm>> -> memref<20x128xi32, #tpu.memory_space<hbm>>
      %dma_wait3A_62 = arith.constant 0 : i32
      %dma_wait3A_63 = arith.constant 0 : i32
      %dma_wait3A_64 = tpu.memref_slice %arg3[%add3A_6, %dma_wait3A_62, %dma_wait3A_63] : memref<64x20x128xi32, #tpu.memory_space<hbm>> -> memref<1x20x128xi32, #tpu.memory_space<hbm>>
      %dma_wait3A_65 = tpu.memref_squeeze %dma_wait3A_64 : memref<1x20x128xi32, #tpu.memory_space<hbm>> -> memref<20x128xi32, #tpu.memory_space<hbm>>
      tpu.wait_dma2 semaphore(%run_scoped3A : memref<!tpu.dma_semaphore, #tpu.memory_space<semaphore_mem>>) src(%dma_wait3A_65 : memref<20x128xi32, #tpu.memory_space<hbm>>) dst(%arg7 : memref<20x128xi32, #tpu.memory_space<vmem>>)
      tpu.yield
    }) : () -> ()
    %mul3A_7 = arith.constant 16 : i32
    %mul3A_8 = arith.muli %add3A_0, %mul3A_7 : i32
    %add3A_9 = arith.addi %mul3A_8, %arg1 : i32
    "tpu.region"() ({
      %run_scoped3A = tpu.sem_alloc : memref<!tpu.dma_semaphore, #tpu.memory_space<semaphore_mem>>
      %dma_start3A = arith.constant 0 : i32
      %dma_start3A_52 = arith.constant 0 : i32
      %dma_start3A_53 = tpu.memref_slice %arg4[%add3A_9, %dma_start3A, %dma_start3A_52] : memref<64x20x128xi32, #tpu.memory_space<hbm>> -> memref<1x20x128xi32, #tpu.memory_space<hbm>>
      %dma_start3A_54 = tpu.memref_squeeze %dma_start3A_53 : memref<1x20x128xi32, #tpu.memory_space<hbm>> -> memref<20x128xi32, #tpu.memory_space<hbm>>
      %dma_start3A_55 = arith.constant 0 : i32
      %dma_start3A_56 = arith.constant 0 : i32
      %dma_start3A_57 = tpu.memref_slice %arg4[%add3A_9, %dma_start3A_55, %dma_start3A_56] : memref<64x20x128xi32, #tpu.memory_space<hbm>> -> memref<1x20x128xi32, #tpu.memory_space<hbm>>
      %dma_start3A_58 = tpu.memref_squeeze %dma_start3A_57 : memref<1x20x128xi32, #tpu.memory_space<hbm>> -> memref<20x128xi32, #tpu.memory_space<hbm>>
      tpu.enqueue_dma source(%dma_start3A_58 : memref<20x128xi32, #tpu.memory_space<hbm>>) target(%arg8 : memref<20x128xi32, #tpu.memory_space<vmem>>) target_semaphore(%run_scoped3A : memref<!tpu.dma_semaphore, #tpu.memory_space<semaphore_mem>>)
      %dma_wait3A = arith.constant 0 : i32
      %dma_wait3A_59 = arith.constant 0 : i32
      %dma_wait3A_60 = tpu.memref_slice %arg4[%add3A_9, %dma_wait3A, %dma_wait3A_59] : memref<64x20x128xi32, #tpu.memory_space<hbm>> -> memref<1x20x128xi32, #tpu.memory_space<hbm>>
      %dma_wait3A_61 = tpu.memref_squeeze %dma_wait3A_60 : memref<1x20x128xi32, #tpu.memory_space<hbm>> -> memref<20x128xi32, #tpu.memory_space<hbm>>
      %dma_wait3A_62 = arith.constant 0 : i32
      %dma_wait3A_63 = arith.constant 0 : i32
      %dma_wait3A_64 = tpu.memref_slice %arg4[%add3A_9, %dma_wait3A_62, %dma_wait3A_63] : memref<64x20x128xi32, #tpu.memory_space<hbm>> -> memref<1x20x128xi32, #tpu.memory_space<hbm>>
      %dma_wait3A_65 = tpu.memref_squeeze %dma_wait3A_64 : memref<1x20x128xi32, #tpu.memory_space<hbm>> -> memref<20x128xi32, #tpu.memory_space<hbm>>
      tpu.wait_dma2 semaphore(%run_scoped3A : memref<!tpu.dma_semaphore, #tpu.memory_space<semaphore_mem>>) src(%dma_wait3A_65 : memref<20x128xi32, #tpu.memory_space<hbm>>) dst(%arg8 : memref<20x128xi32, #tpu.memory_space<vmem>>)
      tpu.yield
    }) : () -> ()
    %barrier3A = arith.constant 0 : index
    tpu.barrier barrier_id(%barrier3A)
    %scan3A = arith.constant 0 : i32
    %scan3A_10 = arith.constant 0 : i32
    %scan3A_11 = arith.constant 20 : i32
    %scan3A_12 = arith.addi %scan3A_10, %scan3A_11 : i32
    %scan3A_13 = arith.constant 1 : i32
    scf.for %scan3A_52 = %scan3A_10 to %scan3A_12 step %scan3A_13  : i32 {
      %dma_start3A = arith.constant 0 : i32
      %dma_start3A_53 = tpu.memref_slice %arg7[%scan3A_52, %dma_start3A] : memref<20x128xi32, #tpu.memory_space<vmem>> -> memref<1x128xi32, #tpu.memory_space<vmem>>
      %dma_start3A_54 = tpu.memref_squeeze %dma_start3A_53 : memref<1x128xi32, #tpu.memory_space<vmem>> -> memref<128xi32, #tpu.memory_space<vmem>>
      %dma_start3A_55 = arith.constant 0 : i32
      %dma_start3A_56 = arith.constant 0 : i32
      %dma_start3A_57 = tpu.memref_slice %arg2[%dma_start3A_55, %dma_start3A_56] : memref<40960x80xf32, #tpu.memory_space<hbm>> -> memref<40960x80xf32, #tpu.memory_space<hbm>>
      tpu.enqueue_indirect_dma source(%dma_start3A_57 : memref<40960x80xf32, #tpu.memory_space<hbm>>) target(%arg9 : memref<128x80xf32, #tpu.memory_space<vmem>>) offsets(%dma_start3A_54 : memref<128xi32, #tpu.memory_space<vmem>>) semaphore(%arg11 : memref<!tpu.dma_semaphore, #tpu.memory_space<semaphore_mem>>)
      %dma_wait3A = arith.constant 0 : i32
      %dma_wait3A_58 = tpu.memref_slice %arg7[%scan3A_52, %dma_wait3A] : memref<20x128xi32, #tpu.memory_space<vmem>> -> memref<1x128xi32, #tpu.memory_space<vmem>>
      %dma_wait3A_59 = tpu.memref_squeeze %dma_wait3A_58 : memref<1x128xi32, #tpu.memory_space<vmem>> -> memref<128xi32, #tpu.memory_space<vmem>>
      %dma_wait3A_60 = arith.constant 0 : i32
      %dma_wait3A_61 = arith.constant 0 : i32
      %dma_wait3A_62 = tpu.memref_slice %arg2[%dma_wait3A_60, %dma_wait3A_61] : memref<40960x80xf32, #tpu.memory_space<hbm>> -> memref<40960x80xf32, #tpu.memory_space<hbm>>
      tpu.wait_indirect_dma semaphore(%arg11 : memref<!tpu.dma_semaphore, #tpu.memory_space<semaphore_mem>>) src(%dma_wait3A_62 : memref<40960x80xf32, #tpu.memory_space<hbm>>) dst(%arg9 : memref<128x80xf32, #tpu.memory_space<vmem>>)
      "tpu.region"() ({
        %run_scoped3A = tpu.sem_alloc : memref<!tpu.dma_semaphore, #tpu.memory_space<semaphore_mem>>
        %dma_start3A_63 = arith.constant 0 : i32
        %dma_start3A_64 = tpu.memref_slice %arg8[%scan3A_52, %dma_start3A_63] : memref<20x128xi32, #tpu.memory_space<vmem>> -> memref<1x128xi32, #tpu.memory_space<vmem>>
        %dma_start3A_65 = tpu.memref_squeeze %dma_start3A_64 : memref<1x128xi32, #tpu.memory_space<vmem>> -> memref<128xi32, #tpu.memory_space<vmem>>
        %dma_start3A_66 = arith.constant 0 : i32
        %dma_start3A_67 = arith.constant 0 : i32
        %dma_start3A_68 = tpu.memref_slice %arg10[%dma_start3A_66, %dma_start3A_67] : memref<10240x80xf32, #tpu.memory_space<vmem_shared>> -> memref<10240x80xf32, #tpu.memory_space<vmem_shared>>
        tpu.enqueue_indirect_dma source(%arg9 : memref<128x80xf32, #tpu.memory_space<vmem>>) target(%dma_start3A_68 : memref<10240x80xf32, #tpu.memory_space<vmem_shared>>) offsets(%dma_start3A_65 : memref<128xi32, #tpu.memory_space<vmem>>) semaphore(%run_scoped3A : memref<!tpu.dma_semaphore, #tpu.memory_space<semaphore_mem>>) {add = true}
        %dma_wait3A_69 = arith.constant 0 : i32
        %dma_wait3A_70 = tpu.memref_slice %arg8[%scan3A_52, %dma_wait3A_69] : memref<20x128xi32, #tpu.memory_space<vmem>> -> memref<1x128xi32, #tpu.memory_space<vmem>>
        %dma_wait3A_71 = tpu.memref_squeeze %dma_wait3A_70 : memref<1x128xi32, #tpu.memory_space<vmem>> -> memref<128xi32, #tpu.memory_space<vmem>>
        %dma_wait3A_72 = arith.constant 0 : i32
        %dma_wait3A_73 = arith.constant 0 : i32
        %dma_wait3A_74 = tpu.memref_slice %arg10[%dma_wait3A_72, %dma_wait3A_73] : memref<10240x80xf32, #tpu.memory_space<vmem_shared>> -> memref<10240x80xf32, #tpu.memory_space<vmem_shared>>
        tpu.wait_indirect_dma semaphore(%run_scoped3A : memref<!tpu.dma_semaphore, #tpu.memory_space<semaphore_mem>>) src(%arg9 : memref<128x80xf32, #tpu.memory_space<vmem>>) dst(%dma_wait3A_74 : memref<10240x80xf32, #tpu.memory_space<vmem_shared>>)
        tpu.yield
      }) : () -> ()
    }
    %scan3A_14 = arith.constant 20 : i32
    %barrier3A_15 = arith.constant 0 : index
    tpu.barrier barrier_id(%barrier3A_15)
    %mul3A_16 = arith.constant 640 : i32
    %mul3A_17 = arith.muli %arg1, %mul3A_16 : i32
    %mul3A_18 = arith.constant 10240 : i32
    %mul3A_19 = arith.muli %add3A_0, %mul3A_18 : i32
    %mul3A_20 = arith.constant 640 : i32
    %mul3A_21 = arith.muli %arg1, %mul3A_20 : i32
    %add3A_22 = arith.addi %mul3A_19, %mul3A_21 : i32
    "tpu.region"() ({
      %run_scoped3A = tpu.sem_alloc : memref<!tpu.dma_semaphore, #tpu.memory_space<semaphore_mem>>
      %dma_start3A = arith.constant 0 : i32
      %dma_start3A_52 = tpu.memref_slice %arg6[%add3A_22, %dma_start3A] : memref<40960x80xf32, #tpu.memory_space<hbm>> -> memref<640x80xf32, #tpu.memory_space<hbm>>
      %dma_start3A_53 = arith.constant 0 : i32
      %dma_start3A_54 = tpu.memref_slice %arg10[%mul3A_17, %dma_start3A_53] : memref<10240x80xf32, #tpu.memory_space<vmem_shared>> -> memref<640x80xf32, #tpu.memory_space<vmem_shared>>
      tpu.enqueue_dma source(%dma_start3A_54 : memref<640x80xf32, #tpu.memory_space<vmem_shared>>) target(%dma_start3A_52 : memref<640x80xf32, #tpu.memory_space<hbm>>) target_semaphore(%run_scoped3A : memref<!tpu.dma_semaphore, #tpu.memory_space<semaphore_mem>>)
      %dma_wait3A = arith.constant 0 : i32
      %dma_wait3A_55 = tpu.memref_slice %arg6[%add3A_22, %dma_wait3A] : memref<40960x80xf32, #tpu.memory_space<hbm>> -> memref<640x80xf32, #tpu.memory_space<hbm>>
      %dma_wait3A_56 = arith.constant 0 : i32
      %dma_wait3A_57 = tpu.memref_slice %arg10[%mul3A_17, %dma_wait3A_56] : memref<10240x80xf32, #tpu.memory_space<vmem_shared>> -> memref<640x80xf32, #tpu.memory_space<vmem_shared>>
      tpu.wait_dma2 semaphore(%run_scoped3A : memref<!tpu.dma_semaphore, #tpu.memory_space<semaphore_mem>>) src(%dma_wait3A_57 : memref<640x80xf32, #tpu.memory_space<vmem_shared>>) dst(%dma_wait3A_55 : memref<640x80xf32, #tpu.memory_space<hbm>>)
      tpu.yield
    }) : () -> ()
    %barrier3A_23 = arith.constant 0 : index
    tpu.barrier barrier_id(%barrier3A_23)
    %add3A_24 = arith.constant 2 : i32
    %add3A_25 = arith.addi %add3A_24, %arg0 : i32
    %mul3A_26 = arith.constant 640 : i32
    %mul3A_27 = arith.muli %arg1, %mul3A_26 : i32
    %mul3A_28 = arith.constant 640 : i32
    %mul3A_29 = arith.muli %arg1, %mul3A_28 : i32
    "tpu.region"() ({
      %run_scoped3A = tpu.sem_alloc : memref<!tpu.dma_semaphore, #tpu.memory_space<semaphore_mem>>
      %dma_start3A = arith.constant 0 : i32
      %dma_start3A_52 = tpu.memref_slice %arg10[%mul3A_29, %dma_start3A] : memref<10240x80xf32, #tpu.memory_space<vmem_shared>> -> memref<640x80xf32, #tpu.memory_space<vmem_shared>>
      %dma_start3A_53 = arith.constant 0 : i32
      %dma_start3A_54 = tpu.memref_slice %arg5[%mul3A_27, %dma_start3A_53] : memref<10240x80xf32, #tpu.memory_space<hbm>> -> memref<640x80xf32, #tpu.memory_space<hbm>>
      tpu.enqueue_dma source(%dma_start3A_54 : memref<640x80xf32, #tpu.memory_space<hbm>>) target(%dma_start3A_52 : memref<640x80xf32, #tpu.memory_space<vmem_shared>>) target_semaphore(%run_scoped3A : memref<!tpu.dma_semaphore, #tpu.memory_space<semaphore_mem>>)
      %dma_wait3A = arith.constant 0 : i32
      %dma_wait3A_55 = tpu.memref_slice %arg10[%mul3A_29, %dma_wait3A] : memref<10240x80xf32, #tpu.memory_space<vmem_shared>> -> memref<640x80xf32, #tpu.memory_space<vmem_shared>>
      %dma_wait3A_56 = arith.constant 0 : i32
      %dma_wait3A_57 = tpu.memref_slice %arg5[%mul3A_27, %dma_wait3A_56] : memref<10240x80xf32, #tpu.memory_space<hbm>> -> memref<640x80xf32, #tpu.memory_space<hbm>>
      tpu.wait_dma2 semaphore(%run_scoped3A : memref<!tpu.dma_semaphore, #tpu.memory_space<semaphore_mem>>) src(%dma_wait3A_57 : memref<640x80xf32, #tpu.memory_space<hbm>>) dst(%dma_wait3A_55 : memref<640x80xf32, #tpu.memory_space<vmem_shared>>)
      tpu.yield
    }) : () -> ()
    %mul3A_30 = arith.constant 16 : i32
    %mul3A_31 = arith.muli %add3A_25, %mul3A_30 : i32
    %add3A_32 = arith.addi %mul3A_31, %arg1 : i32
    "tpu.region"() ({
      %run_scoped3A = tpu.sem_alloc : memref<!tpu.dma_semaphore, #tpu.memory_space<semaphore_mem>>
      %dma_start3A = arith.constant 0 : i32
      %dma_start3A_52 = arith.constant 0 : i32
      %dma_start3A_53 = tpu.memref_slice %arg3[%add3A_32, %dma_start3A, %dma_start3A_52] : memref<64x20x128xi32, #tpu.memory_space<hbm>> -> memref<1x20x128xi32, #tpu.memory_space<hbm>>
      %dma_start3A_54 = tpu.memref_squeeze %dma_start3A_53 : memref<1x20x128xi32, #tpu.memory_space<hbm>> -> memref<20x128xi32, #tpu.memory_space<hbm>>
      %dma_start3A_55 = arith.constant 0 : i32
      %dma_start3A_56 = arith.constant 0 : i32
      %dma_start3A_57 = tpu.memref_slice %arg3[%add3A_32, %dma_start3A_55, %dma_start3A_56] : memref<64x20x128xi32, #tpu.memory_space<hbm>> -> memref<1x20x128xi32, #tpu.memory_space<hbm>>
      %dma_start3A_58 = tpu.memref_squeeze %dma_start3A_57 : memref<1x20x128xi32, #tpu.memory_space<hbm>> -> memref<20x128xi32, #tpu.memory_space<hbm>>
      tpu.enqueue_dma source(%dma_start3A_58 : memref<20x128xi32, #tpu.memory_space<hbm>>) target(%arg7 : memref<20x128xi32, #tpu.memory_space<vmem>>) target_semaphore(%run_scoped3A : memref<!tpu.dma_semaphore, #tpu.memory_space<semaphore_mem>>)
      %dma_wait3A = arith.constant 0 : i32
      %dma_wait3A_59 = arith.constant 0 : i32
      %dma_wait3A_60 = tpu.memref_slice %arg3[%add3A_32, %dma_wait3A, %dma_wait3A_59] : memref<64x20x128xi32, #tpu.memory_space<hbm>> -> memref<1x20x128xi32, #tpu.memory_space<hbm>>
      %dma_wait3A_61 = tpu.memref_squeeze %dma_wait3A_60 : memref<1x20x128xi32, #tpu.memory_space<hbm>> -> memref<20x128xi32, #tpu.memory_space<hbm>>
      %dma_wait3A_62 = arith.constant 0 : i32
      %dma_wait3A_63 = arith.constant 0 : i32
      %dma_wait3A_64 = tpu.memref_slice %arg3[%add3A_32, %dma_wait3A_62, %dma_wait3A_63] : memref<64x20x128xi32, #tpu.memory_space<hbm>> -> memref<1x20x128xi32, #tpu.memory_space<hbm>>
      %dma_wait3A_65 = tpu.memref_squeeze %dma_wait3A_64 : memref<1x20x128xi32, #tpu.memory_space<hbm>> -> memref<20x128xi32, #tpu.memory_space<hbm>>
      tpu.wait_dma2 semaphore(%run_scoped3A : memref<!tpu.dma_semaphore, #tpu.memory_space<semaphore_mem>>) src(%dma_wait3A_65 : memref<20x128xi32, #tpu.memory_space<hbm>>) dst(%arg7 : memref<20x128xi32, #tpu.memory_space<vmem>>)
      tpu.yield
    }) : () -> ()
    %mul3A_33 = arith.constant 16 : i32
    %mul3A_34 = arith.muli %add3A_25, %mul3A_33 : i32
    %add3A_35 = arith.addi %mul3A_34, %arg1 : i32
    "tpu.region"() ({
      %run_scoped3A = tpu.sem_alloc : memref<!tpu.dma_semaphore, #tpu.memory_space<semaphore_mem>>
      %dma_start3A = arith.constant 0 : i32
      %dma_start3A_52 = arith.constant 0 : i32
      %dma_start3A_53 = tpu.memref_slice %arg4[%add3A_35, %dma_start3A, %dma_start3A_52] : memref<64x20x128xi32, #tpu.memory_space<hbm>> -> memref<1x20x128xi32, #tpu.memory_space<hbm>>
      %dma_start3A_54 = tpu.memref_squeeze %dma_start3A_53 : memref<1x20x128xi32, #tpu.memory_space<hbm>> -> memref<20x128xi32, #tpu.memory_space<hbm>>
      %dma_start3A_55 = arith.constant 0 : i32
      %dma_start3A_56 = arith.constant 0 : i32
      %dma_start3A_57 = tpu.memref_slice %arg4[%add3A_35, %dma_start3A_55, %dma_start3A_56] : memref<64x20x128xi32, #tpu.memory_space<hbm>> -> memref<1x20x128xi32, #tpu.memory_space<hbm>>
      %dma_start3A_58 = tpu.memref_squeeze %dma_start3A_57 : memref<1x20x128xi32, #tpu.memory_space<hbm>> -> memref<20x128xi32, #tpu.memory_space<hbm>>
      tpu.enqueue_dma source(%dma_start3A_58 : memref<20x128xi32, #tpu.memory_space<hbm>>) target(%arg8 : memref<20x128xi32, #tpu.memory_space<vmem>>) target_semaphore(%run_scoped3A : memref<!tpu.dma_semaphore, #tpu.memory_space<semaphore_mem>>)
      %dma_wait3A = arith.constant 0 : i32
      %dma_wait3A_59 = arith.constant 0 : i32
      %dma_wait3A_60 = tpu.memref_slice %arg4[%add3A_35, %dma_wait3A, %dma_wait3A_59] : memref<64x20x128xi32, #tpu.memory_space<hbm>> -> memref<1x20x128xi32, #tpu.memory_space<hbm>>
      %dma_wait3A_61 = tpu.memref_squeeze %dma_wait3A_60 : memref<1x20x128xi32, #tpu.memory_space<hbm>> -> memref<20x128xi32, #tpu.memory_space<hbm>>
      %dma_wait3A_62 = arith.constant 0 : i32
      %dma_wait3A_63 = arith.constant 0 : i32
      %dma_wait3A_64 = tpu.memref_slice %arg4[%add3A_35, %dma_wait3A_62, %dma_wait3A_63] : memref<64x20x128xi32, #tpu.memory_space<hbm>> -> memref<1x20x128xi32, #tpu.memory_space<hbm>>
      %dma_wait3A_65 = tpu.memref_squeeze %dma_wait3A_64 : memref<1x20x128xi32, #tpu.memory_space<hbm>> -> memref<20x128xi32, #tpu.memory_space<hbm>>
      tpu.wait_dma2 semaphore(%run_scoped3A : memref<!tpu.dma_semaphore, #tpu.memory_space<semaphore_mem>>) src(%dma_wait3A_65 : memref<20x128xi32, #tpu.memory_space<hbm>>) dst(%arg8 : memref<20x128xi32, #tpu.memory_space<vmem>>)
      tpu.yield
    }) : () -> ()
    %barrier3A_36 = arith.constant 0 : index
    tpu.barrier barrier_id(%barrier3A_36)
    %scan3A_37 = arith.constant 0 : i32
    %scan3A_38 = arith.constant 0 : i32
    %scan3A_39 = arith.constant 20 : i32
    %scan3A_40 = arith.addi %scan3A_38, %scan3A_39 : i32
    %scan3A_41 = arith.constant 1 : i32
    scf.for %scan3A_52 = %scan3A_38 to %scan3A_40 step %scan3A_41  : i32 {
      %dma_start3A = arith.constant 0 : i32
      %dma_start3A_53 = tpu.memref_slice %arg7[%scan3A_52, %dma_start3A] : memref<20x128xi32, #tpu.memory_space<vmem>> -> memref<1x128xi32, #tpu.memory_space<vmem>>
      %dma_start3A_54 = tpu.memref_squeeze %dma_start3A_53 : memref<1x128xi32, #tpu.memory_space<vmem>> -> memref<128xi32, #tpu.memory_space<vmem>>
      %dma_start3A_55 = arith.constant 0 : i32
      %dma_start3A_56 = arith.constant 0 : i32
      %dma_start3A_57 = tpu.memref_slice %arg2[%dma_start3A_55, %dma_start3A_56] : memref<40960x80xf32, #tpu.memory_space<hbm>> -> memref<40960x80xf32, #tpu.memory_space<hbm>>
      tpu.enqueue_indirect_dma source(%dma_start3A_57 : memref<40960x80xf32, #tpu.memory_space<hbm>>) target(%arg9 : memref<128x80xf32, #tpu.memory_space<vmem>>) offsets(%dma_start3A_54 : memref<128xi32, #tpu.memory_space<vmem>>) semaphore(%arg11 : memref<!tpu.dma_semaphore, #tpu.memory_space<semaphore_mem>>)
      %dma_wait3A = arith.constant 0 : i32
      %dma_wait3A_58 = tpu.memref_slice %arg7[%scan3A_52, %dma_wait3A] : memref<20x128xi32, #tpu.memory_space<vmem>> -> memref<1x128xi32, #tpu.memory_space<vmem>>
      %dma_wait3A_59 = tpu.memref_squeeze %dma_wait3A_58 : memref<1x128xi32, #tpu.memory_space<vmem>> -> memref<128xi32, #tpu.memory_space<vmem>>
      %dma_wait3A_60 = arith.constant 0 : i32
      %dma_wait3A_61 = arith.constant 0 : i32
      %dma_wait3A_62 = tpu.memref_slice %arg2[%dma_wait3A_60, %dma_wait3A_61] : memref<40960x80xf32, #tpu.memory_space<hbm>> -> memref<40960x80xf32, #tpu.memory_space<hbm>>
      tpu.wait_indirect_dma semaphore(%arg11 : memref<!tpu.dma_semaphore, #tpu.memory_space<semaphore_mem>>) src(%dma_wait3A_62 : memref<40960x80xf32, #tpu.memory_space<hbm>>) dst(%arg9 : memref<128x80xf32, #tpu.memory_space<vmem>>)
      "tpu.region"() ({
        %run_scoped3A = tpu.sem_alloc : memref<!tpu.dma_semaphore, #tpu.memory_space<semaphore_mem>>
        %dma_start3A_63 = arith.constant 0 : i32
        %dma_start3A_64 = tpu.memref_slice %arg8[%scan3A_52, %dma_start3A_63] : memref<20x128xi32, #tpu.memory_space<vmem>> -> memref<1x128xi32, #tpu.memory_space<vmem>>
        %dma_start3A_65 = tpu.memref_squeeze %dma_start3A_64 : memref<1x128xi32, #tpu.memory_space<vmem>> -> memref<128xi32, #tpu.memory_space<vmem>>
        %dma_start3A_66 = arith.constant 0 : i32
        %dma_start3A_67 = arith.constant 0 : i32
        %dma_start3A_68 = tpu.memref_slice %arg10[%dma_start3A_66, %dma_start3A_67] : memref<10240x80xf32, #tpu.memory_space<vmem_shared>> -> memref<10240x80xf32, #tpu.memory_space<vmem_shared>>
        tpu.enqueue_indirect_dma source(%arg9 : memref<128x80xf32, #tpu.memory_space<vmem>>) target(%dma_start3A_68 : memref<10240x80xf32, #tpu.memory_space<vmem_shared>>) offsets(%dma_start3A_65 : memref<128xi32, #tpu.memory_space<vmem>>) semaphore(%run_scoped3A : memref<!tpu.dma_semaphore, #tpu.memory_space<semaphore_mem>>) {add = true}
        %dma_wait3A_69 = arith.constant 0 : i32
        %dma_wait3A_70 = tpu.memref_slice %arg8[%scan3A_52, %dma_wait3A_69] : memref<20x128xi32, #tpu.memory_space<vmem>> -> memref<1x128xi32, #tpu.memory_space<vmem>>
        %dma_wait3A_71 = tpu.memref_squeeze %dma_wait3A_70 : memref<1x128xi32, #tpu.memory_space<vmem>> -> memref<128xi32, #tpu.memory_space<vmem>>
        %dma_wait3A_72 = arith.constant 0 : i32
        %dma_wait3A_73 = arith.constant 0 : i32
        %dma_wait3A_74 = tpu.memref_slice %arg10[%dma_wait3A_72, %dma_wait3A_73] : memref<10240x80xf32, #tpu.memory_space<vmem_shared>> -> memref<10240x80xf32, #tpu.memory_space<vmem_shared>>
        tpu.wait_indirect_dma semaphore(%run_scoped3A : memref<!tpu.dma_semaphore, #tpu.memory_space<semaphore_mem>>) src(%arg9 : memref<128x80xf32, #tpu.memory_space<vmem>>) dst(%dma_wait3A_74 : memref<10240x80xf32, #tpu.memory_space<vmem_shared>>)
        tpu.yield
      }) : () -> ()
    }
    %scan3A_42 = arith.constant 20 : i32
    %barrier3A_43 = arith.constant 0 : index
    tpu.barrier barrier_id(%barrier3A_43)
    %mul3A_44 = arith.constant 640 : i32
    %mul3A_45 = arith.muli %arg1, %mul3A_44 : i32
    %mul3A_46 = arith.constant 10240 : i32
    %mul3A_47 = arith.muli %add3A_25, %mul3A_46 : i32
    %mul3A_48 = arith.constant 640 : i32
    %mul3A_49 = arith.muli %arg1, %mul3A_48 : i32
    %add3A_50 = arith.addi %mul3A_47, %mul3A_49 : i32
    "tpu.region"() ({
      %run_scoped3A = tpu.sem_alloc : memref<!tpu.dma_semaphore, #tpu.memory_space<semaphore_mem>>
      %dma_start3A = arith.constant 0 : i32
      %dma_start3A_52 = tpu.memref_slice %arg6[%add3A_50, %dma_start3A] : memref<40960x80xf32, #tpu.memory_space<hbm>> -> memref<640x80xf32, #tpu.memory_space<hbm>>
      %dma_start3A_53 = arith.constant 0 : i32
      %dma_start3A_54 = tpu.memref_slice %arg10[%mul3A_45, %dma_start3A_53] : memref<10240x80xf32, #tpu.memory_space<vmem_shared>> -> memref<640x80xf32, #tpu.memory_space<vmem_shared>>
      tpu.enqueue_dma source(%dma_start3A_54 : memref<640x80xf32, #tpu.memory_space<vmem_shared>>) target(%dma_start3A_52 : memref<640x80xf32, #tpu.memory_space<hbm>>) target_semaphore(%run_scoped3A : memref<!tpu.dma_semaphore, #tpu.memory_space<semaphore_mem>>)
      %dma_wait3A = arith.constant 0 : i32
      %dma_wait3A_55 = tpu.memref_slice %arg6[%add3A_50, %dma_wait3A] : memref<40960x80xf32, #tpu.memory_space<hbm>> -> memref<640x80xf32, #tpu.memory_space<hbm>>
      %dma_wait3A_56 = arith.constant 0 : i32
      %dma_wait3A_57 = tpu.memref_slice %arg10[%mul3A_45, %dma_wait3A_56] : memref<10240x80xf32, #tpu.memory_space<vmem_shared>> -> memref<640x80xf32, #tpu.memory_space<vmem_shared>>
      tpu.wait_dma2 semaphore(%run_scoped3A : memref<!tpu.dma_semaphore, #tpu.memory_space<semaphore_mem>>) src(%dma_wait3A_57 : memref<640x80xf32, #tpu.memory_space<vmem_shared>>) dst(%dma_wait3A_55 : memref<640x80xf32, #tpu.memory_space<hbm>>)
      tpu.yield
    }) : () -> ()
    %barrier3A_51 = arith.constant 0 : index
    tpu.barrier barrier_id(%barrier3A_51)
    return
  }
}

#map = affine_map<(d0, d1) -> (0, 0)>
#map1 = affine_map<(d0, d1) -> (0, 0, 0)>
module attributes {stable_mosaic.version = 14 : i64} {
  func.func @gather(%arg0: i32, %arg1: i32, %arg2: memref<10240x64xf32, #tpu.memory_space<hbm>>, %arg3: memref<32x10x128xi32, #tpu.memory_space<hbm>>, %arg4: memref<40960x64xf32, #tpu.memory_space<hbm>>, %arg5: memref<10x128xi32, #tpu.memory_space<vmem>>, %arg6: memref<128x64xf32, #tpu.memory_space<vmem>>, %arg7: memref<!tpu.dma_semaphore, #tpu.memory_space<semaphore_mem>>) attributes {dimension_semantics = [#tpu.dimension_semantics<core_parallel>, #tpu.dimension_semantics<subcore_parallel>], iteration_bounds = array<i64: 2, 16>, scalar_prefetch = 0 : i64, scratch_operands = 3 : i64, tpu.core_type = #tpu.core_type<sc_vector_subcore>, window_params = [{transform_indices = #map}, {transform_indices = #map1}, {transform_indices = #map}]} {
    %mul3A = arith.constant 2 : i32
    %mul3A_0 = arith.muli %arg1, %mul3A : i32
    %add3A = arith.addi %mul3A_0, %arg0 : i32
    "tpu.region"() ({
      %run_scoped3A = tpu.sem_alloc : memref<!tpu.dma_semaphore, #tpu.memory_space<semaphore_mem>>
      %dma_start3A = arith.constant 0 : i32
      %dma_start3A_6 = arith.constant 0 : i32
      %dma_start3A_7 = tpu.memref_slice %arg3[%add3A, %dma_start3A, %dma_start3A_6] : memref<32x10x128xi32, #tpu.memory_space<hbm>> -> memref<1x10x128xi32, #tpu.memory_space<hbm>>
      %dma_start3A_8 = tpu.memref_squeeze %dma_start3A_7 : memref<1x10x128xi32, #tpu.memory_space<hbm>> -> memref<10x128xi32, #tpu.memory_space<hbm>>
      %dma_start3A_9 = arith.constant 0 : i32
      %dma_start3A_10 = arith.constant 0 : i32
      %dma_start3A_11 = tpu.memref_slice %arg3[%add3A, %dma_start3A_9, %dma_start3A_10] : memref<32x10x128xi32, #tpu.memory_space<hbm>> -> memref<1x10x128xi32, #tpu.memory_space<hbm>>
      %dma_start3A_12 = tpu.memref_squeeze %dma_start3A_11 : memref<1x10x128xi32, #tpu.memory_space<hbm>> -> memref<10x128xi32, #tpu.memory_space<hbm>>
      tpu.enqueue_dma source(%dma_start3A_12 : memref<10x128xi32, #tpu.memory_space<hbm>>) target(%arg5 : memref<10x128xi32, #tpu.memory_space<vmem>>) target_semaphore(%run_scoped3A : memref<!tpu.dma_semaphore, #tpu.memory_space<semaphore_mem>>)
      %dma_wait3A = arith.constant 0 : i32
      %dma_wait3A_13 = arith.constant 0 : i32
      %dma_wait3A_14 = tpu.memref_slice %arg3[%add3A, %dma_wait3A, %dma_wait3A_13] : memref<32x10x128xi32, #tpu.memory_space<hbm>> -> memref<1x10x128xi32, #tpu.memory_space<hbm>>
      %dma_wait3A_15 = tpu.memref_squeeze %dma_wait3A_14 : memref<1x10x128xi32, #tpu.memory_space<hbm>> -> memref<10x128xi32, #tpu.memory_space<hbm>>
      %dma_wait3A_16 = arith.constant 0 : i32
      %dma_wait3A_17 = arith.constant 0 : i32
      %dma_wait3A_18 = tpu.memref_slice %arg3[%add3A, %dma_wait3A_16, %dma_wait3A_17] : memref<32x10x128xi32, #tpu.memory_space<hbm>> -> memref<1x10x128xi32, #tpu.memory_space<hbm>>
      %dma_wait3A_19 = tpu.memref_squeeze %dma_wait3A_18 : memref<1x10x128xi32, #tpu.memory_space<hbm>> -> memref<10x128xi32, #tpu.memory_space<hbm>>
      tpu.wait_dma2 semaphore(%run_scoped3A : memref<!tpu.dma_semaphore, #tpu.memory_space<semaphore_mem>>) src(%dma_wait3A_19 : memref<10x128xi32, #tpu.memory_space<hbm>>) dst(%arg5 : memref<10x128xi32, #tpu.memory_space<vmem>>)
      tpu.yield
    }) : () -> ()
    %scan3A = arith.constant 0 : i32
    %scan3A_1 = arith.constant 0 : i32
    %scan3A_2 = arith.constant 10 : i32
    %scan3A_3 = arith.addi %scan3A_1, %scan3A_2 : i32
    %scan3A_4 = arith.constant 1 : i32
    scf.for %scan3A_6 = %scan3A_1 to %scan3A_3 step %scan3A_4  : i32 {
      %dma_start3A = arith.constant 0 : i32
      %dma_start3A_7 = tpu.memref_slice %arg5[%scan3A_6, %dma_start3A] : memref<10x128xi32, #tpu.memory_space<vmem>> -> memref<1x128xi32, #tpu.memory_space<vmem>>
      %dma_start3A_8 = tpu.memref_squeeze %dma_start3A_7 : memref<1x128xi32, #tpu.memory_space<vmem>> -> memref<128xi32, #tpu.memory_space<vmem>>
      %dma_start3A_9 = arith.constant 0 : i32
      %dma_start3A_10 = arith.constant 0 : i32
      %dma_start3A_11 = tpu.memref_slice %arg2[%dma_start3A_9, %dma_start3A_10] : memref<10240x64xf32, #tpu.memory_space<hbm>> -> memref<10240x64xf32, #tpu.memory_space<hbm>>
      tpu.enqueue_indirect_dma source(%dma_start3A_11 : memref<10240x64xf32, #tpu.memory_space<hbm>>) target(%arg6 : memref<128x64xf32, #tpu.memory_space<vmem>>) offsets(%dma_start3A_8 : memref<128xi32, #tpu.memory_space<vmem>>) semaphore(%arg7 : memref<!tpu.dma_semaphore, #tpu.memory_space<semaphore_mem>>)
      %dma_wait3A = arith.constant 0 : i32
      %dma_wait3A_12 = tpu.memref_slice %arg5[%scan3A_6, %dma_wait3A] : memref<10x128xi32, #tpu.memory_space<vmem>> -> memref<1x128xi32, #tpu.memory_space<vmem>>
      %dma_wait3A_13 = tpu.memref_squeeze %dma_wait3A_12 : memref<1x128xi32, #tpu.memory_space<vmem>> -> memref<128xi32, #tpu.memory_space<vmem>>
      %dma_wait3A_14 = arith.constant 0 : i32
      %dma_wait3A_15 = arith.constant 0 : i32
      %dma_wait3A_16 = tpu.memref_slice %arg2[%dma_wait3A_14, %dma_wait3A_15] : memref<10240x64xf32, #tpu.memory_space<hbm>> -> memref<10240x64xf32, #tpu.memory_space<hbm>>
      tpu.wait_indirect_dma semaphore(%arg7 : memref<!tpu.dma_semaphore, #tpu.memory_space<semaphore_mem>>) src(%dma_wait3A_16 : memref<10240x64xf32, #tpu.memory_space<hbm>>) dst(%arg6 : memref<128x64xf32, #tpu.memory_space<vmem>>)
      %mul3A_17 = arith.constant 1280 : i32
      %mul3A_18 = arith.muli %add3A, %mul3A_17 : i32
      %mul3A_19 = arith.constant 128 : i32
      %mul3A_20 = arith.muli %scan3A_6, %mul3A_19 : i32
      %add3A_21 = arith.addi %mul3A_18, %mul3A_20 : i32
      "tpu.region"() ({
        %run_scoped3A = tpu.sem_alloc : memref<!tpu.dma_semaphore, #tpu.memory_space<semaphore_mem>>
        %dma_start3A_22 = arith.constant 0 : i32
        %dma_start3A_23 = tpu.memref_slice %arg4[%add3A_21, %dma_start3A_22] : memref<40960x64xf32, #tpu.memory_space<hbm>> -> memref<128x64xf32, #tpu.memory_space<hbm>>
        %dma_start3A_24 = arith.constant 0 : i32
        %dma_start3A_25 = tpu.memref_slice %arg4[%add3A_21, %dma_start3A_24] : memref<40960x64xf32, #tpu.memory_space<hbm>> -> memref<128x64xf32, #tpu.memory_space<hbm>>
        tpu.enqueue_dma source(%arg6 : memref<128x64xf32, #tpu.memory_space<vmem>>) target(%dma_start3A_25 : memref<128x64xf32, #tpu.memory_space<hbm>>) target_semaphore(%run_scoped3A : memref<!tpu.dma_semaphore, #tpu.memory_space<semaphore_mem>>)
        %dma_wait3A_26 = arith.constant 0 : i32
        %dma_wait3A_27 = tpu.memref_slice %arg4[%add3A_21, %dma_wait3A_26] : memref<40960x64xf32, #tpu.memory_space<hbm>> -> memref<128x64xf32, #tpu.memory_space<hbm>>
        %dma_wait3A_28 = arith.constant 0 : i32
        %dma_wait3A_29 = tpu.memref_slice %arg4[%add3A_21, %dma_wait3A_28] : memref<40960x64xf32, #tpu.memory_space<hbm>> -> memref<128x64xf32, #tpu.memory_space<hbm>>
        tpu.wait_dma2 semaphore(%run_scoped3A : memref<!tpu.dma_semaphore, #tpu.memory_space<semaphore_mem>>) src(%arg6 : memref<128x64xf32, #tpu.memory_space<vmem>>) dst(%dma_wait3A_29 : memref<128x64xf32, #tpu.memory_space<hbm>>)
        tpu.yield
      }) : () -> ()
    }
    %scan3A_5 = arith.constant 10 : i32
    return
  }
}

module attributes {stable_mosaic.version = 14 : i64} {
  func.func @_proj1_body(%arg0: i32, %arg1: i32, %arg2: memref<512x256xf32, #tpu.memory_space<vmem>>, %arg3: memref<1x256x128xf32, #tpu.memory_space<vmem>>, %arg4: memref<1x256x128xf32, #tpu.memory_space<vmem>>, %arg5: memref<1x1x128xf32, #tpu.memory_space<vmem>>, %arg6: memref<1x512x144xf32, #tpu.memory_space<vmem>>, %arg7: memref<1x512x128xf32, #tpu.memory_space<vmem>>) attributes {dimension_semantics = [#tpu.dimension_semantics<arbitrary>, #tpu.dimension_semantics<arbitrary>], iteration_bounds = array<i64: 4, 20>, scalar_prefetch = 0 : i64, scratch_operands = 0 : i64, tpu.core_type = #tpu.core_type<tc>, window_params = [{transform_indices = @transform_0, window_bounds = array<i64: 512, 256>}, {transform_indices = @transform_1, window_bounds = array<i64: 1, 256, 128>}, {transform_indices = @transform_2, window_bounds = array<i64: 1, 256, 128>}, {transform_indices = @transform_3, window_bounds = array<i64: 1, 1, 128>}, {transform_indices = @transform_4, window_bounds = array<i64: 1, 512, 144>}, {transform_indices = @transform_5, window_bounds = array<i64: 1, 512, 128>}]} {
    %get3A = arith.constant 0 : index
    %get3A_0 = arith.constant 0 : index
    %get3A_1 = vector.load %arg2[%get3A, %get3A_0] : memref<512x256xf32, #tpu.memory_space<vmem>>, vector<512x256xf32>
    %get3A_2 = arith.constant 0 : index
    %get3A_3 = arith.constant 0 : index
    %get3A_4 = arith.constant 0 : index
    %get3A_5 = vector.load %arg3[%get3A_2, %get3A_3, %get3A_4] : memref<1x256x128xf32, #tpu.memory_space<vmem>>, vector<1x256x128xf32>
    %get3A_6 = vector.shape_cast %get3A_5 : vector<1x256x128xf32> to vector<256x128xf32>
    %dot_general3A = arith.constant dense<0.000000e+00> : vector<512x128xf32>
    %dot_general3A_7 = tpu.matmul %get3A_1, %get3A_6, %dot_general3A {dimension_numbers = #tpu.dot_dimension_numbers<[1], [0], [0], [1], [0, 0, 1, 1], [], []>, transpose_lhs_hint = false} : vector<512x256xf32>, vector<256x128xf32>, vector<512x128xf32> -> vector<512x128xf32>
    %swap3A = arith.constant 0 : index
    %swap3A_8 = arith.constant 0 : index
    %swap3A_9 = arith.constant 0 : index
    %swap3A_10 = vector.load %arg6[%swap3A, %swap3A_8, %swap3A_9] : memref<1x512x144xf32, #tpu.memory_space<vmem>>, vector<1x512x128xf32>
    %swap3A_11 = vector.shape_cast %swap3A_10 : vector<1x512x128xf32> to vector<512x128xf32>
    %swap3A_12 = vector.shape_cast %dot_general3A_7 : vector<512x128xf32> to vector<1x512x128xf32>
    tpu.vector_store %arg6[%swap3A, %swap3A_8, %swap3A_9], %swap3A_12 {strides = array<i32>} : memref<1x512x144xf32, #tpu.memory_space<vmem>>, vector<1x512x128xf32>,
    %iota3A = tpu.iota {dimensions = array<i32: 1>} : vector<512x16xi32>
    %eq3A = arith.constant 0 : i32
    %eq3A_13 = vector.broadcast %eq3A : i32 to vector<512x16xi32>
    %eq3A_14 = arith.cmpi eq, %iota3A, %eq3A_13 : vector<512x16xi32>
    %jit3A = arith.constant 1.000000e+00 : f32
    %jit3A_15 = arith.constant 0.000000e+00 : f32
    %broadcast_in_dim3A = vector.broadcast %jit3A : f32 to vector<512x16xf32>
    %broadcast_in_dim3A_16 = vector.broadcast %jit3A_15 : f32 to vector<512x16xf32>
    %select_n3A = arith.select %eq3A_14, %broadcast_in_dim3A, %broadcast_in_dim3A_16 : vector<512x16xi1>, vector<512x16xf32>
    %swap3A_17 = arith.constant 0 : index
    %swap3A_18 = arith.constant 0 : index
    %swap3A_19 = arith.constant 128 : index
    %swap3A_20 = vector.load %arg6[%swap3A_17, %swap3A_18, %swap3A_19] : memref<1x512x144xf32, #tpu.memory_space<vmem>>, vector<1x512x16xf32>
    %swap3A_21 = vector.shape_cast %swap3A_20 : vector<1x512x16xf32> to vector<512x16xf32>
    %swap3A_22 = vector.shape_cast %select_n3A : vector<512x16xf32> to vector<1x512x16xf32>
    tpu.vector_store %arg6[%swap3A_17, %swap3A_18, %swap3A_19], %swap3A_22 {strides = array<i32>} : memref<1x512x144xf32, #tpu.memory_space<vmem>>, vector<1x512x16xf32>,
    %get3A_23 = arith.constant 0 : index
    %get3A_24 = arith.constant 0 : index
    %get3A_25 = arith.constant 0 : index
    %get3A_26 = vector.load %arg4[%get3A_23, %get3A_24, %get3A_25] : memref<1x256x128xf32, #tpu.memory_space<vmem>>, vector<1x256x128xf32>
    %get3A_27 = vector.shape_cast %get3A_26 : vector<1x256x128xf32> to vector<256x128xf32>
    %dot_general3A_28 = arith.constant dense<0.000000e+00> : vector<512x128xf32>
    %dot_general3A_29 = tpu.matmul %get3A_1, %get3A_27, %dot_general3A_28 {dimension_numbers = #tpu.dot_dimension_numbers<[1], [0], [0], [1], [0, 0, 1, 1], [], []>, transpose_lhs_hint = false} : vector<512x256xf32>, vector<256x128xf32>, vector<512x128xf32> -> vector<512x128xf32>
    %get3A_30 = arith.constant 0 : index
    %get3A_31 = arith.constant 0 : index
    %get3A_32 = arith.constant 0 : index
    %get3A_33 = vector.load %arg5[%get3A_30, %get3A_31, %get3A_32] : memref<1x1x128xf32, #tpu.memory_space<vmem>>, vector<1x1x128xf32>
    %get3A_34 = vector.shape_cast %get3A_33 : vector<1x1x128xf32> to vector<1x128xf32>
    %add3A = vector.broadcast %get3A_34 : vector<1x128xf32> to vector<512x128xf32>
    %add3A_35 = arith.addf %dot_general3A_29, %add3A : vector<512x128xf32>
    %swap3A_36 = arith.constant 0 : index
    %swap3A_37 = arith.constant 0 : index
    %swap3A_38 = arith.constant 0 : index
    %swap3A_39 = vector.load %arg7[%swap3A_36, %swap3A_37, %swap3A_38] : memref<1x512x128xf32, #tpu.memory_space<vmem>>, vector<1x512x128xf32>
    %swap3A_40 = vector.shape_cast %swap3A_39 : vector<1x512x128xf32> to vector<512x128xf32>
    %swap3A_41 = vector.shape_cast %add3A_35 : vector<512x128xf32> to vector<1x512x128xf32>
    tpu.vector_store %arg7[%swap3A_36, %swap3A_37, %swap3A_38], %swap3A_41 {strides = array<i32>} : memref<1x512x128xf32, #tpu.memory_space<vmem>>, vector<1x512x128xf32>,
    return
  }
  func.func @transform_0(%arg0: i32, %arg1: i32) -> (i32, i32) {
    %c0_i32 = arith.constant 0 : i32
    %c0_i32_0 = arith.constant 0 : i32
    return %arg1, %c0_i32 : i32, i32
  }
  func.func @transform_1(%arg0: i32, %arg1: i32) -> (i32, i32, i32) {
    %c0_i32 = arith.constant 0 : i32
    %c0_i32_0 = arith.constant 0 : i32
    %c0_i32_1 = arith.constant 0 : i32
    return %arg0, %c0_i32, %c0_i32_0 : i32, i32, i32
  }
  func.func @transform_2(%arg0: i32, %arg1: i32) -> (i32, i32, i32) {
    %c0_i32 = arith.constant 0 : i32
    %c0_i32_0 = arith.constant 0 : i32
    %c0_i32_1 = arith.constant 0 : i32
    return %arg0, %c0_i32, %c0_i32_0 : i32, i32, i32
  }
  func.func @transform_3(%arg0: i32, %arg1: i32) -> (i32, i32, i32) {
    %c0_i32 = arith.constant 0 : i32
    %c0_i32_0 = arith.constant 0 : i32
    %c0_i32_1 = arith.constant 0 : i32
    return %arg0, %c0_i32, %c0_i32_0 : i32, i32, i32
  }
  func.func @transform_4(%arg0: i32, %arg1: i32) -> (i32, i32, i32) {
    %c0_i32 = arith.constant 0 : i32
    %c0_i32_0 = arith.constant 0 : i32
    return %arg0, %arg1, %c0_i32 : i32, i32, i32
  }
  func.func @transform_5(%arg0: i32, %arg1: i32) -> (i32, i32, i32) {
    %c0_i32 = arith.constant 0 : i32
    %c0_i32_0 = arith.constant 0 : i32
    return %arg0, %arg1, %c0_i32 : i32, i32, i32
  }
}

module attributes {stable_mosaic.version = 14 : i64} {
  func.func @body(%arg0: i32, %arg1: memref<4x512x144xf32, #tpu.memory_space<vmem>>, %arg2: memref<4x512x128xf32, #tpu.memory_space<vmem>>, %arg3: memref<128x128xf32, #tpu.memory_space<vmem>>, %arg4: memref<1x128xf32, #tpu.memory_space<vmem>>, %arg5: memref<128x1xf32, #tpu.memory_space<vmem>>, %arg6: memref<512x4x128xf32, #tpu.memory_space<vmem>>, %arg7: memref<1x4xf32, #tpu.memory_space<vmem>>) attributes {dimension_semantics = [#tpu.dimension_semantics<arbitrary>], iteration_bounds = array<i64: 20>, scalar_prefetch = 0 : i64, scratch_operands = 0 : i64, tpu.core_type = #tpu.core_type<tc>, window_params = [{transform_indices = @transform_0, window_bounds = array<i64: 4, 512, 144>}, {transform_indices = @transform_1, window_bounds = array<i64: 4, 512, 128>}, {pipeline_mode = #tpu.pipeline_mode<synchronous>, transform_indices = @transform_2, window_bounds = array<i64: 128, 128>}, {pipeline_mode = #tpu.pipeline_mode<synchronous>, transform_indices = @transform_3, window_bounds = array<i64: 1, 128>}, {pipeline_mode = #tpu.pipeline_mode<synchronous>, transform_indices = @transform_4, window_bounds = array<i64: 128, 1>}, {transform_indices = @transform_5, window_bounds = array<i64: 512, 4, 128>}, {pipeline_mode = #tpu.pipeline_mode<synchronous>, transform_indices = @transform_6, window_bounds = array<i64: 1, 4>}]} {
    %eq3A = arith.constant 0 : i32
    %eq3A_0 = arith.cmpi eq, %arg0, %eq3A : i32
    %convert_element_type3A = arith.extui %eq3A_0 : i1 to i32
    %cond3A = arith.constant 0 : i32
    %cond3A_1 = arith.cmpi ne, %convert_element_type3A, %cond3A : i32
    scf.if %cond3A_1 {
      %broadcast_in_dim3A_184 = arith.constant 0.000000e+00 : f32
      %broadcast_in_dim3A_185 = vector.broadcast %broadcast_in_dim3A_184 : f32 to vector<1x4xf32>
      %swap3A_186 = arith.constant 0 : index
      %swap3A_187 = arith.constant 0 : index
      %swap3A_188 = vector.load %arg7[%swap3A_186, %swap3A_187] : memref<1x4xf32, #tpu.memory_space<vmem>>, vector<1x4xf32>
      tpu.vector_store %arg7[%swap3A_186, %swap3A_187], %broadcast_in_dim3A_185 {strides = array<i32>} : memref<1x4xf32, #tpu.memory_space<vmem>>, vector<1x4xf32>,
    } else {
    }
    %mul3A = arith.constant 512 : i32
    %mul3A_2 = arith.muli %arg0, %mul3A : i32
    %iota3A = tpu.iota {dimensions = array<i32: 0>} : vector<512x1xi32>
    %add3A = vector.broadcast %mul3A_2 : i32 to vector<512x1xi32>
    %add3A_3 = arith.addi %add3A, %iota3A : vector<512x1xi32>
    %lt3A = arith.constant 10000 : i32
    %lt3A_4 = vector.broadcast %lt3A : i32 to vector<512x1xi32>
    %lt3A_5 = arith.cmpi slt, %add3A_3, %lt3A_4 : vector<512x1xi32>
    %get3A = arith.constant 0 : index
    %get3A_6 = arith.constant 0 : index
    %get3A_7 = vector.load %arg3[%get3A, %get3A_6] : memref<128x128xf32, #tpu.memory_space<vmem>>, vector<128x128xf32>
    %get3A_8 = arith.constant 0 : index
    %get3A_9 = arith.constant 0 : index
    %get3A_10 = vector.load %arg4[%get3A_8, %get3A_9] : memref<1x128xf32, #tpu.memory_space<vmem>>, vector<1x128xf32>
    %get3A_11 = arith.constant 0 : index
    %get3A_12 = arith.constant 0 : index
    %get3A_13 = vector.load %arg5[%get3A_11, %get3A_12] : memref<128x1xf32, #tpu.memory_space<vmem>>, vector<128x1xf32>
    %get3A_14 = arith.constant 0 : index
    %get3A_15 = arith.constant 0 : index
    %get3A_16 = arith.constant 128 : index
    %get3A_17 = vector.load %arg1[%get3A_14, %get3A_15, %get3A_16] : memref<4x512x144xf32, #tpu.memory_space<vmem>>, vector<1x512x1xf32>
    %get3A_18 = vector.shape_cast %get3A_17 : vector<1x512x1xf32> to vector<512x1xf32>
    %get3A_19 = arith.constant 0 : index
    %get3A_20 = arith.constant 0 : index
    %get3A_21 = arith.constant 0 : index
    %get3A_22 = vector.load %arg1[%get3A_19, %get3A_20, %get3A_21] : memref<4x512x144xf32, #tpu.memory_space<vmem>>, vector<1x512x128xf32>
    %get3A_23 = vector.shape_cast %get3A_22 : vector<1x512x128xf32> to vector<512x128xf32>
    %max3A = arith.constant 1.000000e+00 : f32
    %max3A_24 = vector.broadcast %max3A : f32 to vector<512x1xf32>
    %max3A_25 = arith.maximumf %get3A_18, %max3A_24 : vector<512x1xf32>
    %div3A = vector.broadcast %max3A_25 : vector<512x1xf32> to vector<512x128xf32>
    %div3A_26 = arith.divf %get3A_23, %div3A : vector<512x128xf32>
    %get3A_27 = arith.constant 0 : index
    %get3A_28 = arith.constant 0 : index
    %get3A_29 = arith.constant 0 : index
    %get3A_30 = vector.load %arg2[%get3A_27, %get3A_28, %get3A_29] : memref<4x512x128xf32, #tpu.memory_space<vmem>>, vector<1x512x128xf32>
    %get3A_31 = vector.shape_cast %get3A_30 : vector<1x512x128xf32> to vector<512x128xf32>
    %add3A_32 = arith.addf %div3A_26, %get3A_31 : vector<512x128xf32>
    %swap3A = arith.constant 0 : index
    %swap3A_33 = arith.constant 0 : index
    %swap3A_34 = arith.constant 0 : index
    %swap3A_35 = vector.load %arg6[%swap3A, %swap3A_33, %swap3A_34] : memref<512x4x128xf32, #tpu.memory_space<vmem>>, vector<512x1x128xf32>
    %swap3A_36 = vector.shape_cast %swap3A_35 : vector<512x1x128xf32> to vector<512x128xf32>
    %swap3A_37 = vector.shape_cast %add3A_32 : vector<512x128xf32> to vector<512x1x128xf32>
    tpu.vector_store %arg6[%swap3A, %swap3A_33, %swap3A_34], %swap3A_37 {strides = array<i32>} : memref<512x4x128xf32, #tpu.memory_space<vmem>>, vector<512x1x128xf32>,
    %dot_general3A = arith.constant dense<0.000000e+00> : vector<512x128xf32>
    %dot_general3A_38 = tpu.matmul %add3A_32, %get3A_7, %dot_general3A {dimension_numbers = #tpu.dot_dimension_numbers<[1], [0], [0], [1], [0, 0, 1, 1], [], []>, transpose_lhs_hint = false} : vector<512x128xf32>, vector<128x128xf32>, vector<512x128xf32> -> vector<512x128xf32>
    %add3A_39 = vector.broadcast %get3A_10 : vector<1x128xf32> to vector<512x128xf32>
    %add3A_40 = arith.addf %dot_general3A_38, %add3A_39 : vector<512x128xf32>
    %tanh3A = math.tanh %add3A_40 : vector<512x128xf32>
    %dot_general3A_41 = arith.constant dense<0.000000e+00> : vector<512x1xf32>
    %dot_general3A_42 = tpu.matmul %tanh3A, %get3A_13, %dot_general3A_41 {dimension_numbers = #tpu.dot_dimension_numbers<[1], [0], [0], [1], [0, 0, 1, 1], [], []>, transpose_lhs_hint = false} : vector<512x128xf32>, vector<128x1xf32>, vector<512x1xf32> -> vector<512x1xf32>
    %jit3A = arith.constant 0.000000e+00 : f32
    %broadcast_in_dim3A = vector.broadcast %jit3A : f32 to vector<512x1xf32>
    %select_n3A = arith.select %lt3A_5, %dot_general3A_42, %broadcast_in_dim3A : vector<512x1xi1>, vector<512x1xf32>
    %reduce_sum3A = vector.shape_cast %select_n3A : vector<512x1xf32> to vector<1x512x1xf32>
    %reduce_sum3A_43 = arith.constant dense<0.000000e+00> : vector<1xf32>
    %reduce_sum3A_44 = vector.multi_reduction <add>, %reduce_sum3A, %reduce_sum3A_43 [1, 2] : vector<1x512x1xf32> to vector<1xf32>
    %reduce_sum3A_45 = vector.shape_cast %reduce_sum3A_44 : vector<1xf32> to vector<1x1x1xf32>
    %reduce_sum3A_46 = vector.extract %reduce_sum3A_45[0, 0, 0] : f32 from vector<1x1x1xf32>
    %get3A_47 = arith.constant 1 : index
    %get3A_48 = arith.constant 0 : index
    %get3A_49 = arith.constant 128 : index
    %get3A_50 = vector.load %arg1[%get3A_47, %get3A_48, %get3A_49] : memref<4x512x144xf32, #tpu.memory_space<vmem>>, vector<1x512x1xf32>
    %get3A_51 = vector.shape_cast %get3A_50 : vector<1x512x1xf32> to vector<512x1xf32>
    %get3A_52 = arith.constant 1 : index
    %get3A_53 = arith.constant 0 : index
    %get3A_54 = arith.constant 0 : index
    %get3A_55 = vector.load %arg1[%get3A_52, %get3A_53, %get3A_54] : memref<4x512x144xf32, #tpu.memory_space<vmem>>, vector<1x512x128xf32>
    %get3A_56 = vector.shape_cast %get3A_55 : vector<1x512x128xf32> to vector<512x128xf32>
    %max3A_57 = arith.constant 1.000000e+00 : f32
    %max3A_58 = vector.broadcast %max3A_57 : f32 to vector<512x1xf32>
    %max3A_59 = arith.maximumf %get3A_51, %max3A_58 : vector<512x1xf32>
    %div3A_60 = vector.broadcast %max3A_59 : vector<512x1xf32> to vector<512x128xf32>
    %div3A_61 = arith.divf %get3A_56, %div3A_60 : vector<512x128xf32>
    %get3A_62 = arith.constant 1 : index
    %get3A_63 = arith.constant 0 : index
    %get3A_64 = arith.constant 0 : index
    %get3A_65 = vector.load %arg2[%get3A_62, %get3A_63, %get3A_64] : memref<4x512x128xf32, #tpu.memory_space<vmem>>, vector<1x512x128xf32>
    %get3A_66 = vector.shape_cast %get3A_65 : vector<1x512x128xf32> to vector<512x128xf32>
    %add3A_67 = arith.addf %div3A_61, %get3A_66 : vector<512x128xf32>
    %swap3A_68 = arith.constant 0 : index
    %swap3A_69 = arith.constant 1 : index
    %swap3A_70 = arith.constant 0 : index
    %swap3A_71 = vector.load %arg6[%swap3A_68, %swap3A_69, %swap3A_70] : memref<512x4x128xf32, #tpu.memory_space<vmem>>, vector<512x1x128xf32>
    %swap3A_72 = vector.shape_cast %swap3A_71 : vector<512x1x128xf32> to vector<512x128xf32>
    %swap3A_73 = vector.shape_cast %add3A_67 : vector<512x128xf32> to vector<512x1x128xf32>
    tpu.vector_store %arg6[%swap3A_68, %swap3A_69, %swap3A_70], %swap3A_73 {strides = array<i32>} : memref<512x4x128xf32, #tpu.memory_space<vmem>>, vector<512x1x128xf32>,
    %dot_general3A_74 = arith.constant dense<0.000000e+00> : vector<512x128xf32>
    %dot_general3A_75 = tpu.matmul %add3A_67, %get3A_7, %dot_general3A_74 {dimension_numbers = #tpu.dot_dimension_numbers<[1], [0], [0], [1], [0, 0, 1, 1], [], []>, transpose_lhs_hint = false} : vector<512x128xf32>, vector<128x128xf32>, vector<512x128xf32> -> vector<512x128xf32>
    %add3A_76 = vector.broadcast %get3A_10 : vector<1x128xf32> to vector<512x128xf32>
    %add3A_77 = arith.addf %dot_general3A_75, %add3A_76 : vector<512x128xf32>
    %tanh3A_78 = math.tanh %add3A_77 : vector<512x128xf32>
    %dot_general3A_79 = arith.constant dense<0.000000e+00> : vector<512x1xf32>
    %dot_general3A_80 = tpu.matmul %tanh3A_78, %get3A_13, %dot_general3A_79 {dimension_numbers = #tpu.dot_dimension_numbers<[1], [0], [0], [1], [0, 0, 1, 1], [], []>, transpose_lhs_hint = false} : vector<512x128xf32>, vector<128x1xf32>, vector<512x1xf32> -> vector<512x1xf32>
    %jit3A_81 = arith.constant 0.000000e+00 : f32
    %broadcast_in_dim3A_82 = vector.broadcast %jit3A_81 : f32 to vector<512x1xf32>
    %select_n3A_83 = arith.select %lt3A_5, %dot_general3A_80, %broadcast_in_dim3A_82 : vector<512x1xi1>, vector<512x1xf32>
    %reduce_sum3A_84 = vector.shape_cast %select_n3A_83 : vector<512x1xf32> to vector<1x512x1xf32>
    %reduce_sum3A_85 = arith.constant dense<0.000000e+00> : vector<1xf32>
    %reduce_sum3A_86 = vector.multi_reduction <add>, %reduce_sum3A_84, %reduce_sum3A_85 [1, 2] : vector<1x512x1xf32> to vector<1xf32>
    %reduce_sum3A_87 = vector.shape_cast %reduce_sum3A_86 : vector<1xf32> to vector<1x1x1xf32>
    %reduce_sum3A_88 = vector.extract %reduce_sum3A_87[0, 0, 0] : f32 from vector<1x1x1xf32>
    %get3A_89 = arith.constant 2 : index
    %get3A_90 = arith.constant 0 : index
    %get3A_91 = arith.constant 128 : index
    %get3A_92 = vector.load %arg1[%get3A_89, %get3A_90, %get3A_91] : memref<4x512x144xf32, #tpu.memory_space<vmem>>, vector<1x512x1xf32>
    %get3A_93 = vector.shape_cast %get3A_92 : vector<1x512x1xf32> to vector<512x1xf32>
    %get3A_94 = arith.constant 2 : index
    %get3A_95 = arith.constant 0 : index
    %get3A_96 = arith.constant 0 : index
    %get3A_97 = vector.load %arg1[%get3A_94, %get3A_95, %get3A_96] : memref<4x512x144xf32, #tpu.memory_space<vmem>>, vector<1x512x128xf32>
    %get3A_98 = vector.shape_cast %get3A_97 : vector<1x512x128xf32> to vector<512x128xf32>
    %max3A_99 = arith.constant 1.000000e+00 : f32
    %max3A_100 = vector.broadcast %max3A_99 : f32 to vector<512x1xf32>
    %max3A_101 = arith.maximumf %get3A_93, %max3A_100 : vector<512x1xf32>
    %div3A_102 = vector.broadcast %max3A_101 : vector<512x1xf32> to vector<512x128xf32>
    %div3A_103 = arith.divf %get3A_98, %div3A_102 : vector<512x128xf32>
    %get3A_104 = arith.constant 2 : index
    %get3A_105 = arith.constant 0 : index
    %get3A_106 = arith.constant 0 : index
    %get3A_107 = vector.load %arg2[%get3A_104, %get3A_105, %get3A_106] : memref<4x512x128xf32, #tpu.memory_space<vmem>>, vector<1x512x128xf32>
    %get3A_108 = vector.shape_cast %get3A_107 : vector<1x512x128xf32> to vector<512x128xf32>
    %add3A_109 = arith.addf %div3A_103, %get3A_108 : vector<512x128xf32>
    %swap3A_110 = arith.constant 0 : index
    %swap3A_111 = arith.constant 2 : index
    %swap3A_112 = arith.constant 0 : index
    %swap3A_113 = vector.load %arg6[%swap3A_110, %swap3A_111, %swap3A_112] : memref<512x4x128xf32, #tpu.memory_space<vmem>>, vector<512x1x128xf32>
    %swap3A_114 = vector.shape_cast %swap3A_113 : vector<512x1x128xf32> to vector<512x128xf32>
    %swap3A_115 = vector.shape_cast %add3A_109 : vector<512x128xf32> to vector<512x1x128xf32>
    tpu.vector_store %arg6[%swap3A_110, %swap3A_111, %swap3A_112], %swap3A_115 {strides = array<i32>} : memref<512x4x128xf32, #tpu.memory_space<vmem>>, vector<512x1x128xf32>,
    %dot_general3A_116 = arith.constant dense<0.000000e+00> : vector<512x128xf32>
    %dot_general3A_117 = tpu.matmul %add3A_109, %get3A_7, %dot_general3A_116 {dimension_numbers = #tpu.dot_dimension_numbers<[1], [0], [0], [1], [0, 0, 1, 1], [], []>, transpose_lhs_hint = false} : vector<512x128xf32>, vector<128x128xf32>, vector<512x128xf32> -> vector<512x128xf32>
    %add3A_118 = vector.broadcast %get3A_10 : vector<1x128xf32> to vector<512x128xf32>
    %add3A_119 = arith.addf %dot_general3A_117, %add3A_118 : vector<512x128xf32>
    %tanh3A_120 = math.tanh %add3A_119 : vector<512x128xf32>
    %dot_general3A_121 = arith.constant dense<0.000000e+00> : vector<512x1xf32>
    %dot_general3A_122 = tpu.matmul %tanh3A_120, %get3A_13, %dot_general3A_121 {dimension_numbers = #tpu.dot_dimension_numbers<[1], [0], [0], [1], [0, 0, 1, 1], [], []>, transpose_lhs_hint = false} : vector<512x128xf32>, vector<128x1xf32>, vector<512x1xf32> -> vector<512x1xf32>
    %jit3A_123 = arith.constant 0.000000e+00 : f32
    %broadcast_in_dim3A_124 = vector.broadcast %jit3A_123 : f32 to vector<512x1xf32>
    %select_n3A_125 = arith.select %lt3A_5, %dot_general3A_122, %broadcast_in_dim3A_124 : vector<512x1xi1>, vector<512x1xf32>
    %reduce_sum3A_126 = vector.shape_cast %select_n3A_125 : vector<512x1xf32> to vector<1x512x1xf32>
    %reduce_sum3A_127 = arith.constant dense<0.000000e+00> : vector<1xf32>
    %reduce_sum3A_128 = vector.multi_reduction <add>, %reduce_sum3A_126, %reduce_sum3A_127 [1, 2] : vector<1x512x1xf32> to vector<1xf32>
    %reduce_sum3A_129 = vector.shape_cast %reduce_sum3A_128 : vector<1xf32> to vector<1x1x1xf32>
    %reduce_sum3A_130 = vector.extract %reduce_sum3A_129[0, 0, 0] : f32 from vector<1x1x1xf32>
    %get3A_131 = arith.constant 3 : index
    %get3A_132 = arith.constant 0 : index
    %get3A_133 = arith.constant 128 : index
    %get3A_134 = vector.load %arg1[%get3A_131, %get3A_132, %get3A_133] : memref<4x512x144xf32, #tpu.memory_space<vmem>>, vector<1x512x1xf32>
    %get3A_135 = vector.shape_cast %get3A_134 : vector<1x512x1xf32> to vector<512x1xf32>
    %get3A_136 = arith.constant 3 : index
    %get3A_137 = arith.constant 0 : index
    %get3A_138 = arith.constant 0 : index
    %get3A_139 = vector.load %arg1[%get3A_136, %get3A_137, %get3A_138] : memref<4x512x144xf32, #tpu.memory_space<vmem>>, vector<1x512x128xf32>
    %get3A_140 = vector.shape_cast %get3A_139 : vector<1x512x128xf32> to vector<512x128xf32>
    %max3A_141 = arith.constant 1.000000e+00 : f32
    %max3A_142 = vector.broadcast %max3A_141 : f32 to vector<512x1xf32>
    %max3A_143 = arith.maximumf %get3A_135, %max3A_142 : vector<512x1xf32>
    %div3A_144 = vector.broadcast %max3A_143 : vector<512x1xf32> to vector<512x128xf32>
    %div3A_145 = arith.divf %get3A_140, %div3A_144 : vector<512x128xf32>
    %get3A_146 = arith.constant 3 : index
    %get3A_147 = arith.constant 0 : index
    %get3A_148 = arith.constant 0 : index
    %get3A_149 = vector.load %arg2[%get3A_146, %get3A_147, %get3A_148] : memref<4x512x128xf32, #tpu.memory_space<vmem>>, vector<1x512x128xf32>
    %get3A_150 = vector.shape_cast %get3A_149 : vector<1x512x128xf32> to vector<512x128xf32>
    %add3A_151 = arith.addf %div3A_145, %get3A_150 : vector<512x128xf32>
    %swap3A_152 = arith.constant 0 : index
    %swap3A_153 = arith.constant 3 : index
    %swap3A_154 = arith.constant 0 : index
    %swap3A_155 = vector.load %arg6[%swap3A_152, %swap3A_153, %swap3A_154] : memref<512x4x128xf32, #tpu.memory_space<vmem>>, vector<512x1x128xf32>
    %swap3A_156 = vector.shape_cast %swap3A_155 : vector<512x1x128xf32> to vector<512x128xf32>
    %swap3A_157 = vector.shape_cast %add3A_151 : vector<512x128xf32> to vector<512x1x128xf32>
    tpu.vector_store %arg6[%swap3A_152, %swap3A_153, %swap3A_154], %swap3A_157 {strides = array<i32>} : memref<512x4x128xf32, #tpu.memory_space<vmem>>, vector<512x1x128xf32>,
    %dot_general3A_158 = arith.constant dense<0.000000e+00> : vector<512x128xf32>
    %dot_general3A_159 = tpu.matmul %add3A_151, %get3A_7, %dot_general3A_158 {dimension_numbers = #tpu.dot_dimension_numbers<[1], [0], [0], [1], [0, 0, 1, 1], [], []>, transpose_lhs_hint = false} : vector<512x128xf32>, vector<128x128xf32>, vector<512x128xf32> -> vector<512x128xf32>
    %add3A_160 = vector.broadcast %get3A_10 : vector<1x128xf32> to vector<512x128xf32>
    %add3A_161 = arith.addf %dot_general3A_159, %add3A_160 : vector<512x128xf32>
    %tanh3A_162 = math.tanh %add3A_161 : vector<512x128xf32>
    %dot_general3A_163 = arith.constant dense<0.000000e+00> : vector<512x1xf32>
    %dot_general3A_164 = tpu.matmul %tanh3A_162, %get3A_13, %dot_general3A_163 {dimension_numbers = #tpu.dot_dimension_numbers<[1], [0], [0], [1], [0, 0, 1, 1], [], []>, transpose_lhs_hint = false} : vector<512x128xf32>, vector<128x1xf32>, vector<512x1xf32> -> vector<512x1xf32>
    %jit3A_165 = arith.constant 0.000000e+00 : f32
    %broadcast_in_dim3A_166 = vector.broadcast %jit3A_165 : f32 to vector<512x1xf32>
    %select_n3A_167 = arith.select %lt3A_5, %dot_general3A_164, %broadcast_in_dim3A_166 : vector<512x1xi1>, vector<512x1xf32>
    %reduce_sum3A_168 = vector.shape_cast %select_n3A_167 : vector<512x1xf32> to vector<1x512x1xf32>
    %reduce_sum3A_169 = arith.constant dense<0.000000e+00> : vector<1xf32>
    %reduce_sum3A_170 = vector.multi_reduction <add>, %reduce_sum3A_168, %reduce_sum3A_169 [1, 2] : vector<1x512x1xf32> to vector<1xf32>
    %reduce_sum3A_171 = vector.shape_cast %reduce_sum3A_170 : vector<1xf32> to vector<1x1x1xf32>
    %reduce_sum3A_172 = vector.extract %reduce_sum3A_171[0, 0, 0] : f32 from vector<1x1x1xf32>
    %get3A_173 = arith.constant 0 : index
    %get3A_174 = arith.constant 0 : index
    %get3A_175 = vector.load %arg7[%get3A_173, %get3A_174] : memref<1x4xf32, #tpu.memory_space<vmem>>, vector<1x4xf32>
    %stack3A = vector.broadcast %reduce_sum3A_46 : f32 to vector<1xf32>
    %stack3A_176 = vector.broadcast %reduce_sum3A_88 : f32 to vector<1xf32>
    %stack3A_177 = vector.broadcast %reduce_sum3A_130 : f32 to vector<1xf32>
    %stack3A_178 = vector.broadcast %reduce_sum3A_172 : f32 to vector<1xf32>
    %stack3A_179 = tpu.concatenate %stack3A, %stack3A_176, %stack3A_177, %stack3A_178 in 0 : vector<1xf32>, vector<1xf32>, vector<1xf32>, vector<1xf32> -> vector<4xf32>
    %reshape3A = vector.shape_cast %stack3A_179 : vector<4xf32> to vector<1x4xf32>
    %add3A_180 = arith.addf %get3A_175, %reshape3A : vector<1x4xf32>
    %swap3A_181 = arith.constant 0 : index
    %swap3A_182 = arith.constant 0 : index
    %swap3A_183 = vector.load %arg7[%swap3A_181, %swap3A_182] : memref<1x4xf32, #tpu.memory_space<vmem>>, vector<1x4xf32>
    tpu.vector_store %arg7[%swap3A_181, %swap3A_182], %add3A_180 {strides = array<i32>} : memref<1x4xf32, #tpu.memory_space<vmem>>, vector<1x4xf32>,
    return
  }
  func.func @transform_0(%arg0: i32) -> (i32, i32, i32) {
    %c0_i32 = arith.constant 0 : i32
    %c0_i32_0 = arith.constant 0 : i32
    %c0_i32_1 = arith.constant 0 : i32
    return %c0_i32, %arg0, %c0_i32_0 : i32, i32, i32
  }
  func.func @transform_1(%arg0: i32) -> (i32, i32, i32) {
    %c0_i32 = arith.constant 0 : i32
    %c0_i32_0 = arith.constant 0 : i32
    %c0_i32_1 = arith.constant 0 : i32
    return %c0_i32, %arg0, %c0_i32_0 : i32, i32, i32
  }
  func.func @transform_2(%arg0: i32) -> (i32, i32) {
    %c0_i32 = arith.constant 0 : i32
    %c0_i32_0 = arith.constant 0 : i32
    %c0_i32_1 = arith.constant 0 : i32
    return %c0_i32, %c0_i32_0 : i32, i32
  }
  func.func @transform_3(%arg0: i32) -> (i32, i32) {
    %c0_i32 = arith.constant 0 : i32
    %c0_i32_0 = arith.constant 0 : i32
    %c0_i32_1 = arith.constant 0 : i32
    return %c0_i32, %c0_i32_0 : i32, i32
  }
  func.func @transform_4(%arg0: i32) -> (i32, i32) {
    %c0_i32 = arith.constant 0 : i32
    %c0_i32_0 = arith.constant 0 : i32
    %c0_i32_1 = arith.constant 0 : i32
    return %c0_i32, %c0_i32_0 : i32, i32
  }
  func.func @transform_5(%arg0: i32) -> (i32, i32, i32) {
    %c0_i32 = arith.constant 0 : i32
    %c0_i32_0 = arith.constant 0 : i32
    %c0_i32_1 = arith.constant 0 : i32
    return %arg0, %c0_i32, %c0_i32_0 : i32, i32, i32
  }
  func.func @transform_6(%arg0: i32) -> (i32, i32) {
    %c0_i32 = arith.constant 0 : i32
    %c0_i32_0 = arith.constant 0 : i32
    %c0_i32_1 = arith.constant 0 : i32
    return %c0_i32, %c0_i32_0 : i32, i32
  }
}

module attributes {stable_mosaic.version = 14 : i64} {
  func.func @_combine2_body(%arg0: i32, %arg1: memref<512x4x128xf32, #tpu.memory_space<vmem>>, %arg2: memref<1x4xf32, #tpu.memory_space<vmem>>, %arg3: memref<4x128x64xf32, #tpu.memory_space<vmem>>, %arg4: memref<4x128x64xf32, #tpu.memory_space<vmem>>, %arg5: memref<4x1x64xf32, #tpu.memory_space<vmem>>, %arg6: memref<4x512x80xf32, #tpu.memory_space<vmem>>, %arg7: memref<4x512x64xf32, #tpu.memory_space<vmem>>) attributes {dimension_semantics = [#tpu.dimension_semantics<arbitrary>], iteration_bounds = array<i64: 20>, scalar_prefetch = 0 : i64, scratch_operands = 0 : i64, tpu.core_type = #tpu.core_type<tc>, window_params = [{transform_indices = @transform_0, window_bounds = array<i64: 512, 4, 128>}, {pipeline_mode = #tpu.pipeline_mode<synchronous>, transform_indices = @transform_1, window_bounds = array<i64: 1, 4>}, {pipeline_mode = #tpu.pipeline_mode<synchronous>, transform_indices = @transform_2, window_bounds = array<i64: 4, 128, 64>}, {pipeline_mode = #tpu.pipeline_mode<synchronous>, transform_indices = @transform_3, window_bounds = array<i64: 4, 128, 64>}, {pipeline_mode = #tpu.pipeline_mode<synchronous>, transform_indices = @transform_4, window_bounds = array<i64: 4, 1, 64>}, {transform_indices = @transform_5, window_bounds = array<i64: 4, 512, 80>}, {transform_indices = @transform_6, window_bounds = array<i64: 4, 512, 64>}]} {
    %get3A = arith.constant 0 : index
    %get3A_0 = arith.constant 0 : index
    %get3A_1 = vector.load %arg2[%get3A, %get3A_0] : memref<1x4xf32, #tpu.memory_space<vmem>>, vector<1x4xf32>
    %div3A = arith.constant 1.000000e+04 : f32
    %div3A_2 = vector.broadcast %div3A : f32 to vector<1x4xf32>
    %div3A_3 = arith.divf %get3A_1, %div3A_2 : vector<1x4xf32>
    %reduce_max3A = arith.constant dense<0xFF800000> : vector<1xf32>
    %reduce_max3A_4 = vector.multi_reduction <maximumf>, %div3A_3, %reduce_max3A [1] : vector<1x4xf32> to vector<1xf32>
    %broadcast_in_dim3A = vector.shape_cast %reduce_max3A_4 : vector<1xf32> to vector<1x1xf32>
    %sub3A = vector.broadcast %broadcast_in_dim3A : vector<1x1xf32> to vector<1x4xf32>
    %sub3A_5 = arith.subf %div3A_3, %sub3A : vector<1x4xf32>
    %exp3A = math.exp %sub3A_5 : vector<1x4xf32>
    %reduce_sum3A = arith.constant dense<0.000000e+00> : vector<1xf32>
    %reduce_sum3A_6 = vector.multi_reduction <add>, %exp3A, %reduce_sum3A [1] : vector<1x4xf32> to vector<1xf32>
    %broadcast_in_dim3A_7 = vector.shape_cast %reduce_sum3A_6 : vector<1xf32> to vector<1x1xf32>
    %div3A_8 = vector.broadcast %broadcast_in_dim3A_7 : vector<1x1xf32> to vector<1x4xf32>
    %div3A_9 = arith.divf %exp3A, %div3A_8 : vector<1x4xf32>
    %get3A_10 = arith.constant 0 : index
    %get3A_11 = arith.constant 0 : index
    %get3A_12 = arith.constant 0 : index
    %get3A_13 = vector.load %arg1[%get3A_10, %get3A_11, %get3A_12] : memref<512x4x128xf32, #tpu.memory_space<vmem>>, vector<512x4x128xf32>
    %reshape3A = vector.shape_cast %div3A_9 : vector<1x4xf32> to vector<1x4x1xf32>
    %mul3A = vector.broadcast %reshape3A : vector<1x4x1xf32> to vector<512x4x128xf32>
    %mul3A_14 = arith.mulf %get3A_13, %mul3A : vector<512x4x128xf32>
    %reduce_sum3A_15 = arith.constant dense<0.000000e+00> : vector<512x128xf32>
    %reduce_sum3A_16 = vector.multi_reduction <add>, %mul3A_14, %reduce_sum3A_15 [1] : vector<512x4x128xf32> to vector<512x128xf32>
    %iota3A = tpu.iota {dimensions = array<i32: 1>} : vector<512x16xi32>
    %eq3A = arith.constant 0 : i32
    %eq3A_17 = vector.broadcast %eq3A : i32 to vector<512x16xi32>
    %eq3A_18 = arith.cmpi eq, %iota3A, %eq3A_17 : vector<512x16xi32>
    %jit3A = arith.constant 1.000000e+00 : f32
    %jit3A_19 = arith.constant 0.000000e+00 : f32
    %broadcast_in_dim3A_20 = vector.broadcast %jit3A : f32 to vector<512x16xf32>
    %broadcast_in_dim3A_21 = vector.broadcast %jit3A_19 : f32 to vector<512x16xf32>
    %select_n3A = arith.select %eq3A_18, %broadcast_in_dim3A_20, %broadcast_in_dim3A_21 : vector<512x16xi1>, vector<512x16xf32>
    %get3A_22 = arith.constant 0 : index
    %get3A_23 = arith.constant 0 : index
    %get3A_24 = arith.constant 0 : index
    %get3A_25 = vector.load %arg3[%get3A_22, %get3A_23, %get3A_24] : memref<4x128x64xf32, #tpu.memory_space<vmem>>, vector<1x128x64xf32>
    %get3A_26 = vector.shape_cast %get3A_25 : vector<1x128x64xf32> to vector<128x64xf32>
    %dot_general3A = arith.constant dense<0.000000e+00> : vector<512x64xf32>
    %dot_general3A_27 = tpu.matmul %reduce_sum3A_16, %get3A_26, %dot_general3A {dimension_numbers = #tpu.dot_dimension_numbers<[1], [0], [0], [1], [0, 0, 1, 1], [], []>, transpose_lhs_hint = false} : vector<512x128xf32>, vector<128x64xf32>, vector<512x64xf32> -> vector<512x64xf32>
    %swap3A = arith.constant 0 : index
    %swap3A_28 = arith.constant 0 : index
    %swap3A_29 = arith.constant 0 : index
    %swap3A_30 = vector.load %arg6[%swap3A, %swap3A_28, %swap3A_29] : memref<4x512x80xf32, #tpu.memory_space<vmem>>, vector<1x512x64xf32>
    %swap3A_31 = vector.shape_cast %swap3A_30 : vector<1x512x64xf32> to vector<512x64xf32>
    %swap3A_32 = vector.shape_cast %dot_general3A_27 : vector<512x64xf32> to vector<1x512x64xf32>
    tpu.vector_store %arg6[%swap3A, %swap3A_28, %swap3A_29], %swap3A_32 {strides = array<i32>} : memref<4x512x80xf32, #tpu.memory_space<vmem>>, vector<1x512x64xf32>,
    %swap3A_33 = arith.constant 0 : index
    %swap3A_34 = arith.constant 0 : index
    %swap3A_35 = arith.constant 64 : index
    %swap3A_36 = vector.load %arg6[%swap3A_33, %swap3A_34, %swap3A_35] : memref<4x512x80xf32, #tpu.memory_space<vmem>>, vector<1x512x16xf32>
    %swap3A_37 = vector.shape_cast %swap3A_36 : vector<1x512x16xf32> to vector<512x16xf32>
    %swap3A_38 = vector.shape_cast %select_n3A : vector<512x16xf32> to vector<1x512x16xf32>
    tpu.vector_store %arg6[%swap3A_33, %swap3A_34, %swap3A_35], %swap3A_38 {strides = array<i32>} : memref<4x512x80xf32, #tpu.memory_space<vmem>>, vector<1x512x16xf32>,
    %get3A_39 = arith.constant 0 : index
    %get3A_40 = arith.constant 0 : index
    %get3A_41 = arith.constant 0 : index
    %get3A_42 = vector.load %arg4[%get3A_39, %get3A_40, %get3A_41] : memref<4x128x64xf32, #tpu.memory_space<vmem>>, vector<1x128x64xf32>
    %get3A_43 = vector.shape_cast %get3A_42 : vector<1x128x64xf32> to vector<128x64xf32>
    %dot_general3A_44 = arith.constant dense<0.000000e+00> : vector<512x64xf32>
    %dot_general3A_45 = tpu.matmul %reduce_sum3A_16, %get3A_43, %dot_general3A_44 {dimension_numbers = #tpu.dot_dimension_numbers<[1], [0], [0], [1], [0, 0, 1, 1], [], []>, transpose_lhs_hint = false} : vector<512x128xf32>, vector<128x64xf32>, vector<512x64xf32> -> vector<512x64xf32>
    %get3A_46 = arith.constant 0 : index
    %get3A_47 = arith.constant 0 : index
    %get3A_48 = arith.constant 0 : index
    %get3A_49 = vector.load %arg5[%get3A_46, %get3A_47, %get3A_48] : memref<4x1x64xf32, #tpu.memory_space<vmem>>, vector<1x1x64xf32>
    %get3A_50 = vector.shape_cast %get3A_49 : vector<1x1x64xf32> to vector<1x64xf32>
    %add3A = vector.broadcast %get3A_50 : vector<1x64xf32> to vector<512x64xf32>
    %add3A_51 = arith.addf %dot_general3A_45, %add3A : vector<512x64xf32>
    %swap3A_52 = arith.constant 0 : index
    %swap3A_53 = arith.constant 0 : index
    %swap3A_54 = arith.constant 0 : index
    %swap3A_55 = vector.load %arg7[%swap3A_52, %swap3A_53, %swap3A_54] : memref<4x512x64xf32, #tpu.memory_space<vmem>>, vector<1x512x64xf32>
    %swap3A_56 = vector.shape_cast %swap3A_55 : vector<1x512x64xf32> to vector<512x64xf32>
    %swap3A_57 = vector.shape_cast %add3A_51 : vector<512x64xf32> to vector<1x512x64xf32>
    tpu.vector_store %arg7[%swap3A_52, %swap3A_53, %swap3A_54], %swap3A_57 {strides = array<i32>} : memref<4x512x64xf32, #tpu.memory_space<vmem>>, vector<1x512x64xf32>,
    %get3A_58 = arith.constant 1 : index
    %get3A_59 = arith.constant 0 : index
    %get3A_60 = arith.constant 0 : index
    %get3A_61 = vector.load %arg3[%get3A_58, %get3A_59, %get3A_60] : memref<4x128x64xf32, #tpu.memory_space<vmem>>, vector<1x128x64xf32>
    %get3A_62 = vector.shape_cast %get3A_61 : vector<1x128x64xf32> to vector<128x64xf32>
    %dot_general3A_63 = arith.constant dense<0.000000e+00> : vector<512x64xf32>
    %dot_general3A_64 = tpu.matmul %reduce_sum3A_16, %get3A_62, %dot_general3A_63 {dimension_numbers = #tpu.dot_dimension_numbers<[1], [0], [0], [1], [0, 0, 1, 1], [], []>, transpose_lhs_hint = false} : vector<512x128xf32>, vector<128x64xf32>, vector<512x64xf32> -> vector<512x64xf32>
    %swap3A_65 = arith.constant 1 : index
    %swap3A_66 = arith.constant 0 : index
    %swap3A_67 = arith.constant 0 : index
    %swap3A_68 = vector.load %arg6[%swap3A_65, %swap3A_66, %swap3A_67] : memref<4x512x80xf32, #tpu.memory_space<vmem>>, vector<1x512x64xf32>
    %swap3A_69 = vector.shape_cast %swap3A_68 : vector<1x512x64xf32> to vector<512x64xf32>
    %swap3A_70 = vector.shape_cast %dot_general3A_64 : vector<512x64xf32> to vector<1x512x64xf32>
    tpu.vector_store %arg6[%swap3A_65, %swap3A_66, %swap3A_67], %swap3A_70 {strides = array<i32>} : memref<4x512x80xf32, #tpu.memory_space<vmem>>, vector<1x512x64xf32>,
    %swap3A_71 = arith.constant 1 : index
    %swap3A_72 = arith.constant 0 : index
    %swap3A_73 = arith.constant 64 : index
    %swap3A_74 = vector.load %arg6[%swap3A_71, %swap3A_72, %swap3A_73] : memref<4x512x80xf32, #tpu.memory_space<vmem>>, vector<1x512x16xf32>
    %swap3A_75 = vector.shape_cast %swap3A_74 : vector<1x512x16xf32> to vector<512x16xf32>
    %swap3A_76 = vector.shape_cast %select_n3A : vector<512x16xf32> to vector<1x512x16xf32>
    tpu.vector_store %arg6[%swap3A_71, %swap3A_72, %swap3A_73], %swap3A_76 {strides = array<i32>} : memref<4x512x80xf32, #tpu.memory_space<vmem>>, vector<1x512x16xf32>,
    %get3A_77 = arith.constant 1 : index
    %get3A_78 = arith.constant 0 : index
    %get3A_79 = arith.constant 0 : index
    %get3A_80 = vector.load %arg4[%get3A_77, %get3A_78, %get3A_79] : memref<4x128x64xf32, #tpu.memory_space<vmem>>, vector<1x128x64xf32>
    %get3A_81 = vector.shape_cast %get3A_80 : vector<1x128x64xf32> to vector<128x64xf32>
    %dot_general3A_82 = arith.constant dense<0.000000e+00> : vector<512x64xf32>
    %dot_general3A_83 = tpu.matmul %reduce_sum3A_16, %get3A_81, %dot_general3A_82 {dimension_numbers = #tpu.dot_dimension_numbers<[1], [0], [0], [1], [0, 0, 1, 1], [], []>, transpose_lhs_hint = false} : vector<512x128xf32>, vector<128x64xf32>, vector<512x64xf32> -> vector<512x64xf32>
    %get3A_84 = arith.constant 1 : index
    %get3A_85 = arith.constant 0 : index
    %get3A_86 = arith.constant 0 : index
    %get3A_87 = vector.load %arg5[%get3A_84, %get3A_85, %get3A_86] : memref<4x1x64xf32, #tpu.memory_space<vmem>>, vector<1x1x64xf32>
    %get3A_88 = vector.shape_cast %get3A_87 : vector<1x1x64xf32> to vector<1x64xf32>
    %add3A_89 = vector.broadcast %get3A_88 : vector<1x64xf32> to vector<512x64xf32>
    %add3A_90 = arith.addf %dot_general3A_83, %add3A_89 : vector<512x64xf32>
    %swap3A_91 = arith.constant 1 : index
    %swap3A_92 = arith.constant 0 : index
    %swap3A_93 = arith.constant 0 : index
    %swap3A_94 = vector.load %arg7[%swap3A_91, %swap3A_92, %swap3A_93] : memref<4x512x64xf32, #tpu.memory_space<vmem>>, vector<1x512x64xf32>
    %swap3A_95 = vector.shape_cast %swap3A_94 : vector<1x512x64xf32> to vector<512x64xf32>
    %swap3A_96 = vector.shape_cast %add3A_90 : vector<512x64xf32> to vector<1x512x64xf32>
    tpu.vector_store %arg7[%swap3A_91, %swap3A_92, %swap3A_93], %swap3A_96 {strides = array<i32>} : memref<4x512x64xf32, #tpu.memory_space<vmem>>, vector<1x512x64xf32>,
    %get3A_97 = arith.constant 2 : index
    %get3A_98 = arith.constant 0 : index
    %get3A_99 = arith.constant 0 : index
    %get3A_100 = vector.load %arg3[%get3A_97, %get3A_98, %get3A_99] : memref<4x128x64xf32, #tpu.memory_space<vmem>>, vector<1x128x64xf32>
    %get3A_101 = vector.shape_cast %get3A_100 : vector<1x128x64xf32> to vector<128x64xf32>
    %dot_general3A_102 = arith.constant dense<0.000000e+00> : vector<512x64xf32>
    %dot_general3A_103 = tpu.matmul %reduce_sum3A_16, %get3A_101, %dot_general3A_102 {dimension_numbers = #tpu.dot_dimension_numbers<[1], [0], [0], [1], [0, 0, 1, 1], [], []>, transpose_lhs_hint = false} : vector<512x128xf32>, vector<128x64xf32>, vector<512x64xf32> -> vector<512x64xf32>
    %swap3A_104 = arith.constant 2 : index
    %swap3A_105 = arith.constant 0 : index
    %swap3A_106 = arith.constant 0 : index
    %swap3A_107 = vector.load %arg6[%swap3A_104, %swap3A_105, %swap3A_106] : memref<4x512x80xf32, #tpu.memory_space<vmem>>, vector<1x512x64xf32>
    %swap3A_108 = vector.shape_cast %swap3A_107 : vector<1x512x64xf32> to vector<512x64xf32>
    %swap3A_109 = vector.shape_cast %dot_general3A_103 : vector<512x64xf32> to vector<1x512x64xf32>
    tpu.vector_store %arg6[%swap3A_104, %swap3A_105, %swap3A_106], %swap3A_109 {strides = array<i32>} : memref<4x512x80xf32, #tpu.memory_space<vmem>>, vector<1x512x64xf32>,
    %swap3A_110 = arith.constant 2 : index
    %swap3A_111 = arith.constant 0 : index
    %swap3A_112 = arith.constant 64 : index
    %swap3A_113 = vector.load %arg6[%swap3A_110, %swap3A_111, %swap3A_112] : memref<4x512x80xf32, #tpu.memory_space<vmem>>, vector<1x512x16xf32>
    %swap3A_114 = vector.shape_cast %swap3A_113 : vector<1x512x16xf32> to vector<512x16xf32>
    %swap3A_115 = vector.shape_cast %select_n3A : vector<512x16xf32> to vector<1x512x16xf32>
    tpu.vector_store %arg6[%swap3A_110, %swap3A_111, %swap3A_112], %swap3A_115 {strides = array<i32>} : memref<4x512x80xf32, #tpu.memory_space<vmem>>, vector<1x512x16xf32>,
    %get3A_116 = arith.constant 2 : index
    %get3A_117 = arith.constant 0 : index
    %get3A_118 = arith.constant 0 : index
    %get3A_119 = vector.load %arg4[%get3A_116, %get3A_117, %get3A_118] : memref<4x128x64xf32, #tpu.memory_space<vmem>>, vector<1x128x64xf32>
    %get3A_120 = vector.shape_cast %get3A_119 : vector<1x128x64xf32> to vector<128x64xf32>
    %dot_general3A_121 = arith.constant dense<0.000000e+00> : vector<512x64xf32>
    %dot_general3A_122 = tpu.matmul %reduce_sum3A_16, %get3A_120, %dot_general3A_121 {dimension_numbers = #tpu.dot_dimension_numbers<[1], [0], [0], [1], [0, 0, 1, 1], [], []>, transpose_lhs_hint = false} : vector<512x128xf32>, vector<128x64xf32>, vector<512x64xf32> -> vector<512x64xf32>
    %get3A_123 = arith.constant 2 : index
    %get3A_124 = arith.constant 0 : index
    %get3A_125 = arith.constant 0 : index
    %get3A_126 = vector.load %arg5[%get3A_123, %get3A_124, %get3A_125] : memref<4x1x64xf32, #tpu.memory_space<vmem>>, vector<1x1x64xf32>
    %get3A_127 = vector.shape_cast %get3A_126 : vector<1x1x64xf32> to vector<1x64xf32>
    %add3A_128 = vector.broadcast %get3A_127 : vector<1x64xf32> to vector<512x64xf32>
    %add3A_129 = arith.addf %dot_general3A_122, %add3A_128 : vector<512x64xf32>
    %swap3A_130 = arith.constant 2 : index
    %swap3A_131 = arith.constant 0 : index
    %swap3A_132 = arith.constant 0 : index
    %swap3A_133 = vector.load %arg7[%swap3A_130, %swap3A_131, %swap3A_132] : memref<4x512x64xf32, #tpu.memory_space<vmem>>, vector<1x512x64xf32>
    %swap3A_134 = vector.shape_cast %swap3A_133 : vector<1x512x64xf32> to vector<512x64xf32>
    %swap3A_135 = vector.shape_cast %add3A_129 : vector<512x64xf32> to vector<1x512x64xf32>
    tpu.vector_store %arg7[%swap3A_130, %swap3A_131, %swap3A_132], %swap3A_135 {strides = array<i32>} : memref<4x512x64xf32, #tpu.memory_space<vmem>>, vector<1x512x64xf32>,
    %get3A_136 = arith.constant 3 : index
    %get3A_137 = arith.constant 0 : index
    %get3A_138 = arith.constant 0 : index
    %get3A_139 = vector.load %arg3[%get3A_136, %get3A_137, %get3A_138] : memref<4x128x64xf32, #tpu.memory_space<vmem>>, vector<1x128x64xf32>
    %get3A_140 = vector.shape_cast %get3A_139 : vector<1x128x64xf32> to vector<128x64xf32>
    %dot_general3A_141 = arith.constant dense<0.000000e+00> : vector<512x64xf32>
    %dot_general3A_142 = tpu.matmul %reduce_sum3A_16, %get3A_140, %dot_general3A_141 {dimension_numbers = #tpu.dot_dimension_numbers<[1], [0], [0], [1], [0, 0, 1, 1], [], []>, transpose_lhs_hint = false} : vector<512x128xf32>, vector<128x64xf32>, vector<512x64xf32> -> vector<512x64xf32>
    %swap3A_143 = arith.constant 3 : index
    %swap3A_144 = arith.constant 0 : index
    %swap3A_145 = arith.constant 0 : index
    %swap3A_146 = vector.load %arg6[%swap3A_143, %swap3A_144, %swap3A_145] : memref<4x512x80xf32, #tpu.memory_space<vmem>>, vector<1x512x64xf32>
    %swap3A_147 = vector.shape_cast %swap3A_146 : vector<1x512x64xf32> to vector<512x64xf32>
    %swap3A_148 = vector.shape_cast %dot_general3A_142 : vector<512x64xf32> to vector<1x512x64xf32>
    tpu.vector_store %arg6[%swap3A_143, %swap3A_144, %swap3A_145], %swap3A_148 {strides = array<i32>} : memref<4x512x80xf32, #tpu.memory_space<vmem>>, vector<1x512x64xf32>,
    %swap3A_149 = arith.constant 3 : index
    %swap3A_150 = arith.constant 0 : index
    %swap3A_151 = arith.constant 64 : index
    %swap3A_152 = vector.load %arg6[%swap3A_149, %swap3A_150, %swap3A_151] : memref<4x512x80xf32, #tpu.memory_space<vmem>>, vector<1x512x16xf32>
    %swap3A_153 = vector.shape_cast %swap3A_152 : vector<1x512x16xf32> to vector<512x16xf32>
    %swap3A_154 = vector.shape_cast %select_n3A : vector<512x16xf32> to vector<1x512x16xf32>
    tpu.vector_store %arg6[%swap3A_149, %swap3A_150, %swap3A_151], %swap3A_154 {strides = array<i32>} : memref<4x512x80xf32, #tpu.memory_space<vmem>>, vector<1x512x16xf32>,
    %get3A_155 = arith.constant 3 : index
    %get3A_156 = arith.constant 0 : index
    %get3A_157 = arith.constant 0 : index
    %get3A_158 = vector.load %arg4[%get3A_155, %get3A_156, %get3A_157] : memref<4x128x64xf32, #tpu.memory_space<vmem>>, vector<1x128x64xf32>
    %get3A_159 = vector.shape_cast %get3A_158 : vector<1x128x64xf32> to vector<128x64xf32>
    %dot_general3A_160 = arith.constant dense<0.000000e+00> : vector<512x64xf32>
    %dot_general3A_161 = tpu.matmul %reduce_sum3A_16, %get3A_159, %dot_general3A_160 {dimension_numbers = #tpu.dot_dimension_numbers<[1], [0], [0], [1], [0, 0, 1, 1], [], []>, transpose_lhs_hint = false} : vector<512x128xf32>, vector<128x64xf32>, vector<512x64xf32> -> vector<512x64xf32>
    %get3A_162 = arith.constant 3 : index
    %get3A_163 = arith.constant 0 : index
    %get3A_164 = arith.constant 0 : index
    %get3A_165 = vector.load %arg5[%get3A_162, %get3A_163, %get3A_164] : memref<4x1x64xf32, #tpu.memory_space<vmem>>, vector<1x1x64xf32>
    %get3A_166 = vector.shape_cast %get3A_165 : vector<1x1x64xf32> to vector<1x64xf32>
    %add3A_167 = vector.broadcast %get3A_166 : vector<1x64xf32> to vector<512x64xf32>
    %add3A_168 = arith.addf %dot_general3A_161, %add3A_167 : vector<512x64xf32>
    %swap3A_169 = arith.constant 3 : index
    %swap3A_170 = arith.constant 0 : index
    %swap3A_171 = arith.constant 0 : index
    %swap3A_172 = vector.load %arg7[%swap3A_169, %swap3A_170, %swap3A_171] : memref<4x512x64xf32, #tpu.memory_space<vmem>>, vector<1x512x64xf32>
    %swap3A_173 = vector.shape_cast %swap3A_172 : vector<1x512x64xf32> to vector<512x64xf32>
    %swap3A_174 = vector.shape_cast %add3A_168 : vector<512x64xf32> to vector<1x512x64xf32>
    tpu.vector_store %arg7[%swap3A_169, %swap3A_170, %swap3A_171], %swap3A_174 {strides = array<i32>} : memref<4x512x64xf32, #tpu.memory_space<vmem>>, vector<1x512x64xf32>,
    return
  }
  func.func @transform_0(%arg0: i32) -> (i32, i32, i32) {
    %c0_i32 = arith.constant 0 : i32
    %c0_i32_0 = arith.constant 0 : i32
    %c0_i32_1 = arith.constant 0 : i32
    return %arg0, %c0_i32, %c0_i32_0 : i32, i32, i32
  }
  func.func @transform_1(%arg0: i32) -> (i32, i32) {
    %c0_i32 = arith.constant 0 : i32
    %c0_i32_0 = arith.constant 0 : i32
    %c0_i32_1 = arith.constant 0 : i32
    return %c0_i32, %c0_i32_0 : i32, i32
  }
  func.func @transform_2(%arg0: i32) -> (i32, i32, i32) {
    %c0_i32 = arith.constant 0 : i32
    %c0_i32_0 = arith.constant 0 : i32
    %c0_i32_1 = arith.constant 0 : i32
    %c0_i32_2 = arith.constant 0 : i32
    return %c0_i32, %c0_i32_0, %c0_i32_1 : i32, i32, i32
  }
  func.func @transform_3(%arg0: i32) -> (i32, i32, i32) {
    %c0_i32 = arith.constant 0 : i32
    %c0_i32_0 = arith.constant 0 : i32
    %c0_i32_1 = arith.constant 0 : i32
    %c0_i32_2 = arith.constant 0 : i32
    return %c0_i32, %c0_i32_0, %c0_i32_1 : i32, i32, i32
  }
  func.func @transform_4(%arg0: i32) -> (i32, i32, i32) {
    %c0_i32 = arith.constant 0 : i32
    %c0_i32_0 = arith.constant 0 : i32
    %c0_i32_1 = arith.constant 0 : i32
    %c0_i32_2 = arith.constant 0 : i32
    return %c0_i32, %c0_i32_0, %c0_i32_1 : i32, i32, i32
  }
  func.func @transform_5(%arg0: i32) -> (i32, i32, i32) {
    %c0_i32 = arith.constant 0 : i32
    %c0_i32_0 = arith.constant 0 : i32
    %c0_i32_1 = arith.constant 0 : i32
    return %c0_i32, %arg0, %c0_i32_0 : i32, i32, i32
  }
  func.func @transform_6(%arg0: i32) -> (i32, i32, i32) {
    %c0_i32 = arith.constant 0 : i32
    %c0_i32_0 = arith.constant 0 : i32
    %c0_i32_1 = arith.constant 0 : i32
    return %c0_i32, %arg0, %c0_i32_0 : i32, i32, i32
  }
}

module attributes {stable_mosaic.version = 14 : i64} {
  func.func @body(%arg0: i32, %arg1: memref<4x512x80xf32, #tpu.memory_space<vmem>>, %arg2: memref<4x512x64xf32, #tpu.memory_space<vmem>>, %arg3: memref<64x64xf32, #tpu.memory_space<vmem>>, %arg4: memref<1x64xf32, #tpu.memory_space<vmem>>, %arg5: memref<64x1xf32, #tpu.memory_space<vmem>>, %arg6: memref<512x4x64xf32, #tpu.memory_space<vmem>>, %arg7: memref<1x4xf32, #tpu.memory_space<vmem>>) attributes {dimension_semantics = [#tpu.dimension_semantics<arbitrary>], iteration_bounds = array<i64: 20>, scalar_prefetch = 0 : i64, scratch_operands = 0 : i64, tpu.core_type = #tpu.core_type<tc>, window_params = [{transform_indices = @transform_0, window_bounds = array<i64: 4, 512, 80>}, {transform_indices = @transform_1, window_bounds = array<i64: 4, 512, 64>}, {pipeline_mode = #tpu.pipeline_mode<synchronous>, transform_indices = @transform_2, window_bounds = array<i64: 64, 64>}, {pipeline_mode = #tpu.pipeline_mode<synchronous>, transform_indices = @transform_3, window_bounds = array<i64: 1, 64>}, {pipeline_mode = #tpu.pipeline_mode<synchronous>, transform_indices = @transform_4, window_bounds = array<i64: 64, 1>}, {transform_indices = @transform_5, window_bounds = array<i64: 512, 4, 64>}, {pipeline_mode = #tpu.pipeline_mode<synchronous>, transform_indices = @transform_6, window_bounds = array<i64: 1, 4>}]} {
    %eq3A = arith.constant 0 : i32
    %eq3A_0 = arith.cmpi eq, %arg0, %eq3A : i32
    %convert_element_type3A = arith.extui %eq3A_0 : i1 to i32
    %cond3A = arith.constant 0 : i32
    %cond3A_1 = arith.cmpi ne, %convert_element_type3A, %cond3A : i32
    scf.if %cond3A_1 {
      %broadcast_in_dim3A_184 = arith.constant 0.000000e+00 : f32
      %broadcast_in_dim3A_185 = vector.broadcast %broadcast_in_dim3A_184 : f32 to vector<1x4xf32>
      %swap3A_186 = arith.constant 0 : index
      %swap3A_187 = arith.constant 0 : index
      %swap3A_188 = vector.load %arg7[%swap3A_186, %swap3A_187] : memref<1x4xf32, #tpu.memory_space<vmem>>, vector<1x4xf32>
      tpu.vector_store %arg7[%swap3A_186, %swap3A_187], %broadcast_in_dim3A_185 {strides = array<i32>} : memref<1x4xf32, #tpu.memory_space<vmem>>, vector<1x4xf32>,
    } else {
    }
    %mul3A = arith.constant 512 : i32
    %mul3A_2 = arith.muli %arg0, %mul3A : i32
    %iota3A = tpu.iota {dimensions = array<i32: 0>} : vector<512x1xi32>
    %add3A = vector.broadcast %mul3A_2 : i32 to vector<512x1xi32>
    %add3A_3 = arith.addi %add3A, %iota3A : vector<512x1xi32>
    %lt3A = arith.constant 10000 : i32
    %lt3A_4 = vector.broadcast %lt3A : i32 to vector<512x1xi32>
    %lt3A_5 = arith.cmpi slt, %add3A_3, %lt3A_4 : vector<512x1xi32>
    %get3A = arith.constant 0 : index
    %get3A_6 = arith.constant 0 : index
    %get3A_7 = vector.load %arg3[%get3A, %get3A_6] : memref<64x64xf32, #tpu.memory_space<vmem>>, vector<64x64xf32>
    %get3A_8 = arith.constant 0 : index
    %get3A_9 = arith.constant 0 : index
    %get3A_10 = vector.load %arg4[%get3A_8, %get3A_9] : memref<1x64xf32, #tpu.memory_space<vmem>>, vector<1x64xf32>
    %get3A_11 = arith.constant 0 : index
    %get3A_12 = arith.constant 0 : index
    %get3A_13 = vector.load %arg5[%get3A_11, %get3A_12] : memref<64x1xf32, #tpu.memory_space<vmem>>, vector<64x1xf32>
    %get3A_14 = arith.constant 0 : index
    %get3A_15 = arith.constant 0 : index
    %get3A_16 = arith.constant 64 : index
    %get3A_17 = vector.load %arg1[%get3A_14, %get3A_15, %get3A_16] : memref<4x512x80xf32, #tpu.memory_space<vmem>>, vector<1x512x1xf32>
    %get3A_18 = vector.shape_cast %get3A_17 : vector<1x512x1xf32> to vector<512x1xf32>
    %get3A_19 = arith.constant 0 : index
    %get3A_20 = arith.constant 0 : index
    %get3A_21 = arith.constant 0 : index
    %get3A_22 = vector.load %arg1[%get3A_19, %get3A_20, %get3A_21] : memref<4x512x80xf32, #tpu.memory_space<vmem>>, vector<1x512x64xf32>
    %get3A_23 = vector.shape_cast %get3A_22 : vector<1x512x64xf32> to vector<512x64xf32>
    %max3A = arith.constant 1.000000e+00 : f32
    %max3A_24 = vector.broadcast %max3A : f32 to vector<512x1xf32>
    %max3A_25 = arith.maximumf %get3A_18, %max3A_24 : vector<512x1xf32>
    %div3A = vector.broadcast %max3A_25 : vector<512x1xf32> to vector<512x64xf32>
    %div3A_26 = arith.divf %get3A_23, %div3A : vector<512x64xf32>
    %get3A_27 = arith.constant 0 : index
    %get3A_28 = arith.constant 0 : index
    %get3A_29 = arith.constant 0 : index
    %get3A_30 = vector.load %arg2[%get3A_27, %get3A_28, %get3A_29] : memref<4x512x64xf32, #tpu.memory_space<vmem>>, vector<1x512x64xf32>
    %get3A_31 = vector.shape_cast %get3A_30 : vector<1x512x64xf32> to vector<512x64xf32>
    %add3A_32 = arith.addf %div3A_26, %get3A_31 : vector<512x64xf32>
    %swap3A = arith.constant 0 : index
    %swap3A_33 = arith.constant 0 : index
    %swap3A_34 = arith.constant 0 : index
    %swap3A_35 = vector.load %arg6[%swap3A, %swap3A_33, %swap3A_34] : memref<512x4x64xf32, #tpu.memory_space<vmem>>, vector<512x1x64xf32>
    %swap3A_36 = vector.shape_cast %swap3A_35 : vector<512x1x64xf32> to vector<512x64xf32>
    %swap3A_37 = vector.shape_cast %add3A_32 : vector<512x64xf32> to vector<512x1x64xf32>
    tpu.vector_store %arg6[%swap3A, %swap3A_33, %swap3A_34], %swap3A_37 {strides = array<i32>} : memref<512x4x64xf32, #tpu.memory_space<vmem>>, vector<512x1x64xf32>,
    %dot_general3A = arith.constant dense<0.000000e+00> : vector<512x64xf32>
    %dot_general3A_38 = tpu.matmul %add3A_32, %get3A_7, %dot_general3A {dimension_numbers = #tpu.dot_dimension_numbers<[1], [0], [0], [1], [0, 0, 1, 1], [], []>, transpose_lhs_hint = false} : vector<512x64xf32>, vector<64x64xf32>, vector<512x64xf32> -> vector<512x64xf32>
    %add3A_39 = vector.broadcast %get3A_10 : vector<1x64xf32> to vector<512x64xf32>
    %add3A_40 = arith.addf %dot_general3A_38, %add3A_39 : vector<512x64xf32>
    %tanh3A = math.tanh %add3A_40 : vector<512x64xf32>
    %dot_general3A_41 = arith.constant dense<0.000000e+00> : vector<512x1xf32>
    %dot_general3A_42 = tpu.matmul %tanh3A, %get3A_13, %dot_general3A_41 {dimension_numbers = #tpu.dot_dimension_numbers<[1], [0], [0], [1], [0, 0, 1, 1], [], []>, transpose_lhs_hint = false} : vector<512x64xf32>, vector<64x1xf32>, vector<512x1xf32> -> vector<512x1xf32>
    %jit3A = arith.constant 0.000000e+00 : f32
    %broadcast_in_dim3A = vector.broadcast %jit3A : f32 to vector<512x1xf32>
    %select_n3A = arith.select %lt3A_5, %dot_general3A_42, %broadcast_in_dim3A : vector<512x1xi1>, vector<512x1xf32>
    %reduce_sum3A = vector.shape_cast %select_n3A : vector<512x1xf32> to vector<1x512x1xf32>
    %reduce_sum3A_43 = arith.constant dense<0.000000e+00> : vector<1xf32>
    %reduce_sum3A_44 = vector.multi_reduction <add>, %reduce_sum3A, %reduce_sum3A_43 [1, 2] : vector<1x512x1xf32> to vector<1xf32>
    %reduce_sum3A_45 = vector.shape_cast %reduce_sum3A_44 : vector<1xf32> to vector<1x1x1xf32>
    %reduce_sum3A_46 = vector.extract %reduce_sum3A_45[0, 0, 0] : f32 from vector<1x1x1xf32>
    %get3A_47 = arith.constant 1 : index
    %get3A_48 = arith.constant 0 : index
    %get3A_49 = arith.constant 64 : index
    %get3A_50 = vector.load %arg1[%get3A_47, %get3A_48, %get3A_49] : memref<4x512x80xf32, #tpu.memory_space<vmem>>, vector<1x512x1xf32>
    %get3A_51 = vector.shape_cast %get3A_50 : vector<1x512x1xf32> to vector<512x1xf32>
    %get3A_52 = arith.constant 1 : index
    %get3A_53 = arith.constant 0 : index
    %get3A_54 = arith.constant 0 : index
    %get3A_55 = vector.load %arg1[%get3A_52, %get3A_53, %get3A_54] : memref<4x512x80xf32, #tpu.memory_space<vmem>>, vector<1x512x64xf32>
    %get3A_56 = vector.shape_cast %get3A_55 : vector<1x512x64xf32> to vector<512x64xf32>
    %max3A_57 = arith.constant 1.000000e+00 : f32
    %max3A_58 = vector.broadcast %max3A_57 : f32 to vector<512x1xf32>
    %max3A_59 = arith.maximumf %get3A_51, %max3A_58 : vector<512x1xf32>
    %div3A_60 = vector.broadcast %max3A_59 : vector<512x1xf32> to vector<512x64xf32>
    %div3A_61 = arith.divf %get3A_56, %div3A_60 : vector<512x64xf32>
    %get3A_62 = arith.constant 1 : index
    %get3A_63 = arith.constant 0 : index
    %get3A_64 = arith.constant 0 : index
    %get3A_65 = vector.load %arg2[%get3A_62, %get3A_63, %get3A_64] : memref<4x512x64xf32, #tpu.memory_space<vmem>>, vector<1x512x64xf32>
    %get3A_66 = vector.shape_cast %get3A_65 : vector<1x512x64xf32> to vector<512x64xf32>
    %add3A_67 = arith.addf %div3A_61, %get3A_66 : vector<512x64xf32>
    %swap3A_68 = arith.constant 0 : index
    %swap3A_69 = arith.constant 1 : index
    %swap3A_70 = arith.constant 0 : index
    %swap3A_71 = vector.load %arg6[%swap3A_68, %swap3A_69, %swap3A_70] : memref<512x4x64xf32, #tpu.memory_space<vmem>>, vector<512x1x64xf32>
    %swap3A_72 = vector.shape_cast %swap3A_71 : vector<512x1x64xf32> to vector<512x64xf32>
    %swap3A_73 = vector.shape_cast %add3A_67 : vector<512x64xf32> to vector<512x1x64xf32>
    tpu.vector_store %arg6[%swap3A_68, %swap3A_69, %swap3A_70], %swap3A_73 {strides = array<i32>} : memref<512x4x64xf32, #tpu.memory_space<vmem>>, vector<512x1x64xf32>,
    %dot_general3A_74 = arith.constant dense<0.000000e+00> : vector<512x64xf32>
    %dot_general3A_75 = tpu.matmul %add3A_67, %get3A_7, %dot_general3A_74 {dimension_numbers = #tpu.dot_dimension_numbers<[1], [0], [0], [1], [0, 0, 1, 1], [], []>, transpose_lhs_hint = false} : vector<512x64xf32>, vector<64x64xf32>, vector<512x64xf32> -> vector<512x64xf32>
    %add3A_76 = vector.broadcast %get3A_10 : vector<1x64xf32> to vector<512x64xf32>
    %add3A_77 = arith.addf %dot_general3A_75, %add3A_76 : vector<512x64xf32>
    %tanh3A_78 = math.tanh %add3A_77 : vector<512x64xf32>
    %dot_general3A_79 = arith.constant dense<0.000000e+00> : vector<512x1xf32>
    %dot_general3A_80 = tpu.matmul %tanh3A_78, %get3A_13, %dot_general3A_79 {dimension_numbers = #tpu.dot_dimension_numbers<[1], [0], [0], [1], [0, 0, 1, 1], [], []>, transpose_lhs_hint = false} : vector<512x64xf32>, vector<64x1xf32>, vector<512x1xf32> -> vector<512x1xf32>
    %jit3A_81 = arith.constant 0.000000e+00 : f32
    %broadcast_in_dim3A_82 = vector.broadcast %jit3A_81 : f32 to vector<512x1xf32>
    %select_n3A_83 = arith.select %lt3A_5, %dot_general3A_80, %broadcast_in_dim3A_82 : vector<512x1xi1>, vector<512x1xf32>
    %reduce_sum3A_84 = vector.shape_cast %select_n3A_83 : vector<512x1xf32> to vector<1x512x1xf32>
    %reduce_sum3A_85 = arith.constant dense<0.000000e+00> : vector<1xf32>
    %reduce_sum3A_86 = vector.multi_reduction <add>, %reduce_sum3A_84, %reduce_sum3A_85 [1, 2] : vector<1x512x1xf32> to vector<1xf32>
    %reduce_sum3A_87 = vector.shape_cast %reduce_sum3A_86 : vector<1xf32> to vector<1x1x1xf32>
    %reduce_sum3A_88 = vector.extract %reduce_sum3A_87[0, 0, 0] : f32 from vector<1x1x1xf32>
    %get3A_89 = arith.constant 2 : index
    %get3A_90 = arith.constant 0 : index
    %get3A_91 = arith.constant 64 : index
    %get3A_92 = vector.load %arg1[%get3A_89, %get3A_90, %get3A_91] : memref<4x512x80xf32, #tpu.memory_space<vmem>>, vector<1x512x1xf32>
    %get3A_93 = vector.shape_cast %get3A_92 : vector<1x512x1xf32> to vector<512x1xf32>
    %get3A_94 = arith.constant 2 : index
    %get3A_95 = arith.constant 0 : index
    %get3A_96 = arith.constant 0 : index
    %get3A_97 = vector.load %arg1[%get3A_94, %get3A_95, %get3A_96] : memref<4x512x80xf32, #tpu.memory_space<vmem>>, vector<1x512x64xf32>
    %get3A_98 = vector.shape_cast %get3A_97 : vector<1x512x64xf32> to vector<512x64xf32>
    %max3A_99 = arith.constant 1.000000e+00 : f32
    %max3A_100 = vector.broadcast %max3A_99 : f32 to vector<512x1xf32>
    %max3A_101 = arith.maximumf %get3A_93, %max3A_100 : vector<512x1xf32>
    %div3A_102 = vector.broadcast %max3A_101 : vector<512x1xf32> to vector<512x64xf32>
    %div3A_103 = arith.divf %get3A_98, %div3A_102 : vector<512x64xf32>
    %get3A_104 = arith.constant 2 : index
    %get3A_105 = arith.constant 0 : index
    %get3A_106 = arith.constant 0 : index
    %get3A_107 = vector.load %arg2[%get3A_104, %get3A_105, %get3A_106] : memref<4x512x64xf32, #tpu.memory_space<vmem>>, vector<1x512x64xf32>
    %get3A_108 = vector.shape_cast %get3A_107 : vector<1x512x64xf32> to vector<512x64xf32>
    %add3A_109 = arith.addf %div3A_103, %get3A_108 : vector<512x64xf32>
    %swap3A_110 = arith.constant 0 : index
    %swap3A_111 = arith.constant 2 : index
    %swap3A_112 = arith.constant 0 : index
    %swap3A_113 = vector.load %arg6[%swap3A_110, %swap3A_111, %swap3A_112] : memref<512x4x64xf32, #tpu.memory_space<vmem>>, vector<512x1x64xf32>
    %swap3A_114 = vector.shape_cast %swap3A_113 : vector<512x1x64xf32> to vector<512x64xf32>
    %swap3A_115 = vector.shape_cast %add3A_109 : vector<512x64xf32> to vector<512x1x64xf32>
    tpu.vector_store %arg6[%swap3A_110, %swap3A_111, %swap3A_112], %swap3A_115 {strides = array<i32>} : memref<512x4x64xf32, #tpu.memory_space<vmem>>, vector<512x1x64xf32>,
    %dot_general3A_116 = arith.constant dense<0.000000e+00> : vector<512x64xf32>
    %dot_general3A_117 = tpu.matmul %add3A_109, %get3A_7, %dot_general3A_116 {dimension_numbers = #tpu.dot_dimension_numbers<[1], [0], [0], [1], [0, 0, 1, 1], [], []>, transpose_lhs_hint = false} : vector<512x64xf32>, vector<64x64xf32>, vector<512x64xf32> -> vector<512x64xf32>
    %add3A_118 = vector.broadcast %get3A_10 : vector<1x64xf32> to vector<512x64xf32>
    %add3A_119 = arith.addf %dot_general3A_117, %add3A_118 : vector<512x64xf32>
    %tanh3A_120 = math.tanh %add3A_119 : vector<512x64xf32>
    %dot_general3A_121 = arith.constant dense<0.000000e+00> : vector<512x1xf32>
    %dot_general3A_122 = tpu.matmul %tanh3A_120, %get3A_13, %dot_general3A_121 {dimension_numbers = #tpu.dot_dimension_numbers<[1], [0], [0], [1], [0, 0, 1, 1], [], []>, transpose_lhs_hint = false} : vector<512x64xf32>, vector<64x1xf32>, vector<512x1xf32> -> vector<512x1xf32>
    %jit3A_123 = arith.constant 0.000000e+00 : f32
    %broadcast_in_dim3A_124 = vector.broadcast %jit3A_123 : f32 to vector<512x1xf32>
    %select_n3A_125 = arith.select %lt3A_5, %dot_general3A_122, %broadcast_in_dim3A_124 : vector<512x1xi1>, vector<512x1xf32>
    %reduce_sum3A_126 = vector.shape_cast %select_n3A_125 : vector<512x1xf32> to vector<1x512x1xf32>
    %reduce_sum3A_127 = arith.constant dense<0.000000e+00> : vector<1xf32>
    %reduce_sum3A_128 = vector.multi_reduction <add>, %reduce_sum3A_126, %reduce_sum3A_127 [1, 2] : vector<1x512x1xf32> to vector<1xf32>
    %reduce_sum3A_129 = vector.shape_cast %reduce_sum3A_128 : vector<1xf32> to vector<1x1x1xf32>
    %reduce_sum3A_130 = vector.extract %reduce_sum3A_129[0, 0, 0] : f32 from vector<1x1x1xf32>
    %get3A_131 = arith.constant 3 : index
    %get3A_132 = arith.constant 0 : index
    %get3A_133 = arith.constant 64 : index
    %get3A_134 = vector.load %arg1[%get3A_131, %get3A_132, %get3A_133] : memref<4x512x80xf32, #tpu.memory_space<vmem>>, vector<1x512x1xf32>
    %get3A_135 = vector.shape_cast %get3A_134 : vector<1x512x1xf32> to vector<512x1xf32>
    %get3A_136 = arith.constant 3 : index
    %get3A_137 = arith.constant 0 : index
    %get3A_138 = arith.constant 0 : index
    %get3A_139 = vector.load %arg1[%get3A_136, %get3A_137, %get3A_138] : memref<4x512x80xf32, #tpu.memory_space<vmem>>, vector<1x512x64xf32>
    %get3A_140 = vector.shape_cast %get3A_139 : vector<1x512x64xf32> to vector<512x64xf32>
    %max3A_141 = arith.constant 1.000000e+00 : f32
    %max3A_142 = vector.broadcast %max3A_141 : f32 to vector<512x1xf32>
    %max3A_143 = arith.maximumf %get3A_135, %max3A_142 : vector<512x1xf32>
    %div3A_144 = vector.broadcast %max3A_143 : vector<512x1xf32> to vector<512x64xf32>
    %div3A_145 = arith.divf %get3A_140, %div3A_144 : vector<512x64xf32>
    %get3A_146 = arith.constant 3 : index
    %get3A_147 = arith.constant 0 : index
    %get3A_148 = arith.constant 0 : index
    %get3A_149 = vector.load %arg2[%get3A_146, %get3A_147, %get3A_148] : memref<4x512x64xf32, #tpu.memory_space<vmem>>, vector<1x512x64xf32>
    %get3A_150 = vector.shape_cast %get3A_149 : vector<1x512x64xf32> to vector<512x64xf32>
    %add3A_151 = arith.addf %div3A_145, %get3A_150 : vector<512x64xf32>
    %swap3A_152 = arith.constant 0 : index
    %swap3A_153 = arith.constant 3 : index
    %swap3A_154 = arith.constant 0 : index
    %swap3A_155 = vector.load %arg6[%swap3A_152, %swap3A_153, %swap3A_154] : memref<512x4x64xf32, #tpu.memory_space<vmem>>, vector<512x1x64xf32>
    %swap3A_156 = vector.shape_cast %swap3A_155 : vector<512x1x64xf32> to vector<512x64xf32>
    %swap3A_157 = vector.shape_cast %add3A_151 : vector<512x64xf32> to vector<512x1x64xf32>
    tpu.vector_store %arg6[%swap3A_152, %swap3A_153, %swap3A_154], %swap3A_157 {strides = array<i32>} : memref<512x4x64xf32, #tpu.memory_space<vmem>>, vector<512x1x64xf32>,
    %dot_general3A_158 = arith.constant dense<0.000000e+00> : vector<512x64xf32>
    %dot_general3A_159 = tpu.matmul %add3A_151, %get3A_7, %dot_general3A_158 {dimension_numbers = #tpu.dot_dimension_numbers<[1], [0], [0], [1], [0, 0, 1, 1], [], []>, transpose_lhs_hint = false} : vector<512x64xf32>, vector<64x64xf32>, vector<512x64xf32> -> vector<512x64xf32>
    %add3A_160 = vector.broadcast %get3A_10 : vector<1x64xf32> to vector<512x64xf32>
    %add3A_161 = arith.addf %dot_general3A_159, %add3A_160 : vector<512x64xf32>
    %tanh3A_162 = math.tanh %add3A_161 : vector<512x64xf32>
    %dot_general3A_163 = arith.constant dense<0.000000e+00> : vector<512x1xf32>
    %dot_general3A_164 = tpu.matmul %tanh3A_162, %get3A_13, %dot_general3A_163 {dimension_numbers = #tpu.dot_dimension_numbers<[1], [0], [0], [1], [0, 0, 1, 1], [], []>, transpose_lhs_hint = false} : vector<512x64xf32>, vector<64x1xf32>, vector<512x1xf32> -> vector<512x1xf32>
    %jit3A_165 = arith.constant 0.000000e+00 : f32
    %broadcast_in_dim3A_166 = vector.broadcast %jit3A_165 : f32 to vector<512x1xf32>
    %select_n3A_167 = arith.select %lt3A_5, %dot_general3A_164, %broadcast_in_dim3A_166 : vector<512x1xi1>, vector<512x1xf32>
    %reduce_sum3A_168 = vector.shape_cast %select_n3A_167 : vector<512x1xf32> to vector<1x512x1xf32>
    %reduce_sum3A_169 = arith.constant dense<0.000000e+00> : vector<1xf32>
    %reduce_sum3A_170 = vector.multi_reduction <add>, %reduce_sum3A_168, %reduce_sum3A_169 [1, 2] : vector<1x512x1xf32> to vector<1xf32>
    %reduce_sum3A_171 = vector.shape_cast %reduce_sum3A_170 : vector<1xf32> to vector<1x1x1xf32>
    %reduce_sum3A_172 = vector.extract %reduce_sum3A_171[0, 0, 0] : f32 from vector<1x1x1xf32>
    %get3A_173 = arith.constant 0 : index
    %get3A_174 = arith.constant 0 : index
    %get3A_175 = vector.load %arg7[%get3A_173, %get3A_174] : memref<1x4xf32, #tpu.memory_space<vmem>>, vector<1x4xf32>
    %stack3A = vector.broadcast %reduce_sum3A_46 : f32 to vector<1xf32>
    %stack3A_176 = vector.broadcast %reduce_sum3A_88 : f32 to vector<1xf32>
    %stack3A_177 = vector.broadcast %reduce_sum3A_130 : f32 to vector<1xf32>
    %stack3A_178 = vector.broadcast %reduce_sum3A_172 : f32 to vector<1xf32>
    %stack3A_179 = tpu.concatenate %stack3A, %stack3A_176, %stack3A_177, %stack3A_178 in 0 : vector<1xf32>, vector<1xf32>, vector<1xf32>, vector<1xf32> -> vector<4xf32>
    %reshape3A = vector.shape_cast %stack3A_179 : vector<4xf32> to vector<1x4xf32>
    %add3A_180 = arith.addf %get3A_175, %reshape3A : vector<1x4xf32>
    %swap3A_181 = arith.constant 0 : index
    %swap3A_182 = arith.constant 0 : index
    %swap3A_183 = vector.load %arg7[%swap3A_181, %swap3A_182] : memref<1x4xf32, #tpu.memory_space<vmem>>, vector<1x4xf32>
    tpu.vector_store %arg7[%swap3A_181, %swap3A_182], %add3A_180 {strides = array<i32>} : memref<1x4xf32, #tpu.memory_space<vmem>>, vector<1x4xf32>,
    return
  }
  func.func @transform_0(%arg0: i32) -> (i32, i32, i32) {
    %c0_i32 = arith.constant 0 : i32
    %c0_i32_0 = arith.constant 0 : i32
    %c0_i32_1 = arith.constant 0 : i32
    return %c0_i32, %arg0, %c0_i32_0 : i32, i32, i32
  }
  func.func @transform_1(%arg0: i32) -> (i32, i32, i32) {
    %c0_i32 = arith.constant 0 : i32
    %c0_i32_0 = arith.constant 0 : i32
    %c0_i32_1 = arith.constant 0 : i32
    return %c0_i32, %arg0, %c0_i32_0 : i32, i32, i32
  }
  func.func @transform_2(%arg0: i32) -> (i32, i32) {
    %c0_i32 = arith.constant 0 : i32
    %c0_i32_0 = arith.constant 0 : i32
    %c0_i32_1 = arith.constant 0 : i32
    return %c0_i32, %c0_i32_0 : i32, i32
  }
  func.func @transform_3(%arg0: i32) -> (i32, i32) {
    %c0_i32 = arith.constant 0 : i32
    %c0_i32_0 = arith.constant 0 : i32
    %c0_i32_1 = arith.constant 0 : i32
    return %c0_i32, %c0_i32_0 : i32, i32
  }
  func.func @transform_4(%arg0: i32) -> (i32, i32) {
    %c0_i32 = arith.constant 0 : i32
    %c0_i32_0 = arith.constant 0 : i32
    %c0_i32_1 = arith.constant 0 : i32
    return %c0_i32, %c0_i32_0 : i32, i32
  }
  func.func @transform_5(%arg0: i32) -> (i32, i32, i32) {
    %c0_i32 = arith.constant 0 : i32
    %c0_i32_0 = arith.constant 0 : i32
    %c0_i32_1 = arith.constant 0 : i32
    return %arg0, %c0_i32, %c0_i32_0 : i32, i32, i32
  }
  func.func @transform_6(%arg0: i32) -> (i32, i32) {
    %c0_i32 = arith.constant 0 : i32
    %c0_i32_0 = arith.constant 0 : i32
    %c0_i32_1 = arith.constant 0 : i32
    return %c0_i32, %c0_i32_0 : i32, i32
  }
}

module attributes {stable_mosaic.version = 14 : i64} {
  func.func @_h2_body(%arg0: i32, %arg1: memref<512x4x64xf32, #tpu.memory_space<vmem>>, %arg2: memref<1x4xf32, #tpu.memory_space<vmem>>, %arg3: memref<512x64xf32, #tpu.memory_space<vmem>>) attributes {dimension_semantics = [#tpu.dimension_semantics<arbitrary>], iteration_bounds = array<i64: 20>, scalar_prefetch = 0 : i64, scratch_operands = 0 : i64, tpu.core_type = #tpu.core_type<tc>, window_params = [{transform_indices = @transform_0, window_bounds = array<i64: 512, 4, 64>}, {pipeline_mode = #tpu.pipeline_mode<synchronous>, transform_indices = @transform_1, window_bounds = array<i64: 1, 4>}, {transform_indices = @transform_2, window_bounds = array<i64: 512, 64>}]} {
    %get3A = arith.constant 0 : index
    %get3A_0 = arith.constant 0 : index
    %get3A_1 = vector.load %arg2[%get3A, %get3A_0] : memref<1x4xf32, #tpu.memory_space<vmem>>, vector<1x4xf32>
    %div3A = arith.constant 1.000000e+04 : f32
    %div3A_2 = vector.broadcast %div3A : f32 to vector<1x4xf32>
    %div3A_3 = arith.divf %get3A_1, %div3A_2 : vector<1x4xf32>
    %reduce_max3A = arith.constant dense<0xFF800000> : vector<1xf32>
    %reduce_max3A_4 = vector.multi_reduction <maximumf>, %div3A_3, %reduce_max3A [1] : vector<1x4xf32> to vector<1xf32>
    %broadcast_in_dim3A = vector.shape_cast %reduce_max3A_4 : vector<1xf32> to vector<1x1xf32>
    %sub3A = vector.broadcast %broadcast_in_dim3A : vector<1x1xf32> to vector<1x4xf32>
    %sub3A_5 = arith.subf %div3A_3, %sub3A : vector<1x4xf32>
    %exp3A = math.exp %sub3A_5 : vector<1x4xf32>
    %reduce_sum3A = arith.constant dense<0.000000e+00> : vector<1xf32>
    %reduce_sum3A_6 = vector.multi_reduction <add>, %exp3A, %reduce_sum3A [1] : vector<1x4xf32> to vector<1xf32>
    %broadcast_in_dim3A_7 = vector.shape_cast %reduce_sum3A_6 : vector<1xf32> to vector<1x1xf32>
    %div3A_8 = vector.broadcast %broadcast_in_dim3A_7 : vector<1x1xf32> to vector<1x4xf32>
    %div3A_9 = arith.divf %exp3A, %div3A_8 : vector<1x4xf32>
    %get3A_10 = arith.constant 0 : index
    %get3A_11 = arith.constant 0 : index
    %get3A_12 = arith.constant 0 : index
    %get3A_13 = vector.load %arg1[%get3A_10, %get3A_11, %get3A_12] : memref<512x4x64xf32, #tpu.memory_space<vmem>>, vector<512x4x64xf32>
    %reshape3A = vector.shape_cast %div3A_9 : vector<1x4xf32> to vector<1x4x1xf32>
    %mul3A = vector.broadcast %reshape3A : vector<1x4x1xf32> to vector<512x4x64xf32>
    %mul3A_14 = arith.mulf %get3A_13, %mul3A : vector<512x4x64xf32>
    %reduce_sum3A_15 = arith.constant dense<0.000000e+00> : vector<512x64xf32>
    %reduce_sum3A_16 = vector.multi_reduction <add>, %mul3A_14, %reduce_sum3A_15 [1] : vector<512x4x64xf32> to vector<512x64xf32>
    %swap3A = arith.constant 0 : index
    %swap3A_17 = arith.constant 0 : index
    %swap3A_18 = vector.load %arg3[%swap3A, %swap3A_17] : memref<512x64xf32, #tpu.memory_space<vmem>>, vector<512x64xf32>
    tpu.vector_store %arg3[%swap3A, %swap3A_17], %reduce_sum3A_16 {strides = array<i32>} : memref<512x64xf32, #tpu.memory_space<vmem>>, vector<512x64xf32>,
    return
  }
  func.func @transform_0(%arg0: i32) -> (i32, i32, i32) {
    %c0_i32 = arith.constant 0 : i32
    %c0_i32_0 = arith.constant 0 : i32
    %c0_i32_1 = arith.constant 0 : i32
    return %arg0, %c0_i32, %c0_i32_0 : i32, i32, i32
  }
  func.func @transform_1(%arg0: i32) -> (i32, i32) {
    %c0_i32 = arith.constant 0 : i32
    %c0_i32_0 = arith.constant 0 : i32
    %c0_i32_1 = arith.constant 0 : i32
    return %c0_i32, %c0_i32_0 : i32, i32
  }
  func.func @transform_2(%arg0: i32) -> (i32, i32) {
    %c0_i32 = arith.constant 0 : i32
    %c0_i32_0 = arith.constant 0 : i32
    return %arg0, %c0_i32 : i32, i32
  }
}

module attributes {stable_mosaic.version = 14 : i64} {
  func.func @_scores_body(%arg0: i32, %arg1: memref<1000x64xf32, #tpu.memory_space<vmem>>, %arg2: memref<1000x64xf32, #tpu.memory_space<vmem>>, %arg3: memref<64x2xf32, #tpu.memory_space<vmem>>, %arg4: memref<1x2xf32, #tpu.memory_space<vmem>>, %arg5: memref<1x1x1000xf32, #tpu.memory_space<vmem>>) attributes {dimension_semantics = [#tpu.dimension_semantics<arbitrary>], iteration_bounds = array<i64: 20>, scalar_prefetch = 0 : i64, scratch_operands = 0 : i64, tpu.core_type = #tpu.core_type<tc>, window_params = [{transform_indices = @transform_0, window_bounds = array<i64: 1000, 64>}, {transform_indices = @transform_1, window_bounds = array<i64: 1000, 64>}, {pipeline_mode = #tpu.pipeline_mode<synchronous>, transform_indices = @transform_2, window_bounds = array<i64: 64, 2>}, {pipeline_mode = #tpu.pipeline_mode<synchronous>, transform_indices = @transform_3, window_bounds = array<i64: 1, 2>}, {transform_indices = @transform_4, window_bounds = array<i64: 1, 1, 1000>}]} {
    %get3A = arith.constant 0 : index
    %get3A_0 = arith.constant 0 : index
    %get3A_1 = vector.load %arg1[%get3A, %get3A_0] : memref<1000x64xf32, #tpu.memory_space<vmem>>, vector<1000x64xf32>
    %get3A_2 = arith.constant 0 : index
    %get3A_3 = arith.constant 0 : index
    %get3A_4 = vector.load %arg2[%get3A_2, %get3A_3] : memref<1000x64xf32, #tpu.memory_space<vmem>>, vector<1000x64xf32>
    %mul3A = arith.mulf %get3A_1, %get3A_4 : vector<1000x64xf32>
    %get3A_5 = arith.constant 0 : index
    %get3A_6 = arith.constant 0 : index
    %get3A_7 = vector.load %arg3[%get3A_5, %get3A_6] : memref<64x2xf32, #tpu.memory_space<vmem>>, vector<64x2xf32>
    %dot_general3A = arith.constant dense<0.000000e+00> : vector<1000x2xf32>
    %dot_general3A_8 = tpu.matmul %mul3A, %get3A_7, %dot_general3A {dimension_numbers = #tpu.dot_dimension_numbers<[1], [0], [0], [1], [0, 0, 1, 1], [], []>, transpose_lhs_hint = false} : vector<1000x64xf32>, vector<64x2xf32>, vector<1000x2xf32> -> vector<1000x2xf32>
    %get3A_9 = arith.constant 0 : index
    %get3A_10 = arith.constant 0 : index
    %get3A_11 = vector.load %arg4[%get3A_9, %get3A_10] : memref<1x2xf32, #tpu.memory_space<vmem>>, vector<1x2xf32>
    %add3A = vector.broadcast %get3A_11 : vector<1x2xf32> to vector<1000x2xf32>
    %add3A_12 = arith.addf %dot_general3A_8, %add3A : vector<1000x2xf32>
    %reduce_sum3A = arith.constant dense<0.000000e+00> : vector<1000xf32>
    %reduce_sum3A_13 = vector.multi_reduction <add>, %add3A_12, %reduce_sum3A [1] : vector<1000x2xf32> to vector<1000xf32>
    %reshape3A = vector.shape_cast %reduce_sum3A_13 : vector<1000xf32> to vector<1x1000xf32>
    %swap3A = arith.constant 0 : index
    %swap3A_14 = arith.constant 0 : index
    %swap3A_15 = arith.constant 0 : index
    %swap3A_16 = vector.load %arg5[%swap3A, %swap3A_14, %swap3A_15] : memref<1x1x1000xf32, #tpu.memory_space<vmem>>, vector<1x1x1000xf32>
    %swap3A_17 = vector.shape_cast %swap3A_16 : vector<1x1x1000xf32> to vector<1x1000xf32>
    %swap3A_18 = vector.shape_cast %reshape3A : vector<1x1000xf32> to vector<1x1x1000xf32>
    tpu.vector_store %arg5[%swap3A, %swap3A_14, %swap3A_15], %swap3A_18 {strides = array<i32>} : memref<1x1x1000xf32, #tpu.memory_space<vmem>>, vector<1x1x1000xf32>,
    return
  }
  func.func @transform_0(%arg0: i32) -> (i32, i32) {
    %c0_i32 = arith.constant 0 : i32
    %c0_i32_0 = arith.constant 0 : i32
    return %arg0, %c0_i32 : i32, i32
  }
  func.func @transform_1(%arg0: i32) -> (i32, i32) {
    %c0_i32 = arith.constant 0 : i32
    %c0_i32_0 = arith.constant 0 : i32
    return %arg0, %c0_i32 : i32, i32
  }
  func.func @transform_2(%arg0: i32) -> (i32, i32) {
    %c0_i32 = arith.constant 0 : i32
    %c0_i32_0 = arith.constant 0 : i32
    %c0_i32_1 = arith.constant 0 : i32
    return %c0_i32, %c0_i32_0 : i32, i32
  }
  func.func @transform_3(%arg0: i32) -> (i32, i32) {
    %c0_i32 = arith.constant 0 : i32
    %c0_i32_0 = arith.constant 0 : i32
    %c0_i32_1 = arith.constant 0 : i32
    return %c0_i32, %c0_i32_0 : i32, i32
  }
  func.func @transform_4(%arg0: i32) -> (i32, i32, i32) {
    %c0_i32 = arith.constant 0 : i32
    %c0_i32_0 = arith.constant 0 : i32
    %c0_i32_1 = arith.constant 0 : i32
    return %arg0, %c0_i32, %c0_i32_0 : i32, i32, i32
  }
}

</mosaic_0001>

<sc_bundles>
// kernel: kernel.11.cloned.1.call-start
scs
__scs_entry_jumppad:
0x0: {  	(pc) =	sbr.rel $0x88, $3  }
0x1: {  	(tag) =	ssettag $0x0;
	lr =	simm.s32 $0x1  }
0x2: {  	[smem:$0x3F8D] =	sst lr;
	_ =	strace $0xD0000000  }
0x3: {  	_ = 	snop  }
0x4: {  	_ = 	snop  }
0x5: {  	_ = 	snop  }
0x6: {  	_ = 	snop  }
0x7: {  	_ = 	snop  }
__scs_overlays_trampoline_lowered:
0x8: {  	[smem:$0x3F9C] =	sst s0  }
0x9: {  	[smem:$0x3F9D] =	sst s1  }
0xa: {  	[smem:$0x3F9E] =	sst s2  }
0xb: {  	[smem:$0x3F9F] =	sst s3  }
0xc: {  	[smem:$0x3FA0] =	sst s4  }
0xd: {  	[smem:$0x3FA1] =	sst s5  }
0xe: {  	[smem:$0x3FA2] =	sst s6  }
0xf: {  	[smem:$0x3FA3] =	sst s7  }
0x10: {  	[smem:$0x3FA4] =	sst s8  }
0x11: {  	[smem:$0x3FA5] =	sst s9;
	s0 =	simm.s32 @!p0 $0x0  }
0x12: {  	s1 =	sld [smem:$0x3F8B];
	s0 =	simm.s32 @p0 $0x1  }
0x13: {  	[smem:$0x3FA6] =	sst s0;
	s0 =	simm.s32 @!p1 $0x0  }
0x14: {  	s2 =	sld [smem:$0x3F8A];
	s0 =	simm.s32 @p1 $0x1  }
0x15: {  	[smem:$0x3FA7] =	sst s0;
	s0 =	simm.s32 @!p2 $0x0  }
0x16: {  	s3 =	sld [smem:$0x3FDB];
	s0 =	simm.s32 @p2 $0x1  }
0x17: {  	s4 =	simm.s32 $0x1BF5;
	[smem:$0x3FA9] =	sst s0  }
0x18: {  	s0 =	sld [smem:$0x3F8C];
	_ =	swait.ge [sflag:s4], $0x0  }
0x19: {  	s7 =	sld [smem:$0x3F8D]  }
0x1a: {  	s8 =	sadd.s32 $0xFFFFE003, lr  }
0x1b: {  	s9 =	sadd.s32 $0xFFFFFEF7, lr;
	s5 =	simm.s32 $0xFFFFFFFF;
	p2 =	slt.u32 s8, $0xFFFFF086  }
0x1c: {  	p1 =	slt.u32 s9, $0xF7A;
	s5 =	simm.s32 @!p2 $0x0  }
0x1d: {  	s5 =	simm.s32 @p1 $0x1;
	p0 =	seq.s32 s7, s2  }
0x1e: {  	s7 =	smul.u32 @!p0 $0xF7A, s2;
	p2 =	seq.s32 @!p0 s5, $0x0  }
0x1f: {  	s9 =	smul.u32 $0xF7A, s1;
	s8 =	simm.s32 @!p0 $0x1BF5;
	p2 =	por !p2, p0  }
0x20: {  	[sflag:s8] =	ssyncset.s32 @!p0 $0xFFFFF086;
	s6 =	sadd.s32 @!p0 s3, s7;
	s7 =	simm.s32 @!p0 $0x108  }
0x21: {  	s3 =	sadd.s32 s3, s9;
	s6 =	sadd.s32 @!p0 $0x88, s6;
	s7 =	simm.s32 @p2 $0x1082  }
0x22: {  	[simem:s7], [sflag:s8] =	dma.local @!p0 [hbm:s6], $0xF7A  }
0x23: {  	s9 =	sor.u32 $0xD0000000, s2;
	s6 =	simm.s32 $0x108;
	_ =	swait.ge @!p0 [sflag:s8], $0x0  }
0x24: {  	s3 =	sadd.s32 $0x88, s3;
	s6 =	simm.s32 @!p1 $0x1082;
	[sflag:s4] =	ssyncset.s32 $0xFFFFF086  }
0x25: {  	[simem:s6], [sflag:s4] =	dma.local [hbm:s3], $0xF7A  }
0x26: {  	[smem:$0x3F8D] =	sst s1;
	(tag) =	ssettag s2;
	_ =	strace s9  }
0x27: {  	s1 =	sld [smem:$0x3F9D]  }
0x28: {  	s2 =	sld [smem:$0x3F9E]  }
0x29: {  	s4 =	sld [smem:$0x3FA0]  }
0x2a: {  	p0 =	seq.s32 s5, $0x0;
	s5 =	sld [smem:$0x3FA1]  }
0x2b: {  	s6 =	sld [smem:$0x3FA2]  }
0x2c: {  	s7 =	sld [smem:$0x3FA3]  }
0x2d: {  	s3 =	simm.s32 $0x108;
	s8 =	sld [smem:$0x3FA4]  }
0x2e: {  	s3 =	simm.s32 @!p0 $0x1082;
	s9 =	sld [smem:$0x3FA5]  }
0x2f: {  	lr =	sadd.s32 s0, s3;
	s0 =	sld [smem:$0x3F9C]  }
0x30: {  	s3 =	sld [smem:$0x3F9F]  }
0x31: {  	[smem:$0x3FA8] =	sst s10  }
0x32: {  	s10 =	sld [smem:$0x3FA6];
	_ =	sdelay $0x3  }
0x33: {  	p0 =	seq.s32 s10, $0x1;
	s10 =	sld [smem:$0x3FA8];
	_ =	sdelay $0x3  }
0x34: {  	[smem:$0x3FA8] =	sst s10  }
0x35: {  	s10 =	sld [smem:$0x3FA7];
	_ =	sdelay $0x3  }
0x36: {  	p1 =	seq.s32 s10, $0x1;
	s10 =	sld [smem:$0x3FA8];
	_ =	sdelay $0x3  }
0x37: {  	[smem:$0x3FA8] =	sst s10  }
0x38: {  	s10 =	sld [smem:$0x3FA9]  }
0x39: {  	_ = 	snop;
	(pc) =	sbr.ind lr, $3  }
0x3a: {  	_ = 	snop  }
0x3b: {  	_ = 	snop  }
0x3c: {  	p2 =	seq.s32 s10, $0x1;
	s10 =	sld [smem:$0x3FA8]  }
0x3d: {  	_ =	shalt  }
0x3e: {  	_ =	shalt  }
0x3f: {  	_ =	shalt  }
0x40: {  	_ =	shalt  }
0x41: {  	_ =	shalt  }
0x42: {  	_ =	shalt  }
0x43: {  	_ =	shalt  }
0x44: {  	_ =	shalt  }
0x45: {  	_ =	shalt  }
0x46: {  	_ =	shalt  }
0x47: {  	_ =	shalt  }
0x48: {  	_ =	shalt  }
0x49: {  	_ =	shalt  }
0x4a: {  	_ =	shalt  }
0x4b: {  	_ =	shalt  }
0x4c: {  	_ =	shalt  }
0x4d: {  	_ =	shalt  }
0x4e: {  	_ =	shalt  }
0x4f: {  	_ =	shalt  }
0x50: {  	_ =	shalt  }
0x51: {  	_ =	shalt  }
0x52: {  	_ =	shalt  }
0x53: {  	_ =	shalt  }
0x54: {  	_ =	shalt  }
0x55: {  	_ =	shalt  }
0x56: {  	_ =	shalt  }
0x57: {  	_ =	shalt  }
0x58: {  	_ =	shalt  }
0x59: {  	_ =	shalt  }
0x5a: {  	_ =	shalt  }
0x5b: {  	_ =	shalt  }
0x5c: {  	_ =	shalt  }
0x5d: {  	_ =	shalt  }
0x5e: {  	_ =	shalt  }
0x5f: {  	_ =	shalt  }
0x60: {  	_ =	shalt  }
0x61: {  	_ =	shalt  }
0x62: {  	_ =	shalt  }
0x63: {  	_ =	shalt  }
0x64: {  	_ =	shalt  }
0x65: {  	_ =	shalt  }
0x66: {  	_ =	shalt  }
0x67: {  	_ =	shalt  }
0x68: {  	_ =	shalt  }
0x69: {  	_ =	shalt  }
0x6a: {  	_ =	shalt  }
0x6b: {  	_ =	shalt  }
0x6c: {  	_ =	shalt  }
0x6d: {  	_ =	shalt  }
0x6e: {  	_ =	shalt  }
0x6f: {  	_ =	shalt  }
0x70: {  	_ =	shalt  }
0x71: {  	_ =	shalt  }
0x72: {  	_ =	shalt  }
0x73: {  	_ =	shalt  }
0x74: {  	_ =	shalt  }
0x75: {  	_ =	shalt  }
0x76: {  	_ =	shalt  }
0x77: {  	_ =	shalt  }
0x78: {  	_ =	shalt  }
0x79: {  	_ =	shalt  }
0x7a: {  	_ =	shalt  }
0x7b: {  	_ =	shalt  }
0x7c: {  	_ =	shalt  }
0x7d: {  	_ =	shalt  }
0x7e: {  	_ =	shalt  }
0x7f: {  	_ =	shalt  }
0x80: {  	_ =	shalt  }
0x81: {  	_ =	shalt  }
0x82: {  	_ =	shalt  }
0x83: {  	_ =	shalt  }
0x84: {  	_ =	shalt  }
0x85: {  	_ =	shalt  }
0x86: {  	_ =	shalt  }
0x87: {  	_ =	shalt  }
.Lfunc_end0:
.L_simem_size_0:
called_computation_lowered:
.L_overlay_start_0:
0x88: {  	s2 =	sld [smem:$0x3FD9]  }
0x89: {  	s3 =	sld [smem:$0x3FFE];
	_ =	sdelay $0x1  }
0x8a: {  	s1 =	srdreg.scid  }
0x8b: {  	s0 =	sand.u32 $0x1, s1  }
0x8c: {  	s14 =	sshll.u32 s0, $0xA;
	s2 =	sadd.s32 s3, s2  }
0x8d: {  	s2 =	sadd.s32 s2, s14  }
0x8e: {  	[smem:$0x3FB4] =	sst s2  }
0x8f: {  	_ = 	snop  }
0x90: {  	s2 =	sld [smem:$0x3FD0];
	_ =	sdelay $0x2  }
0x91: {  	s15 =	simm.s32 $0xA;
	s4 =	simm.s32 $0x10  }
0x92: {  	[smem:s4], [sflag:s15] =	dma.local [hbm:s2], $0x1  }
0x93: {  	_ =	swait.eq [sflag:s15], $0x1  }
0x94: {  	[sflag:s15] =	ssyncset.done $0x0  }
0x95: {  	[sflag:s15] =	ssyncadd.s32 $0xFFFFFFFF  }
0x96: {  	s16 =	sld [smem:$0x12];
	(tm) =	ssettm $0x1  }
0x97: {  	s17 =	sld [smem:$0x3FFB];
	_ =	sdelay $0x3  }
0x98: {  	_ =	strace s17  }
0x99: {  	s3 =	sld [smem:$0x3FFC];
	_ =	sdelay $0x3  }
0x9a: {  	_ =	strace s3  }
0x9b: {  	s3 =	sld [smem:$0x3FFD];
	_ =	sdelay $0x3  }
0x9c: {  	_ =	strace s3  }
0x9d: {  	_ =	strace $0x8FFFFFFF  }
0x9e: {  	s18 =	sld [smem:$0x3FDB];
	_ =	sdelay $0x1  }
0x9f: {  	s19 =	simm.s32 $_scs_section_size  }
0xa0: {  	s5 =	simm.s32 $_size__tile_overlayer_lowered;
	s6 =	simm.s32 $_tile_overlayer_lowered  }
0xa1: {  	s22 =	simm.s32 $0x1BFF;
	s21 =	sshll.u32 s6, $0x1;
	s3 =	sadd.s32 s19, s18  }
0xa2: {  	s7 =	simm.s32 $0x0;
	s20 =	sshll.u32 s5, $0x1;
	s5 =	sadd.s32 s21, s3  }
0xa3: {  	[timem:s7], [sflag:s22] =	dma.local [hbm:s5], s20  }
0xa4: {  	_ =	swait.ge [sflag:s22], s20  }
0xa5: {  	s4 =	ssub.s32 $0x0, s20;
	[sflag:s22] =	ssyncset.done $0x0  }
0xa6: {  	[sflag:s22] =	ssyncadd.s32 s4;
	_ =	sdelay $0x1  }
0xa7: {  	s23 =	simm.s32 $0x1B8B  }
0xa8: {  	_ =	swait.ge [sflag:s23], $0x1  }
0xa9: {  	[sflag:s23] =	ssyncset.done $0x0  }
0xaa: {  	s25 =	simm.s32 $0x1B8E;
	s24 =	sld [smem:$0x3FFE];
	[sflag:s23] =	ssyncadd.s32 $0xFFFFFFFF  }
0xab: {  	s26 =	simm.s32 $execute0_lowered;
	[smem:$0x3FD2] =	sst s25  }
0xac: {  	s5 =	sshll.u32 s26, $0x1;
	_ =	strace $0x80000046;
	[dreg:$0x1] =	wrdreg $0xFFFFFFFF  }
0xad: {  	s28 =	simm.s32 $_size_execute0_lowered;
	s3 =	sadd.s32 s3, s5;
	[dreg:$0x0] =	wrdreg $0x0  }
0xae: {  	s5 =	sshll.u32 s28, $0x1;
	[dreg:$0x2] =	wrdreg s3  }
0xaf: {  	[dreg:$0x3] =	wrdreg s5  }
0xb0: {  	[dreg:$0x4] =	wrdreg $0xC0  }
0xb1: {  	_ =	task [dreg:s7], $0x5FFFF  }
0xb2: {  	[dreg:$0x1] =	wrdreg $0xFFFFFFFF  }
0xb3: {  	[dreg:$0x0] =	wrdreg $0x60  }
0xb4: {  	[dreg:$0x2] =	wrdreg s24  }
0xb5: {  	[dreg:$0x3] =	wrdreg s16  }
0xb6: {  	[dreg:$0x4] =	wrdreg $0x5C000  }
0xb7: {  	[dreg:$0x5] =	wrdreg $0x9  }
0xb8: {  	_ =	task.clear_ibuf [dreg:s7], $0x6FFFF;
	_ =	strace $0x90000046  }
0xb9: {  	s29 =	simm.s32 $0x9;
	_ =	strace $0x80000048  }
0xba: {  	_ =	swait.ge [sflag:s29], $0x1  }
0xbb: {  	[sflag:s29] =	ssyncadd.s32 $0xFFFFFFFF  }
0xbc: {  	_ =	strace $0x90000048  }
0xbd: {  	_ =	sfence  }
0xbe: {  	s30 =	sld [smem:$0x0];
	_ =	sdelay $0x2  }
0xbf: {  	s31 =	sshll.u32 s1, $0xD;
	s1 =	sshrl.u32 s1, $0x2  }
0xc0: {  	s3 =	sand.u32 $0x4000, s31;
	s1 =	sadd.s32 s1, s30  }
0xc1: {  	s0 =	sor.u32 s3, s0;
	s1 =	sshll.u32 s1, $0x11  }
0xc2: {  	s0 =	sor.u32 s1, s0  }
0xc3: {  	s0 =	sadd.s32 $0x8F2B, s0  }
0xc4: {  	[sflag:s0] =	ssyncadd.remote.s32 $0x1  }
0xc5: {  	_ =	sfence.sel $0xFFFF  }
0xc6: {  	[dreg:$0x0] =	wrdreg $0xFFFFFFFF;
	(pc) =	sbr.abs _section_cstart, $3  }
0xc7: {  	[dreg:$0x1] =	wrdreg $0xFFFFFFFF  }
0xc8: {  	_ =	task.clear_ibuf [dreg:s7], $0x2FFFF;
	_ =	strace $0x9FFFFFFF  }
0xc9: {  	(tm) =	ssettm $0x7FFFFFFF  }
tec
execute0_lowered:
.L_overlay_start_1:
0x0: {  	(tag) =	ssettag $0x1  }
0x1: {  	s5 =	rddreg [dreg:$0x0]  }
0x2: {  	s6 =	rddreg [dreg:$0x1]  }
0x3: {  	s1 =	rddreg [dreg:$0x2]  }
0x4: {  	s0 =	rddreg [dreg:$0x3];
	s2 =	simm.s32 $0x0;
	s3 =	srdreg.scid  }
0x5: {  	s18 =	simm.s32 $0x1400;
	s19 =	simm.s32 $0x1;
	[smem:$0x7FF] =	sst s2  }
0x6: {  	s7 =	sand.u32 $0x1, s3;
	s4 =	sadd.s32 $0x1EE800, s5;
	s3 =	stileid.u32  }
0x7: {  	s10 =	sadd.s32 $0x4800, s5;
	s12 =	sadd.s32 $0x9800, s5;
	s11 =	smul.u32 $0x16800, s3  }
0x8: {  	s13 =	sadd.s32 $0xE800, s5;
	_ =	strace $0x80000047;
	s20 =	smul.u32 $0x280, s3  }
0x9: {  	s8 =	ssub.s32 $0x2, s7;
	s21 =	sshll.u32 s7, $0x4;
	s16 =	smul.u32 $0x2800, s7  }
0xa: {  	s25 =	sor.u32 $0x2, s7;
	s30 =	sshll.u32 s3, $0x6;
	s9 =	sshrl.u32 s8, $0x1  }
0xb: {  	s23 =	sor.u32 s3, s21;
	s28 =	sshll.u32 s25, $0x4;
	s29 =	smul.u32 $0x2800, s25  }
0xc: {  	s14 =	ssub.s32 s8, s9;
	s15 =	sadd.s32 s11, s1;
	s22 =	sshrl.u32 s11, $0x3  }
0xd: {  	s24 =	smul.u32 $0x140, s23;
	s26 =	sadd.s32 s20, s16;
	s31 =	sor.u32 s3, s28  }
0xe: {  	s5 =	sadd.s32 s6, s22;
	s17 =	smul.u32 $0x12, s26;
	s6 =	sor.u32 $0x1C02, s30  }
0xf: {  	s11 =	smul.u32 $0x140, s31;
	s16 =	sadd.s32 s20, s29;
	s20 =	simm.s32 $0x0  }
0x10: {  	s7 =	sadd.s32 s10, s24;
	s8 =	sadd.s32 s12, s24;
	s16 =	smul.u32 $0x12, s16  }
0x11: {  	s9 =	sadd.s32 s13, s17;
	s10 =	sadd.s32 s10, s11;
	s11 =	sadd.s32 s12, s11  }
0x12: {  	s17 =	simm.s32 $0x80;
	s12 =	sadd.s32 s13, s16;
	s13 =	smax.u32 s14, $0x1  }
0x13: {  	s14 =	sshrl.u32 s15, $0x3;
	s15 =	simm.s32 $0x2;
	s16 =	simm.s32 $0xA00  }
.LBB2_1:
0x14: {  	[spmem:s14], [sflag:s6] =	dma.local [hbm:s5], $0x2D00  }
0x15: {  	_ =	swait.ge [sflag:s15], $0x2D00  }
0x16: {  	[sflag:s15] =	ssyncset.done $0x0  }
0x17: {  	[sflag:s15] =	ssyncadd.s32 $0xFFFFD300  }
0x18: {  	[tilespmem:s2], [sflag:$0x2] =	stream.linear.gather [hbm4b:s7+s2], $0xA00, $0x38;
	[tilespmem:$0x1C400] =	vst v63  }
0x19: {  	_ =	swait.ge [sflag:s15], $0xA00  }
0x1a: {  	[sflag:s15] =	ssyncset.done $0x0  }
0x1b: {  	[sflag:s15] =	ssyncadd.s32 $0xFFFFF600  }
0x1c: {  	[tilespmem:s16], [sflag:$0x2] =	stream.linear.gather [hbm4b:s8+s2], $0xA00, $0x38;
	[tilespmem:$0x1C400] =	vst v63  }
0x1d: {  	_ =	swait.ge [sflag:s15], $0xA00  }
0x1e: {  	[sflag:s15] =	ssyncset.done $0x0  }
0x1f: {  	[sflag:s15] =	ssyncadd.s32 $0xFFFFF600  }
0x20: {  	s21 =	simm.s32 $0x0;
	[bflag:$0x0] =	sbarrier.arrive $0xFFFF  }
0x21: {  	[tilespmem:s18], [sflag:$0x1] =	stream.indirect.gather [hbm4b:s4+s17], $0x90, s21, s17, $0xb8;
	[tilespmem:$0x1C400] =	vst v63  }
0x22: {  	_ =	swait.ge [sflag:s19], $0x4800  }
0x23: {  	[sflag:s19] =	ssyncset.done $0x0  }
0x24: {  	s31 =	simm.s32 $0xA00;
	[sflag:s19] =	ssyncadd.s32 $0xFFFFB800  }
0x25: {  	[spmem:s1] =	stream.indirect.scatter.add.f32 [tilespmem:s18], [sflag:$0x2], $0x90, s31, s17, $0xb8;
	[tilespmem:$0x1C400] =	vst v63  }
0x26: {  	_ =	swait.ge [sflag:s15], $0x4800  }
0x27: {  	s22 =	simm.s32 $0x400;
	s21 =	simm.s32 $0x200;
	[sflag:s15] =	ssyncset.done $0x0  }
.LBB2_2:
0x28: {  	s23 =	sshra.s32 s21, $0x2  }
0x29: {  	[sflag:s15] =	ssyncadd.s32 $0xFFFFB800;
	s21 =	smov.u32 s22;
	s24 =	sadd.s32 $0x200, s22  }
0x2a: {  	[tilespmem:s18], [sflag:$0x1] =	stream.indirect.gather [hbm4b:s4+s17], $0x90, s23, s17, $0xb8;
	[tilespmem:$0x1C400] =	vst v63  }
0x2b: {  	p0 =	sne.s32 s22, $0x2600;
	_ =	swait.ge [sflag:s19], $0x4800  }
.Ltmp0:
0x2c: {  	[sflag:s19] =	ssyncset.done $0x0;
	(pc) =	sbr.rel @p0 .LBB2_2-.Ltmp0, $4  }
0x2d: {  	s22 =	sadd.s32 $0xA00, s23;
	[sflag:s19] =	ssyncadd.s32 $0xFFFFB800  }
0x2e: {  	[spmem:s1] =	stream.indirect.scatter.add.f32 [tilespmem:s18], [sflag:$0x2], $0x90, s22, s17, $0xb8;
	[tilespmem:$0x1C400] =	vst v63  }
0x2f: {  	_ =	swait.ge [sflag:s15], $0x4800  }
0x30: {  	s22 =	smov.u32 s24;
	[sflag:s15] =	ssyncset.done $0x0  }
0x31: {  	s21 =	sshra.s32 s21, $0x2;
	[sflag:s15] =	ssyncadd.s32 $0xFFFFB800  }
0x32: {  	[tilespmem:s18], [sflag:$0x1] =	stream.indirect.gather [hbm4b:s4+s17], $0x90, s21, s17, $0xb8;
	[tilespmem:$0x1C400] =	vst v63  }
0x33: {  	_ =	swait.ge [sflag:s19], $0x4800  }
0x34: {  	[sflag:s19] =	ssyncset.done $0x0  }
0x35: {  	s21 =	sadd.s32 $0xA00, s21;
	[sflag:s19] =	ssyncadd.s32 $0xFFFFB800  }
0x36: {  	[spmem:s1] =	stream.indirect.scatter.add.f32 [tilespmem:s18], [sflag:$0x2], $0x90, s21, s17, $0xb8;
	[tilespmem:$0x1C400] =	vst v63  }
0x37: {  	_ =	swait.ge [sflag:s15], $0x4800  }
0x38: {  	[sflag:s15] =	ssyncset.done $0x0  }
0x39: {  	[sflag:s15] =	ssyncadd.s32 $0xFFFFB800  }
0x3a: {  	[bflag:$0x0] =	sbarrier.arrive $0xFFFF  }
0x3b: {  	[hbm:s9], [sflag:s6] =	dma.local [spmem:s14], $0x2D00  }
0x3c: {  	_ =	swait.ge [sflag:s15], $0x2D00  }
0x3d: {  	[sflag:s15] =	ssyncset.done $0x0  }
0x3e: {  	[sflag:s15] =	ssyncadd.s32 $0xFFFFD300  }
0x3f: {  	[bflag:$0x0] =	sbarrier.arrive $0xFFFF  }
0x40: {  	[spmem:s14], [sflag:s6] =	dma.local [hbm:s5], $0x2D00  }
0x41: {  	_ =	swait.ge [sflag:s15], $0x2D00  }
0x42: {  	[sflag:s15] =	ssyncset.done $0x0  }
0x43: {  	s29 =	simm.s32 $0x0;
	[sflag:s15] =	ssyncadd.s32 $0xFFFFD300  }
0x44: {  	[tilespmem:s29], [sflag:$0x2] =	stream.linear.gather [hbm4b:s10+s29], $0xA00, $0x38;
	[tilespmem:$0x1C400] =	vst v63  }
0x45: {  	_ =	swait.ge [sflag:s15], $0xA00  }
0x46: {  	[sflag:s15] =	ssyncset.done $0x0  }
0x47: {  	[sflag:s15] =	ssyncadd.s32 $0xFFFFF600  }
0x48: {  	[tilespmem:s16], [sflag:$0x2] =	stream.linear.gather [hbm4b:s11+s29], $0xA00, $0x38;
	[tilespmem:$0x1C400] =	vst v63  }
0x49: {  	_ =	swait.ge [sflag:s15], $0xA00  }
0x4a: {  	[sflag:s15] =	ssyncset.done $0x0  }
0x4b: {  	[sflag:s15] =	ssyncadd.s32 $0xFFFFF600  }
0x4c: {  	s30 =	simm.s32 $0x0;
	[bflag:$0x0] =	sbarrier.arrive $0xFFFF  }
0x4d: {  	[tilespmem:s18], [sflag:$0x1] =	stream.indirect.gather [hbm4b:s4+s17], $0x90, s30, s17, $0xb8;
	[tilespmem:$0x1C400] =	vst v63  }
0x4e: {  	_ =	swait.ge [sflag:s19], $0x4800  }
0x4f: {  	[sflag:s19] =	ssyncset.done $0x0  }
0x50: {  	s31 =	simm.s32 $0xA00;
	[sflag:s19] =	ssyncadd.s32 $0xFFFFB800  }
0x51: {  	[spmem:s1] =	stream.indirect.scatter.add.f32 [tilespmem:s18], [sflag:$0x2], $0x90, s31, s17, $0xb8;
	[tilespmem:$0x1C400] =	vst v63  }
0x52: {  	_ =	swait.ge [sflag:s15], $0x4800  }
0x53: {  	s22 =	simm.s32 $0x400;
	s21 =	simm.s32 $0x200;
	[sflag:s15] =	ssyncset.done $0x0  }
.LBB2_4:
0x54: {  	s23 =	sshra.s32 s21, $0x2  }
0x55: {  	[sflag:s15] =	ssyncadd.s32 $0xFFFFB800;
	s21 =	smov.u32 s22;
	s24 =	sadd.s32 $0x200, s22  }
0x56: {  	[tilespmem:s18], [sflag:$0x1] =	stream.indirect.gather [hbm4b:s4+s17], $0x90, s23, s17, $0xb8;
	[tilespmem:$0x1C400] =	vst v63  }
0x57: {  	p0 =	sne.s32 s22, $0x2600;
	_ =	swait.ge [sflag:s19], $0x4800  }
.Ltmp1:
0x58: {  	[sflag:s19] =	ssyncset.done $0x0;
	(pc) =	sbr.rel @p0 .LBB2_4-.Ltmp1, $4  }
0x59: {  	s22 =	sadd.s32 $0xA00, s23;
	[sflag:s19] =	ssyncadd.s32 $0xFFFFB800  }
0x5a: {  	[spmem:s1] =	stream.indirect.scatter.add.f32 [tilespmem:s18], [sflag:$0x2], $0x90, s22, s17, $0xb8;
	[tilespmem:$0x1C400] =	vst v63  }
0x5b: {  	_ =	swait.ge [sflag:s15], $0x4800  }
0x5c: {  	s22 =	smov.u32 s24;
	[sflag:s15] =	ssyncset.done $0x0  }
0x5d: {  	s21 =	sshra.s32 s21, $0x2;
	[sflag:s15] =	ssyncadd.s32 $0xFFFFB800  }
0x5e: {  	[tilespmem:s18], [sflag:$0x1] =	stream.indirect.gather [hbm4b:s4+s17], $0x90, s21, s17, $0xb8;
	[tilespmem:$0x1C400] =	vst v63  }
0x5f: {  	_ =	swait.ge [sflag:s19], $0x4800  }
0x60: {  	[sflag:s19] =	ssyncset.done $0x0  }
0x61: {  	s21 =	sadd.s32 $0xA00, s21;
	[sflag:s19] =	ssyncadd.s32 $0xFFFFB800  }
0x62: {  	[spmem:s1] =	stream.indirect.scatter.add.f32 [tilespmem:s18], [sflag:$0x2], $0x90, s21, s17, $0xb8;
	[tilespmem:$0x1C400] =	vst v63  }
0x63: {  	_ =	swait.ge [sflag:s15], $0x4800  }
0x64: {  	[sflag:s15] =	ssyncset.done $0x0  }
0x65: {  	s20 =	sadd.s32 $0x1, s20;
	[sflag:s15] =	ssyncadd.s32 $0xFFFFB800  }
0x66: {  	p0 =	sne.s32 s20, s13;
	[bflag:$0x0] =	sbarrier.arrive $0xFFFF  }
0x67: {  	[hbm:s12], [sflag:s6] =	dma.local [spmem:s14], $0x2D00  }
.Ltmp2:
0x68: {  	_ =	swait.ge [sflag:s15], $0x2D00;
	(pc) =	sbr.rel @p0 .LBB2_1-.Ltmp2, $3  }
0x69: {  	[sflag:s15] =	ssyncset.done $0x0  }
0x6a: {  	[sflag:s15] =	ssyncadd.s32 $0xFFFFD300  }
0x6b: {  	[bflag:$0x0] =	sbarrier.arrive $0xFFFF;
	_ =	sdelay $0x1  }
0x6c: {  	_ =	sfence.sel $0x180000  }
0x6d: {  	[bflag:$0x0] =	sbarrier.arrive $0xFFFF  }
0x6e: {  	p0 =	sne.s32 s3, $0x0;
	_ =	strace $0x90000047  }
0x6f: {  	s0 =	sadd.s32 @!p0 $0x100000, s0;
	[bflag:$0x2] =	sbarrier.arrive $0xFFFF  }
0x70: {  	[sflag:s0] =	ssyncadd.tile.s32 @!p0 $0x1;
	_ =	shalt  }
.Lfunc_end2:
_tile_overlayer_lowered:
.L_overlay_start_2:
0x71: {  	(tag) =	ssettag $0x2  }
0x72: {  	s0 =	rddreg [dreg:$0x0];
	s2 =	stileid.u32  }
0x73: {  	s1 =	rddreg [dreg:$0x1];
	p0 =	sne.s32 s2, $0x0  }
0x74: {  	s3 =	rddreg [dreg:$0x2];
	[bflag:$0x3] =	sbarrier.arrive $0xFFFF;
	s2 =	simm.s32 @!p0 $0x1C02  }
0x75: {  	[timem:s3], [sflag:s2] =	dma.local @!p0 [hbm:s0], s1  }
0x76: {  	s0 =	simm.s32 @!p0 $0x2  }
0x77: {  	_ =	swait.ge @!p0 [sflag:s0], s1  }
0x78: {  	s1 =	ssub.s32 @!p0 $0x0, s1;
	[sflag:s0] =	ssyncset.done @!p0 $0x0  }
0x79: {  	[sflag:s0] =	ssyncadd.s32 @!p0 s1  }
0x7a: {  	[bflag:$0x3] =	sbarrier.arrive $0xFFFF  }
0x7b: {  	_ =	shalt  }

// kernel: kernel.14.cloned.1.call-start
scs
__scs_entry_jumppad:
0x0: {  	(pc) =	sbr.rel $0x88, $3  }
0x1: {  	(tag) =	ssettag $0x0;
	lr =	simm.s32 $0x1  }
0x2: {  	[smem:$0x3F8D] =	sst lr;
	_ =	strace $0xD0000000  }
0x3: {  	_ = 	snop  }
0x4: {  	_ = 	snop  }
0x5: {  	_ = 	snop  }
0x6: {  	_ = 	snop  }
0x7: {  	_ = 	snop  }
__scs_overlays_trampoline_lowered:
0x8: {  	[smem:$0x3F9C] =	sst s0  }
0x9: {  	[smem:$0x3F9D] =	sst s1  }
0xa: {  	[smem:$0x3F9E] =	sst s2  }
0xb: {  	[smem:$0x3F9F] =	sst s3  }
0xc: {  	[smem:$0x3FA0] =	sst s4  }
0xd: {  	[smem:$0x3FA1] =	sst s5  }
0xe: {  	[smem:$0x3FA2] =	sst s6  }
0xf: {  	[smem:$0x3FA3] =	sst s7  }
0x10: {  	[smem:$0x3FA4] =	sst s8  }
0x11: {  	[smem:$0x3FA5] =	sst s9;
	s0 =	simm.s32 @!p0 $0x0  }
0x12: {  	s1 =	sld [smem:$0x3F8B];
	s0 =	simm.s32 @p0 $0x1  }
0x13: {  	[smem:$0x3FA6] =	sst s0;
	s0 =	simm.s32 @!p1 $0x0  }
0x14: {  	s2 =	sld [smem:$0x3F8A];
	s0 =	simm.s32 @p1 $0x1  }
0x15: {  	[smem:$0x3FA7] =	sst s0;
	s0 =	simm.s32 @!p2 $0x0  }
0x16: {  	s3 =	sld [smem:$0x3FDB];
	s0 =	simm.s32 @p2 $0x1  }
0x17: {  	s4 =	simm.s32 $0x1BF5;
	[smem:$0x3FA9] =	sst s0  }
0x18: {  	s0 =	sld [smem:$0x3F8C];
	_ =	swait.ge [sflag:s4], $0x0  }
0x19: {  	s7 =	sld [smem:$0x3F8D]  }
0x1a: {  	s8 =	sadd.s32 $0xFFFFE003, lr  }
0x1b: {  	s9 =	sadd.s32 $0xFFFFFEF7, lr;
	s5 =	simm.s32 $0xFFFFFFFF;
	p2 =	slt.u32 s8, $0xFFFFF086  }
0x1c: {  	p1 =	slt.u32 s9, $0xF7A;
	s5 =	simm.s32 @!p2 $0x0  }
0x1d: {  	s5 =	simm.s32 @p1 $0x1;
	p0 =	seq.s32 s7, s2  }
0x1e: {  	s7 =	smul.u32 @!p0 $0xF7A, s2;
	p2 =	seq.s32 @!p0 s5, $0x0  }
0x1f: {  	s9 =	smul.u32 $0xF7A, s1;
	s8 =	simm.s32 @!p0 $0x1BF5;
	p2 =	por !p2, p0  }
0x20: {  	[sflag:s8] =	ssyncset.s32 @!p0 $0xFFFFF086;
	s6 =	sadd.s32 @!p0 s3, s7;
	s7 =	simm.s32 @!p0 $0x108  }
0x21: {  	s3 =	sadd.s32 s3, s9;
	s6 =	sadd.s32 @!p0 $0x88, s6;
	s7 =	simm.s32 @p2 $0x1082  }
0x22: {  	[simem:s7], [sflag:s8] =	dma.local @!p0 [hbm:s6], $0xF7A  }
0x23: {  	s9 =	sor.u32 $0xD0000000, s2;
	s6 =	simm.s32 $0x108;
	_ =	swait.ge @!p0 [sflag:s8], $0x0  }
0x24: {  	s3 =	sadd.s32 $0x88, s3;
	s6 =	simm.s32 @!p1 $0x1082;
	[sflag:s4] =	ssyncset.s32 $0xFFFFF086  }
0x25: {  	[simem:s6], [sflag:s4] =	dma.local [hbm:s3], $0xF7A  }
0x26: {  	[smem:$0x3F8D] =	sst s1;
	(tag) =	ssettag s2;
	_ =	strace s9  }
0x27: {  	s1 =	sld [smem:$0x3F9D]  }
0x28: {  	s2 =	sld [smem:$0x3F9E]  }
0x29: {  	s4 =	sld [smem:$0x3FA0]  }
0x2a: {  	p0 =	seq.s32 s5, $0x0;
	s5 =	sld [smem:$0x3FA1]  }
0x2b: {  	s6 =	sld [smem:$0x3FA2]  }
0x2c: {  	s7 =	sld [smem:$0x3FA3]  }
0x2d: {  	s3 =	simm.s32 $0x108;
	s8 =	sld [smem:$0x3FA4]  }
0x2e: {  	s3 =	simm.s32 @!p0 $0x1082;
	s9 =	sld [smem:$0x3FA5]  }
0x2f: {  	lr =	sadd.s32 s0, s3;
	s0 =	sld [smem:$0x3F9C]  }
0x30: {  	s3 =	sld [smem:$0x3F9F]  }
0x31: {  	[smem:$0x3FA8] =	sst s10  }
0x32: {  	s10 =	sld [smem:$0x3FA6];
	_ =	sdelay $0x3  }
0x33: {  	p0 =	seq.s32 s10, $0x1;
	s10 =	sld [smem:$0x3FA8];
	_ =	sdelay $0x3  }
0x34: {  	[smem:$0x3FA8] =	sst s10  }
0x35: {  	s10 =	sld [smem:$0x3FA7];
	_ =	sdelay $0x3  }
0x36: {  	p1 =	seq.s32 s10, $0x1;
	s10 =	sld [smem:$0x3FA8];
	_ =	sdelay $0x3  }
0x37: {  	[smem:$0x3FA8] =	sst s10  }
0x38: {  	s10 =	sld [smem:$0x3FA9]  }
0x39: {  	_ = 	snop;
	(pc) =	sbr.ind lr, $3  }
0x3a: {  	_ = 	snop  }
0x3b: {  	_ = 	snop  }
0x3c: {  	p2 =	seq.s32 s10, $0x1;
	s10 =	sld [smem:$0x3FA8]  }
0x3d: {  	_ =	shalt  }
0x3e: {  	_ =	shalt  }
0x3f: {  	_ =	shalt  }
0x40: {  	_ =	shalt  }
0x41: {  	_ =	shalt  }
0x42: {  	_ =	shalt  }
0x43: {  	_ =	shalt  }
0x44: {  	_ =	shalt  }
0x45: {  	_ =	shalt  }
0x46: {  	_ =	shalt  }
0x47: {  	_ =	shalt  }
0x48: {  	_ =	shalt  }
0x49: {  	_ =	shalt  }
0x4a: {  	_ =	shalt  }
0x4b: {  	_ =	shalt  }
0x4c: {  	_ =	shalt  }
0x4d: {  	_ =	shalt  }
0x4e: {  	_ =	shalt  }
0x4f: {  	_ =	shalt  }
0x50: {  	_ =	shalt  }
0x51: {  	_ =	shalt  }
0x52: {  	_ =	shalt  }
0x53: {  	_ =	shalt  }
0x54: {  	_ =	shalt  }
0x55: {  	_ =	shalt  }
0x56: {  	_ =	shalt  }
0x57: {  	_ =	shalt  }
0x58: {  	_ =	shalt  }
0x59: {  	_ =	shalt  }
0x5a: {  	_ =	shalt  }
0x5b: {  	_ =	shalt  }
0x5c: {  	_ =	shalt  }
0x5d: {  	_ =	shalt  }
0x5e: {  	_ =	shalt  }
0x5f: {  	_ =	shalt  }
0x60: {  	_ =	shalt  }
0x61: {  	_ =	shalt  }
0x62: {  	_ =	shalt  }
0x63: {  	_ =	shalt  }
0x64: {  	_ =	shalt  }
0x65: {  	_ =	shalt  }
0x66: {  	_ =	shalt  }
0x67: {  	_ =	shalt  }
0x68: {  	_ =	shalt  }
0x69: {  	_ =	shalt  }
0x6a: {  	_ =	shalt  }
0x6b: {  	_ =	shalt  }
0x6c: {  	_ =	shalt  }
0x6d: {  	_ =	shalt  }
0x6e: {  	_ =	shalt  }
0x6f: {  	_ =	shalt  }
0x70: {  	_ =	shalt  }
0x71: {  	_ =	shalt  }
0x72: {  	_ =	shalt  }
0x73: {  	_ =	shalt  }
0x74: {  	_ =	shalt  }
0x75: {  	_ =	shalt  }
0x76: {  	_ =	shalt  }
0x77: {  	_ =	shalt  }
0x78: {  	_ =	shalt  }
0x79: {  	_ =	shalt  }
0x7a: {  	_ =	shalt  }
0x7b: {  	_ =	shalt  }
0x7c: {  	_ =	shalt  }
0x7d: {  	_ =	shalt  }
0x7e: {  	_ =	shalt  }
0x7f: {  	_ =	shalt  }
0x80: {  	_ =	shalt  }
0x81: {  	_ =	shalt  }
0x82: {  	_ =	shalt  }
0x83: {  	_ =	shalt  }
0x84: {  	_ =	shalt  }
0x85: {  	_ =	shalt  }
0x86: {  	_ =	shalt  }
0x87: {  	_ =	shalt  }
.Lfunc_end0:
.L_simem_size_0:
called_computation.1_lowered:
.L_overlay_start_0:
0x88: {  	s2 =	sld [smem:$0x3FD9]  }
0x89: {  	s3 =	sld [smem:$0x3FFE];
	_ =	sdelay $0x1  }
0x8a: {  	s1 =	srdreg.scid  }
0x8b: {  	s0 =	sand.u32 $0x1, s1  }
0x8c: {  	s14 =	sshll.u32 s0, $0xA;
	s2 =	sadd.s32 s3, s2  }
0x8d: {  	s2 =	sadd.s32 s2, s14  }
0x8e: {  	[smem:$0x3FB4] =	sst s2  }
0x8f: {  	_ = 	snop  }
0x90: {  	s2 =	sld [smem:$0x3FD0];
	_ =	sdelay $0x2  }
0x91: {  	s15 =	simm.s32 $0xA;
	s4 =	simm.s32 $0x10  }
0x92: {  	[smem:s4], [sflag:s15] =	dma.local [hbm:s2], $0x1  }
0x93: {  	_ =	swait.eq [sflag:s15], $0x1  }
0x94: {  	[sflag:s15] =	ssyncset.done $0x0  }
0x95: {  	s16 =	sld [smem:$0x11];
	[sflag:s15] =	ssyncadd.s32 $0xFFFFFFFF  }
0x96: {  	s17 =	sld [smem:$0x12];
	(tm) =	ssettm $0x1  }
0x97: {  	s18 =	sld [smem:$0x3FFB];
	_ =	sdelay $0x3  }
0x98: {  	_ =	strace s18  }
0x99: {  	s4 =	sld [smem:$0x3FFC];
	_ =	sdelay $0x3  }
0x9a: {  	_ =	strace s4  }
0x9b: {  	s4 =	sld [smem:$0x3FFD];
	_ =	sdelay $0x3  }
0x9c: {  	_ =	strace s4  }
0x9d: {  	_ =	strace $0x8FFFFFFF  }
0x9e: {  	s19 =	sld [smem:$0x3FDB];
	_ =	sdelay $0x1  }
0x9f: {  	s5 =	simm.s32 $_scs_section_size  }
0xa0: {  	s6 =	simm.s32 $_size__tile_overlayer_lowered;
	s7 =	simm.s32 $_tile_overlayer_lowered  }
0xa1: {  	s22 =	simm.s32 $0x1BFF;
	s21 =	sshll.u32 s7, $0x1;
	s4 =	sadd.s32 s5, s19  }
0xa2: {  	s8 =	simm.s32 $0x0;
	s20 =	sshll.u32 s6, $0x1;
	s6 =	sadd.s32 s21, s4  }
0xa3: {  	[timem:s8], [sflag:s22] =	dma.local [hbm:s6], s20  }
0xa4: {  	_ =	swait.ge [sflag:s22], s20  }
0xa5: {  	s5 =	ssub.s32 $0x0, s20;
	[sflag:s22] =	ssyncset.done $0x0  }
0xa6: {  	[sflag:s22] =	ssyncadd.s32 s5;
	_ =	sdelay $0x1  }
0xa7: {  	s23 =	simm.s32 $0x1B8B  }
0xa8: {  	_ =	swait.ge [sflag:s23], $0x1  }
0xa9: {  	[sflag:s23] =	ssyncset.done $0x0  }
0xaa: {  	s25 =	simm.s32 $0x1B8E;
	s24 =	sld [smem:$0x3FFE];
	[sflag:s23] =	ssyncadd.s32 $0xFFFFFFFF  }
0xab: {  	s26 =	simm.s32 $execute0_lowered;
	[smem:$0x3FD2] =	sst s25  }
0xac: {  	s6 =	sshll.u32 s26, $0x1;
	_ =	strace $0x80000049;
	[dreg:$0x1] =	wrdreg $0xFFFFFFFF  }
0xad: {  	s28 =	simm.s32 $_size_execute0_lowered;
	s4 =	sadd.s32 s4, s6;
	[dreg:$0x0] =	wrdreg $0x0  }
0xae: {  	s6 =	sshll.u32 s28, $0x1;
	[dreg:$0x2] =	wrdreg s4  }
0xaf: {  	[dreg:$0x3] =	wrdreg s6  }
0xb0: {  	[dreg:$0x4] =	wrdreg $0xC0  }
0xb1: {  	_ =	task [dreg:s8], $0x5FFFF  }
0xb2: {  	[dreg:$0x1] =	wrdreg $0xFFFFFFFF  }
0xb3: {  	[dreg:$0x0] =	wrdreg $0x60  }
0xb4: {  	[dreg:$0x2] =	wrdreg s16  }
0xb5: {  	[dreg:$0x3] =	wrdreg s24  }
0xb6: {  	[dreg:$0x4] =	wrdreg s17  }
0xb7: {  	[dreg:$0x5] =	wrdreg $0x3C000  }
0xb8: {  	[dreg:$0x6] =	wrdreg $0x9  }
0xb9: {  	_ =	task.clear_ibuf [dreg:s8], $0x7FFFF;
	_ =	strace $0x90000049  }
0xba: {  	s29 =	simm.s32 $0x9;
	_ =	strace $0x8000004B  }
0xbb: {  	_ =	swait.ge [sflag:s29], $0x1  }
0xbc: {  	[sflag:s29] =	ssyncadd.s32 $0xFFFFFFFF  }
0xbd: {  	_ =	strace $0x9000004B  }
0xbe: {  	_ =	sfence  }
0xbf: {  	s30 =	sld [smem:$0x0];
	_ =	sdelay $0x2  }
0xc0: {  	s31 =	sshll.u32 s1, $0xD;
	s1 =	sshrl.u32 s1, $0x2  }
0xc1: {  	s3 =	sand.u32 $0x4000, s31;
	s1 =	sadd.s32 s1, s30  }
0xc2: {  	s0 =	sor.u32 s3, s0;
	s1 =	sshll.u32 s1, $0x11  }
0xc3: {  	s0 =	sor.u32 s1, s0  }
0xc4: {  	s0 =	sadd.s32 $0x8F2B, s0  }
0xc5: {  	[sflag:s0] =	ssyncadd.remote.s32 $0x1  }
0xc6: {  	_ =	sfence.sel $0xFFFF  }
0xc7: {  	[dreg:$0x0] =	wrdreg $0xFFFFFFFF;
	(pc) =	sbr.abs _section_cstart, $3  }
0xc8: {  	[dreg:$0x1] =	wrdreg $0xFFFFFFFF  }
0xc9: {  	_ =	task.clear_ibuf [dreg:s8], $0x2FFFF;
	_ =	strace $0x9FFFFFFF  }
0xca: {  	(tm) =	ssettm $0x7FFFFFFF  }
0xcb: {  	_ =	shalt  }
tec
execute0_lowered:
.L_overlay_start_1:
0x0: {  	(tag) =	ssettag $0x1  }
0x1: {  	s1 =	rddreg [dreg:$0x0]  }
0x2: {  	s5 =	rddreg [dreg:$0x1]  }
0x3: {  	s6 =	rddreg [dreg:$0x2]  }
0x4: {  	s2 =	rddreg [dreg:$0x3]  }
0x5: {  	s0 =	rddreg [dreg:$0x4];
	s3 =	simm.s32 $0x0  }
0x6: {  	s4 =	srdreg.scid;
	s18 =	simm.s32 $0x1400;
	s19 =	simm.s32 $0x1  }
0x7: {  	[smem:$0x7FF] =	sst s3;
	s7 =	sand.u32 $0x1, s4;
	s4 =	stileid.u32  }
0x8: {  	s10 =	sadd.s32 $0x4800, s5;
	s13 =	sadd.s32 $0x14E800, s5;
	s11 =	smul.u32 $0xC800, s4  }
0x9: {  	s12 =	sadd.s32 $0x9800, s5;
	_ =	strace $0x8000004A;
	s20 =	smul.u32 $0x280, s4  }
0xa: {  	s8 =	ssub.s32 $0x2, s7;
	s21 =	sshll.u32 s7, $0x4;
	s16 =	smul.u32 $0x2800, s7  }
0xb: {  	s25 =	sor.u32 $0x2, s7;
	s30 =	sshll.u32 s4, $0x6;
	s9 =	sshrl.u32 s8, $0x1  }
0xc: {  	s23 =	sor.u32 s4, s21;
	s28 =	sshll.u32 s25, $0x4;
	s29 =	smul.u32 $0x2800, s25  }
0xd: {  	s14 =	ssub.s32 s8, s9;
	s15 =	sadd.s32 s11, s2;
	s22 =	sshrl.u32 s11, $0x3  }
0xe: {  	s24 =	smul.u32 $0x140, s23;
	s26 =	sadd.s32 s20, s16;
	s31 =	sor.u32 s4, s28  }
0xf: {  	s5 =	sadd.s32 s6, s22;
	s17 =	smul.u32 $0xA, s26;
	s6 =	sor.u32 $0x1C02, s30  }
0x10: {  	s11 =	smul.u32 $0x140, s31;
	s16 =	sadd.s32 s20, s29;
	s20 =	simm.s32 $0x0  }
0x11: {  	s7 =	sadd.s32 s10, s24;
	s8 =	sadd.s32 s12, s24;
	s16 =	smul.u32 $0xA, s16  }
0x12: {  	s9 =	sadd.s32 s13, s17;
	s10 =	sadd.s32 s10, s11;
	s11 =	sadd.s32 s12, s11  }
0x13: {  	s17 =	simm.s32 $0x80;
	s12 =	sadd.s32 s13, s16;
	s13 =	smax.u32 s14, $0x1  }
0x14: {  	s14 =	sshrl.u32 s15, $0x3;
	s15 =	simm.s32 $0x2;
	s16 =	simm.s32 $0xA00  }
.LBB2_1:
0x15: {  	[spmem:s14], [sflag:s6] =	dma.local [hbm:s5], $0x1900  }
0x16: {  	_ =	swait.ge [sflag:s15], $0x1900  }
0x17: {  	[sflag:s15] =	ssyncset.done $0x0  }
0x18: {  	[sflag:s15] =	ssyncadd.s32 $0xFFFFE700  }
0x19: {  	[tilespmem:s3], [sflag:$0x2] =	stream.linear.gather [hbm4b:s7+s3], $0xA00, $0x38;
	[tilespmem:$0x10400] =	vst v63  }
0x1a: {  	_ =	swait.ge [sflag:s15], $0xA00  }
0x1b: {  	[sflag:s15] =	ssyncset.done $0x0  }
0x1c: {  	[sflag:s15] =	ssyncadd.s32 $0xFFFFF600  }
0x1d: {  	[tilespmem:s16], [sflag:$0x2] =	stream.linear.gather [hbm4b:s8+s3], $0xA00, $0x38;
	[tilespmem:$0x10400] =	vst v63  }
0x1e: {  	_ =	swait.ge [sflag:s15], $0xA00  }
0x1f: {  	[sflag:s15] =	ssyncset.done $0x0  }
0x20: {  	[sflag:s15] =	ssyncadd.s32 $0xFFFFF600  }
0x21: {  	s21 =	simm.s32 $0x0;
	[bflag:$0x0] =	sbarrier.arrive $0xFFFF  }
0x22: {  	[tilespmem:s18], [sflag:$0x1] =	stream.indirect.gather [hbm4b:s1+s17], $0x50, s21, s17, $0xb8;
	[tilespmem:$0x10400] =	vst v63  }
0x23: {  	_ =	swait.ge [sflag:s19], $0x2800  }
0x24: {  	[sflag:s19] =	ssyncset.done $0x0  }
0x25: {  	s31 =	simm.s32 $0xA00;
	[sflag:s19] =	ssyncadd.s32 $0xFFFFD800  }
0x26: {  	[spmem:s2] =	stream.indirect.scatter.add.f32 [tilespmem:s18], [sflag:$0x2], $0x50, s31, s17, $0xb8;
	[tilespmem:$0x10400] =	vst v63  }
0x27: {  	_ =	swait.ge [sflag:s15], $0x2800  }
0x28: {  	s22 =	simm.s32 $0x400;
	s21 =	simm.s32 $0x200;
	[sflag:s15] =	ssyncset.done $0x0  }
.LBB2_2:
0x29: {  	s23 =	sshra.s32 s21, $0x2  }
0x2a: {  	[sflag:s15] =	ssyncadd.s32 $0xFFFFD800;
	s21 =	smov.u32 s22;
	s24 =	sadd.s32 $0x200, s22  }
0x2b: {  	[tilespmem:s18], [sflag:$0x1] =	stream.indirect.gather [hbm4b:s1+s17], $0x50, s23, s17, $0xb8;
	[tilespmem:$0x10400] =	vst v63  }
0x2c: {  	p0 =	sne.s32 s22, $0x2600;
	_ =	swait.ge [sflag:s19], $0x2800  }
.Ltmp0:
0x2d: {  	[sflag:s19] =	ssyncset.done $0x0;
	(pc) =	sbr.rel @p0 .LBB2_2-.Ltmp0, $4  }
0x2e: {  	s22 =	sadd.s32 $0xA00, s23;
	[sflag:s19] =	ssyncadd.s32 $0xFFFFD800  }
0x2f: {  	[spmem:s2] =	stream.indirect.scatter.add.f32 [tilespmem:s18], [sflag:$0x2], $0x50, s22, s17, $0xb8;
	[tilespmem:$0x10400] =	vst v63  }
0x30: {  	_ =	swait.ge [sflag:s15], $0x2800  }
0x31: {  	s22 =	smov.u32 s24;
	[sflag:s15] =	ssyncset.done $0x0  }
0x32: {  	s21 =	sshra.s32 s21, $0x2;
	[sflag:s15] =	ssyncadd.s32 $0xFFFFD800  }
0x33: {  	[tilespmem:s18], [sflag:$0x1] =	stream.indirect.gather [hbm4b:s1+s17], $0x50, s21, s17, $0xb8;
	[tilespmem:$0x10400] =	vst v63  }
0x34: {  	_ =	swait.ge [sflag:s19], $0x2800  }
0x35: {  	[sflag:s19] =	ssyncset.done $0x0  }
0x36: {  	s21 =	sadd.s32 $0xA00, s21;
	[sflag:s19] =	ssyncadd.s32 $0xFFFFD800  }
0x37: {  	[spmem:s2] =	stream.indirect.scatter.add.f32 [tilespmem:s18], [sflag:$0x2], $0x50, s21, s17, $0xb8;
	[tilespmem:$0x10400] =	vst v63  }
0x38: {  	_ =	swait.ge [sflag:s15], $0x2800  }
0x39: {  	[sflag:s15] =	ssyncset.done $0x0  }
0x3a: {  	[sflag:s15] =	ssyncadd.s32 $0xFFFFD800  }
0x3b: {  	[bflag:$0x0] =	sbarrier.arrive $0xFFFF  }
0x3c: {  	[hbm:s9], [sflag:s6] =	dma.local [spmem:s14], $0x1900  }
0x3d: {  	_ =	swait.ge [sflag:s15], $0x1900  }
0x3e: {  	[sflag:s15] =	ssyncset.done $0x0  }
0x3f: {  	[sflag:s15] =	ssyncadd.s32 $0xFFFFE700  }
0x40: {  	[bflag:$0x0] =	sbarrier.arrive $0xFFFF  }
0x41: {  	[spmem:s14], [sflag:s6] =	dma.local [hbm:s5], $0x1900  }
0x42: {  	_ =	swait.ge [sflag:s15], $0x1900  }
0x43: {  	[sflag:s15] =	ssyncset.done $0x0  }
0x44: {  	s29 =	simm.s32 $0x0;
	[sflag:s15] =	ssyncadd.s32 $0xFFFFE700  }
0x45: {  	[tilespmem:s29], [sflag:$0x2] =	stream.linear.gather [hbm4b:s10+s29], $0xA00, $0x38;
	[tilespmem:$0x10400] =	vst v63  }
0x46: {  	_ =	swait.ge [sflag:s15], $0xA00  }
0x47: {  	[sflag:s15] =	ssyncset.done $0x0  }
0x48: {  	[sflag:s15] =	ssyncadd.s32 $0xFFFFF600  }
0x49: {  	[tilespmem:s16], [sflag:$0x2] =	stream.linear.gather [hbm4b:s11+s29], $0xA00, $0x38;
	[tilespmem:$0x10400] =	vst v63  }
0x4a: {  	_ =	swait.ge [sflag:s15], $0xA00  }
0x4b: {  	[sflag:s15] =	ssyncset.done $0x0  }
0x4c: {  	[sflag:s15] =	ssyncadd.s32 $0xFFFFF600  }
0x4d: {  	s30 =	simm.s32 $0x0;
	[bflag:$0x0] =	sbarrier.arrive $0xFFFF  }
0x4e: {  	[tilespmem:s18], [sflag:$0x1] =	stream.indirect.gather [hbm4b:s1+s17], $0x50, s30, s17, $0xb8;
	[tilespmem:$0x10400] =	vst v63  }
0x4f: {  	_ =	swait.ge [sflag:s19], $0x2800  }
0x50: {  	[sflag:s19] =	ssyncset.done $0x0  }
0x51: {  	s31 =	simm.s32 $0xA00;
	[sflag:s19] =	ssyncadd.s32 $0xFFFFD800  }
0x52: {  	[spmem:s2] =	stream.indirect.scatter.add.f32 [tilespmem:s18], [sflag:$0x2], $0x50, s31, s17, $0xb8;
	[tilespmem:$0x10400] =	vst v63  }
0x53: {  	_ =	swait.ge [sflag:s15], $0x2800  }
0x54: {  	s22 =	simm.s32 $0x400;
	s21 =	simm.s32 $0x200;
	[sflag:s15] =	ssyncset.done $0x0  }
.LBB2_4:
0x55: {  	s23 =	sshra.s32 s21, $0x2  }
0x56: {  	[sflag:s15] =	ssyncadd.s32 $0xFFFFD800;
	s21 =	smov.u32 s22;
	s24 =	sadd.s32 $0x200, s22  }
0x57: {  	[tilespmem:s18], [sflag:$0x1] =	stream.indirect.gather [hbm4b:s1+s17], $0x50, s23, s17, $0xb8;
	[tilespmem:$0x10400] =	vst v63  }
0x58: {  	p0 =	sne.s32 s22, $0x2600;
	_ =	swait.ge [sflag:s19], $0x2800  }
.Ltmp1:
0x59: {  	[sflag:s19] =	ssyncset.done $0x0;
	(pc) =	sbr.rel @p0 .LBB2_4-.Ltmp1, $4  }
0x5a: {  	s22 =	sadd.s32 $0xA00, s23;
	[sflag:s19] =	ssyncadd.s32 $0xFFFFD800  }
0x5b: {  	[spmem:s2] =	stream.indirect.scatter.add.f32 [tilespmem:s18], [sflag:$0x2], $0x50, s22, s17, $0xb8;
	[tilespmem:$0x10400] =	vst v63  }
0x5c: {  	_ =	swait.ge [sflag:s15], $0x2800  }
0x5d: {  	s22 =	smov.u32 s24;
	[sflag:s15] =	ssyncset.done $0x0  }
0x5e: {  	s21 =	sshra.s32 s21, $0x2;
	[sflag:s15] =	ssyncadd.s32 $0xFFFFD800  }
0x5f: {  	[tilespmem:s18], [sflag:$0x1] =	stream.indirect.gather [hbm4b:s1+s17], $0x50, s21, s17, $0xb8;
	[tilespmem:$0x10400] =	vst v63  }
0x60: {  	_ =	swait.ge [sflag:s19], $0x2800  }
0x61: {  	[sflag:s19] =	ssyncset.done $0x0  }
0x62: {  	s21 =	sadd.s32 $0xA00, s21;
	[sflag:s19] =	ssyncadd.s32 $0xFFFFD800  }
0x63: {  	[spmem:s2] =	stream.indirect.scatter.add.f32 [tilespmem:s18], [sflag:$0x2], $0x50, s21, s17, $0xb8;
	[tilespmem:$0x10400] =	vst v63  }
0x64: {  	_ =	swait.ge [sflag:s15], $0x2800  }
0x65: {  	[sflag:s15] =	ssyncset.done $0x0  }
0x66: {  	s20 =	sadd.s32 $0x1, s20;
	[sflag:s15] =	ssyncadd.s32 $0xFFFFD800  }
0x67: {  	p0 =	sne.s32 s20, s13;
	[bflag:$0x0] =	sbarrier.arrive $0xFFFF  }
0x68: {  	[hbm:s12], [sflag:s6] =	dma.local [spmem:s14], $0x1900  }
.Ltmp2:
0x69: {  	_ =	swait.ge [sflag:s15], $0x1900;
	(pc) =	sbr.rel @p0 .LBB2_1-.Ltmp2, $3  }
0x6a: {  	[sflag:s15] =	ssyncset.done $0x0  }
0x6b: {  	[sflag:s15] =	ssyncadd.s32 $0xFFFFE700  }
0x6c: {  	[bflag:$0x0] =	sbarrier.arrive $0xFFFF;
	_ =	sdelay $0x1  }
0x6d: {  	_ =	sfence.sel $0x180000  }
0x6e: {  	[bflag:$0x0] =	sbarrier.arrive $0xFFFF  }
0x6f: {  	p0 =	sne.s32 s4, $0x0;
	_ =	strace $0x9000004A  }
0x70: {  	s0 =	sadd.s32 @!p0 $0x100000, s0;
	[bflag:$0x2] =	sbarrier.arrive $0xFFFF  }
0x71: {  	[sflag:s0] =	ssyncadd.tile.s32 @!p0 $0x1;
	_ =	shalt  }
.Lfunc_end2:
_tile_overlayer_lowered:
.L_overlay_start_2:
0x72: {  	(tag) =	ssettag $0x2  }
0x73: {  	s0 =	rddreg [dreg:$0x0];
	s2 =	stileid.u32  }
0x74: {  	s1 =	rddreg [dreg:$0x1];
	p0 =	sne.s32 s2, $0x0  }
0x75: {  	s3 =	rddreg [dreg:$0x2];
	[bflag:$0x3] =	sbarrier.arrive $0xFFFF;
	s2 =	simm.s32 @!p0 $0x1C02  }
0x76: {  	[timem:s3], [sflag:s2] =	dma.local @!p0 [hbm:s0], s1  }
0x77: {  	s0 =	simm.s32 @!p0 $0x2  }
0x78: {  	_ =	swait.ge @!p0 [sflag:s0], s1  }
0x79: {  	s1 =	ssub.s32 @!p0 $0x0, s1;
	[sflag:s0] =	ssyncset.done @!p0 $0x0  }
0x7a: {  	[sflag:s0] =	ssyncadd.s32 @!p0 s1  }
0x7b: {  	[bflag:$0x3] =	sbarrier.arrive $0xFFFF  }
0x7c: {  	_ =	shalt  }

// kernel: kernel.17.cloned.1.call-start
scs
__scs_entry_jumppad:
0x0: {  	(pc) =	sbr.rel $0x88, $3  }
0x1: {  	(tag) =	ssettag $0x0;
	lr =	simm.s32 $0x1  }
0x2: {  	[smem:$0x3F8D] =	sst lr;
	_ =	strace $0xD0000000  }
0x3: {  	_ = 	snop  }
0x4: {  	_ = 	snop  }
0x5: {  	_ = 	snop  }
0x6: {  	_ = 	snop  }
0x7: {  	_ = 	snop  }
__scs_overlays_trampoline_lowered:
0x8: {  	[smem:$0x3F9C] =	sst s0  }
0x9: {  	[smem:$0x3F9D] =	sst s1  }
0xa: {  	[smem:$0x3F9E] =	sst s2  }
0xb: {  	[smem:$0x3F9F] =	sst s3  }
0xc: {  	[smem:$0x3FA0] =	sst s4  }
0xd: {  	[smem:$0x3FA1] =	sst s5  }
0xe: {  	[smem:$0x3FA2] =	sst s6  }
0xf: {  	[smem:$0x3FA3] =	sst s7  }
0x10: {  	[smem:$0x3FA4] =	sst s8  }
0x11: {  	[smem:$0x3FA5] =	sst s9;
	s0 =	simm.s32 @!p0 $0x0  }
0x12: {  	s1 =	sld [smem:$0x3F8B];
	s0 =	simm.s32 @p0 $0x1  }
0x13: {  	[smem:$0x3FA6] =	sst s0;
	s0 =	simm.s32 @!p1 $0x0  }
0x14: {  	s2 =	sld [smem:$0x3F8A];
	s0 =	simm.s32 @p1 $0x1  }
0x15: {  	[smem:$0x3FA7] =	sst s0;
	s0 =	simm.s32 @!p2 $0x0  }
0x16: {  	s3 =	sld [smem:$0x3FDB];
	s0 =	simm.s32 @p2 $0x1  }
0x17: {  	s4 =	simm.s32 $0x1BF5;
	[smem:$0x3FA9] =	sst s0  }
0x18: {  	s0 =	sld [smem:$0x3F8C];
	_ =	swait.ge [sflag:s4], $0x0  }
0x19: {  	s7 =	sld [smem:$0x3F8D]  }
0x1a: {  	s8 =	sadd.s32 $0xFFFFE003, lr  }
0x1b: {  	s9 =	sadd.s32 $0xFFFFFEF7, lr;
	s5 =	simm.s32 $0xFFFFFFFF;
	p2 =	slt.u32 s8, $0xFFFFF086  }
0x1c: {  	p1 =	slt.u32 s9, $0xF7A;
	s5 =	simm.s32 @!p2 $0x0  }
0x1d: {  	s5 =	simm.s32 @p1 $0x1;
	p0 =	seq.s32 s7, s2  }
0x1e: {  	s7 =	smul.u32 @!p0 $0xF7A, s2;
	p2 =	seq.s32 @!p0 s5, $0x0  }
0x1f: {  	s9 =	smul.u32 $0xF7A, s1;
	s8 =	simm.s32 @!p0 $0x1BF5;
	p2 =	por !p2, p0  }
0x20: {  	[sflag:s8] =	ssyncset.s32 @!p0 $0xFFFFF086;
	s6 =	sadd.s32 @!p0 s3, s7;
	s7 =	simm.s32 @!p0 $0x108  }
0x21: {  	s3 =	sadd.s32 s3, s9;
	s6 =	sadd.s32 @!p0 $0x88, s6;
	s7 =	simm.s32 @p2 $0x1082  }
0x22: {  	[simem:s7], [sflag:s8] =	dma.local @!p0 [hbm:s6], $0xF7A  }
0x23: {  	s9 =	sor.u32 $0xD0000000, s2;
	s6 =	simm.s32 $0x108;
	_ =	swait.ge @!p0 [sflag:s8], $0x0  }
0x24: {  	s3 =	sadd.s32 $0x88, s3;
	s6 =	simm.s32 @!p1 $0x1082;
	[sflag:s4] =	ssyncset.s32 $0xFFFFF086  }
0x25: {  	[simem:s6], [sflag:s4] =	dma.local [hbm:s3], $0xF7A  }
0x26: {  	[smem:$0x3F8D] =	sst s1;
	(tag) =	ssettag s2;
	_ =	strace s9  }
0x27: {  	s1 =	sld [smem:$0x3F9D]  }
0x28: {  	s2 =	sld [smem:$0x3F9E]  }
0x29: {  	s4 =	sld [smem:$0x3FA0]  }
0x2a: {  	p0 =	seq.s32 s5, $0x0;
	s5 =	sld [smem:$0x3FA1]  }
0x2b: {  	s6 =	sld [smem:$0x3FA2]  }
0x2c: {  	s7 =	sld [smem:$0x3FA3]  }
0x2d: {  	s3 =	simm.s32 $0x108;
	s8 =	sld [smem:$0x3FA4]  }
0x2e: {  	s3 =	simm.s32 @!p0 $0x1082;
	s9 =	sld [smem:$0x3FA5]  }
0x2f: {  	lr =	sadd.s32 s0, s3;
	s0 =	sld [smem:$0x3F9C]  }
0x30: {  	s3 =	sld [smem:$0x3F9F]  }
0x31: {  	[smem:$0x3FA8] =	sst s10  }
0x32: {  	s10 =	sld [smem:$0x3FA6];
	_ =	sdelay $0x3  }
0x33: {  	p0 =	seq.s32 s10, $0x1;
	s10 =	sld [smem:$0x3FA8];
	_ =	sdelay $0x3  }
0x34: {  	[smem:$0x3FA8] =	sst s10  }
0x35: {  	s10 =	sld [smem:$0x3FA7];
	_ =	sdelay $0x3  }
0x36: {  	p1 =	seq.s32 s10, $0x1;
	s10 =	sld [smem:$0x3FA8];
	_ =	sdelay $0x3  }
0x37: {  	[smem:$0x3FA8] =	sst s10  }
0x38: {  	s10 =	sld [smem:$0x3FA9]  }
0x39: {  	_ = 	snop;
	(pc) =	sbr.ind lr, $3  }
0x3a: {  	_ = 	snop  }
0x3b: {  	_ = 	snop  }
0x3c: {  	p2 =	seq.s32 s10, $0x1;
	s10 =	sld [smem:$0x3FA8]  }
0x3d: {  	_ =	shalt  }
0x3e: {  	_ =	shalt  }
0x3f: {  	_ =	shalt  }
0x40: {  	_ =	shalt  }
0x41: {  	_ =	shalt  }
0x42: {  	_ =	shalt  }
0x43: {  	_ =	shalt  }
0x44: {  	_ =	shalt  }
0x45: {  	_ =	shalt  }
0x46: {  	_ =	shalt  }
0x47: {  	_ =	shalt  }
0x48: {  	_ =	shalt  }
0x49: {  	_ =	shalt  }
0x4a: {  	_ =	shalt  }
0x4b: {  	_ =	shalt  }
0x4c: {  	_ =	shalt  }
0x4d: {  	_ =	shalt  }
0x4e: {  	_ =	shalt  }
0x4f: {  	_ =	shalt  }
0x50: {  	_ =	shalt  }
0x51: {  	_ =	shalt  }
0x52: {  	_ =	shalt  }
0x53: {  	_ =	shalt  }
0x54: {  	_ =	shalt  }
0x55: {  	_ =	shalt  }
0x56: {  	_ =	shalt  }
0x57: {  	_ =	shalt  }
0x58: {  	_ =	shalt  }
0x59: {  	_ =	shalt  }
0x5a: {  	_ =	shalt  }
0x5b: {  	_ =	shalt  }
0x5c: {  	_ =	shalt  }
0x5d: {  	_ =	shalt  }
0x5e: {  	_ =	shalt  }
0x5f: {  	_ =	shalt  }
0x60: {  	_ =	shalt  }
0x61: {  	_ =	shalt  }
0x62: {  	_ =	shalt  }
0x63: {  	_ =	shalt  }
0x64: {  	_ =	shalt  }
0x65: {  	_ =	shalt  }
0x66: {  	_ =	shalt  }
0x67: {  	_ =	shalt  }
0x68: {  	_ =	shalt  }
0x69: {  	_ =	shalt  }
0x6a: {  	_ =	shalt  }
0x6b: {  	_ =	shalt  }
0x6c: {  	_ =	shalt  }
0x6d: {  	_ =	shalt  }
0x6e: {  	_ =	shalt  }
0x6f: {  	_ =	shalt  }
0x70: {  	_ =	shalt  }
0x71: {  	_ =	shalt  }
0x72: {  	_ =	shalt  }
0x73: {  	_ =	shalt  }
0x74: {  	_ =	shalt  }
0x75: {  	_ =	shalt  }
0x76: {  	_ =	shalt  }
0x77: {  	_ =	shalt  }
0x78: {  	_ =	shalt  }
0x79: {  	_ =	shalt  }
0x7a: {  	_ =	shalt  }
0x7b: {  	_ =	shalt  }
0x7c: {  	_ =	shalt  }
0x7d: {  	_ =	shalt  }
0x7e: {  	_ =	shalt  }
0x7f: {  	_ =	shalt  }
0x80: {  	_ =	shalt  }
0x81: {  	_ =	shalt  }
0x82: {  	_ =	shalt  }
0x83: {  	_ =	shalt  }
0x84: {  	_ =	shalt  }
0x85: {  	_ =	shalt  }
0x86: {  	_ =	shalt  }
0x87: {  	_ =	shalt  }
.Lfunc_end0:
.L_simem_size_0:
called_computation.2_lowered:
.L_overlay_start_0:
0x88: {  	s2 =	sld [smem:$0x3FD9]  }
0x89: {  	s3 =	sld [smem:$0x3FFE];
	_ =	sdelay $0x1  }
0x8a: {  	s1 =	srdreg.scid  }
0x8b: {  	s0 =	sand.u32 $0x1, s1  }
0x8c: {  	s16 =	sshll.u32 s0, $0xA;
	s2 =	sadd.s32 s3, s2  }
0x8d: {  	s2 =	sadd.s32 s2, s16  }
0x8e: {  	[smem:$0x3FB4] =	sst s2  }
0x8f: {  	_ = 	snop  }
0x90: {  	(tm) =	ssettm $0x1  }
0x91: {  	s17 =	sld [smem:$0x3FFB];
	_ =	sdelay $0x3  }
0x92: {  	_ =	strace s17  }
0x93: {  	s2 =	sld [smem:$0x3FFC];
	_ =	sdelay $0x3  }
0x94: {  	_ =	strace s2  }
0x95: {  	s2 =	sld [smem:$0x3FFD];
	_ =	sdelay $0x3  }
0x96: {  	_ =	strace s2  }
0x97: {  	_ =	strace $0x8FFFFFFF  }
0x98: {  	s18 =	sld [smem:$0x3FDB];
	_ =	sdelay $0x1  }
0x99: {  	s19 =	simm.s32 $_scs_section_size  }
0x9a: {  	s4 =	simm.s32 $_size__tile_overlayer_lowered;
	s5 =	simm.s32 $_tile_overlayer_lowered  }
0x9b: {  	s22 =	simm.s32 $0x1BFF;
	s21 =	sshll.u32 s5, $0x1;
	s2 =	sadd.s32 s19, s18  }
0x9c: {  	s6 =	simm.s32 $0x0;
	s20 =	sshll.u32 s4, $0x1;
	s4 =	sadd.s32 s21, s2  }
0x9d: {  	[timem:s6], [sflag:s22] =	dma.local [hbm:s4], s20  }
0x9e: {  	_ =	swait.ge [sflag:s22], s20  }
0x9f: {  	s3 =	ssub.s32 $0x0, s20;
	[sflag:s22] =	ssyncset.done $0x0  }
0xa0: {  	[sflag:s22] =	ssyncadd.s32 s3;
	_ =	sdelay $0x1  }
0xa1: {  	s23 =	simm.s32 $0x1B8B  }
0xa2: {  	_ =	swait.ge [sflag:s23], $0x1  }
0xa3: {  	[sflag:s23] =	ssyncset.done $0x0  }
0xa4: {  	s25 =	simm.s32 $0x1B8E;
	s24 =	sld [smem:$0x3FFE];
	[sflag:s23] =	ssyncadd.s32 $0xFFFFFFFF  }
0xa5: {  	s26 =	simm.s32 $execute0_lowered;
	[smem:$0x3FD2] =	sst s25  }
0xa6: {  	s4 =	sshll.u32 s26, $0x1;
	_ =	strace $0x8000004C;
	[dreg:$0x1] =	wrdreg $0xFFFFFFFF  }
0xa7: {  	s28 =	simm.s32 $_size_execute0_lowered;
	s2 =	sadd.s32 s2, s4;
	[dreg:$0x0] =	wrdreg $0x0  }
0xa8: {  	s4 =	sshll.u32 s28, $0x1;
	[dreg:$0x2] =	wrdreg s2  }
0xa9: {  	[dreg:$0x3] =	wrdreg s4  }
0xaa: {  	[dreg:$0x4] =	wrdreg $0xC0  }
0xab: {  	_ =	task [dreg:s6], $0x5FFFF  }
0xac: {  	[dreg:$0x1] =	wrdreg $0xFFFFFFFF  }
0xad: {  	[dreg:$0x0] =	wrdreg $0x60  }
0xae: {  	[dreg:$0x2] =	wrdreg s24  }
0xaf: {  	[dreg:$0x3] =	wrdreg $0x9  }
0xb0: {  	_ =	task.clear_ibuf [dreg:s6], $0x4FFFF;
	_ =	strace $0x9000004C  }
0xb1: {  	s29 =	simm.s32 $0x9;
	_ =	strace $0x8000004E  }
0xb2: {  	_ =	swait.ge [sflag:s29], $0x1  }
0xb3: {  	[sflag:s29] =	ssyncadd.s32 $0xFFFFFFFF  }
0xb4: {  	_ =	strace $0x9000004E  }
0xb5: {  	_ =	sfence  }
0xb6: {  	s30 =	sld [smem:$0x0];
	_ =	sdelay $0x2  }
0xb7: {  	s31 =	sshll.u32 s1, $0xD;
	s1 =	sshrl.u32 s1, $0x2  }
0xb8: {  	s3 =	sand.u32 $0x4000, s31;
	s1 =	sadd.s32 s1, s30  }
0xb9: {  	s0 =	sor.u32 s3, s0;
	s1 =	sshll.u32 s1, $0x11  }
0xba: {  	s0 =	sor.u32 s1, s0  }
0xbb: {  	s0 =	sadd.s32 $0x8F2B, s0  }
0xbc: {  	[sflag:s0] =	ssyncadd.remote.s32 $0x1  }
0xbd: {  	_ =	sfence.sel $0xFFFF  }
0xbe: {  	[dreg:$0x0] =	wrdreg $0xFFFFFFFF;
	(pc) =	sbr.abs _section_cstart, $3  }
0xbf: {  	[dreg:$0x1] =	wrdreg $0xFFFFFFFF  }
0xc0: {  	_ =	task.clear_ibuf [dreg:s6], $0x2FFFF;
	_ =	strace $0x9FFFFFFF  }
0xc1: {  	(tm) =	ssettm $0x7FFFFFFF  }
tec
execute0_lowered:
.L_overlay_start_1:
0x0: {  	(tag) =	ssettag $0x1  }
0x1: {  	s1 =	srdreg.scid;
	s0 =	stileid.u32  }
0x2: {  	s25 =	sand.u32 $0x1, s1;
	s31 =	sshll.u32 s0, $0x1  }
0x3: {  	s6 =	sor.u32 s25, s31  }
0x4: {  	s9 =	rddreg [dreg:$0x0];
	s3 =	smul.u32 $0xA0, s6  }
0x5: {  	s2 =	simm.s32 $0x0;
	s1 =	rddreg [dreg:$0x1]  }
0x6: {  	[smem:$0x7FF] =	sst s2;
	s3 =	sadd.s32 s3, s9  }
0x7: {  	_ =	strace $0x8000004D;
	s4 =	sadd.s32 $0x1B2800, s3;
	s3 =	simm.s32 $0x2  }
0x8: {  	[tilespmem:s2], [sflag:$0x2] =	stream.linear.gather [hbm4b:s4+s2], $0x500, $0x38;
	[tilespmem:$0x2500] =	vst v63  }
0x9: {  	s7 =	simm.s32 $0x500;
	_ =	swait.ge [sflag:s3], $0x500  }
0xa: {  	s8 =	simm.s32 $0x1;
	s5 =	sadd.s32 $0x14E800, s9;
	[sflag:s3] =	ssyncset.done $0x0  }
0xb: {  	s10 =	smul.u32 $0x2800, s6;
	s6 =	simm.s32 $0x80;
	[sflag:s3] =	ssyncadd.s32 $0xFFFFFB00  }
0xc: {  	[tilespmem:s7], [sflag:$0x1] =	stream.indirect.gather [hbm4b:s5+s6], $0x40, s2, s6, $0xb8;
	[tilespmem:$0x2500] =	vst v63  }
0xd: {  	_ =	swait.ge [sflag:s8], $0x2000  }
0xe: {  	s26 =	sadd.s32 s10, s9;
	[sflag:s8] =	ssyncset.done $0x0  }
0xf: {  	s9 =	sadd.s32 $0x162800, s26;
	[sflag:s8] =	ssyncadd.s32 $0xFFFFE000  }
0x10: {  	[hbm4b:s9+s2] =	stream.linear.scatter [tilespmem:s7], [sflag:$0x2], $0x2000, $0x38;
	[tilespmem:$0x2500] =	vst v63  }
0x11: {  	_ =	swait.ge [sflag:s3], $0x2000  }
0x12: {  	[sflag:s3] =	ssyncset.done $0x0  }
0x13: {  	[sflag:s3] =	ssyncadd.s32 $0xFFFFE000  }
0x14: {  	[tilespmem:s7], [sflag:$0x1] =	stream.indirect.gather [hbm4b:s5+s6], $0x40, s6, s6, $0xb8;
	[tilespmem:$0x2500] =	vst v63  }
0x15: {  	_ =	swait.ge [sflag:s8], $0x2000  }
0x16: {  	[sflag:s8] =	ssyncset.done $0x0  }
0x17: {  	s10 =	sadd.s32 $0x162C00, s26;
	[sflag:s8] =	ssyncadd.s32 $0xFFFFE000  }
0x18: {  	[hbm4b:s10+s2] =	stream.linear.scatter [tilespmem:s7], [sflag:$0x2], $0x2000, $0x38;
	[tilespmem:$0x2500] =	vst v63  }
0x19: {  	_ =	swait.ge [sflag:s3], $0x2000  }
0x1a: {  	[sflag:s3] =	ssyncset.done $0x0  }
0x1b: {  	s11 =	simm.s32 $0x100;
	[sflag:s3] =	ssyncadd.s32 $0xFFFFE000  }
0x1c: {  	[tilespmem:s7], [sflag:$0x1] =	stream.indirect.gather [hbm4b:s5+s6], $0x40, s11, s6, $0xb8;
	[tilespmem:$0x2500] =	vst v63  }
0x1d: {  	_ =	swait.ge [sflag:s8], $0x2000  }
0x1e: {  	[sflag:s8] =	ssyncset.done $0x0  }
0x1f: {  	s12 =	sadd.s32 $0x163000, s26;
	[sflag:s8] =	ssyncadd.s32 $0xFFFFE000  }
0x20: {  	[hbm4b:s12+s2] =	stream.linear.scatter [tilespmem:s7], [sflag:$0x2], $0x2000, $0x38;
	[tilespmem:$0x2500] =	vst v63  }
0x21: {  	_ =	swait.ge [sflag:s3], $0x2000  }
0x22: {  	[sflag:s3] =	ssyncset.done $0x0  }
0x23: {  	s13 =	simm.s32 $0x180;
	[sflag:s3] =	ssyncadd.s32 $0xFFFFE000  }
0x24: {  	[tilespmem:s7], [sflag:$0x1] =	stream.indirect.gather [hbm4b:s5+s6], $0x40, s13, s6, $0xb8;
	[tilespmem:$0x2500] =	vst v63  }
0x25: {  	_ =	swait.ge [sflag:s8], $0x2000  }
0x26: {  	[sflag:s8] =	ssyncset.done $0x0  }
0x27: {  	s14 =	sadd.s32 $0x163400, s26;
	[sflag:s8] =	ssyncadd.s32 $0xFFFFE000  }
0x28: {  	[hbm4b:s14+s2] =	stream.linear.scatter [tilespmem:s7], [sflag:$0x2], $0x2000, $0x38;
	[tilespmem:$0x2500] =	vst v63  }
0x29: {  	_ =	swait.ge [sflag:s3], $0x2000  }
0x2a: {  	[sflag:s3] =	ssyncset.done $0x0  }
0x2b: {  	s15 =	simm.s32 $0x200;
	[sflag:s3] =	ssyncadd.s32 $0xFFFFE000  }
0x2c: {  	[tilespmem:s7], [sflag:$0x1] =	stream.indirect.gather [hbm4b:s5+s6], $0x40, s15, s6, $0xb8;
	[tilespmem:$0x2500] =	vst v63  }
0x2d: {  	_ =	swait.ge [sflag:s8], $0x2000  }
0x2e: {  	[sflag:s8] =	ssyncset.done $0x0  }
0x2f: {  	s16 =	sadd.s32 $0x163800, s26;
	[sflag:s8] =	ssyncadd.s32 $0xFFFFE000  }
0x30: {  	[hbm4b:s16+s2] =	stream.linear.scatter [tilespmem:s7], [sflag:$0x2], $0x2000, $0x38;
	[tilespmem:$0x2500] =	vst v63  }
0x31: {  	_ =	swait.ge [sflag:s3], $0x2000  }
0x32: {  	[sflag:s3] =	ssyncset.done $0x0  }
0x33: {  	s17 =	simm.s32 $0x280;
	[sflag:s3] =	ssyncadd.s32 $0xFFFFE000  }
0x34: {  	[tilespmem:s7], [sflag:$0x1] =	stream.indirect.gather [hbm4b:s5+s6], $0x40, s17, s6, $0xb8;
	[tilespmem:$0x2500] =	vst v63  }
0x35: {  	_ =	swait.ge [sflag:s8], $0x2000  }
0x36: {  	[sflag:s8] =	ssyncset.done $0x0  }
0x37: {  	s18 =	sadd.s32 $0x163C00, s26;
	[sflag:s8] =	ssyncadd.s32 $0xFFFFE000  }
0x38: {  	[hbm4b:s18+s2] =	stream.linear.scatter [tilespmem:s7], [sflag:$0x2], $0x2000, $0x38;
	[tilespmem:$0x2500] =	vst v63  }
0x39: {  	_ =	swait.ge [sflag:s3], $0x2000  }
0x3a: {  	[sflag:s3] =	ssyncset.done $0x0  }
0x3b: {  	s19 =	simm.s32 $0x300;
	[sflag:s3] =	ssyncadd.s32 $0xFFFFE000  }
0x3c: {  	[tilespmem:s7], [sflag:$0x1] =	stream.indirect.gather [hbm4b:s5+s6], $0x40, s19, s6, $0xb8;
	[tilespmem:$0x2500] =	vst v63  }
0x3d: {  	_ =	swait.ge [sflag:s8], $0x2000  }
0x3e: {  	[sflag:s8] =	ssyncset.done $0x0  }
0x3f: {  	s20 =	sadd.s32 $0x164000, s26;
	[sflag:s8] =	ssyncadd.s32 $0xFFFFE000  }
0x40: {  	[hbm4b:s20+s2] =	stream.linear.scatter [tilespmem:s7], [sflag:$0x2], $0x2000, $0x38;
	[tilespmem:$0x2500] =	vst v63  }
0x41: {  	_ =	swait.ge [sflag:s3], $0x2000  }
0x42: {  	[sflag:s3] =	ssyncset.done $0x0  }
0x43: {  	s21 =	simm.s32 $0x380;
	[sflag:s3] =	ssyncadd.s32 $0xFFFFE000  }
0x44: {  	[tilespmem:s7], [sflag:$0x1] =	stream.indirect.gather [hbm4b:s5+s6], $0x40, s21, s6, $0xb8;
	[tilespmem:$0x2500] =	vst v63  }
0x45: {  	_ =	swait.ge [sflag:s8], $0x2000  }
0x46: {  	[sflag:s8] =	ssyncset.done $0x0  }
0x47: {  	s22 =	sadd.s32 $0x164400, s26;
	[sflag:s8] =	ssyncadd.s32 $0xFFFFE000  }
0x48: {  	[hbm4b:s22+s2] =	stream.linear.scatter [tilespmem:s7], [sflag:$0x2], $0x2000, $0x38;
	[tilespmem:$0x2500] =	vst v63  }
0x49: {  	_ =	swait.ge [sflag:s3], $0x2000  }
0x4a: {  	[sflag:s3] =	ssyncset.done $0x0  }
0x4b: {  	s23 =	simm.s32 $0x400;
	[sflag:s3] =	ssyncadd.s32 $0xFFFFE000  }
0x4c: {  	[tilespmem:s7], [sflag:$0x1] =	stream.indirect.gather [hbm4b:s5+s6], $0x40, s23, s6, $0xb8;
	[tilespmem:$0x2500] =	vst v63  }
0x4d: {  	_ =	swait.ge [sflag:s8], $0x2000  }
0x4e: {  	[sflag:s8] =	ssyncset.done $0x0  }
0x4f: {  	s28 =	ssub.s32 $0x2, s25;
	s24 =	sadd.s32 $0x164800, s26;
	[sflag:s8] =	ssyncadd.s32 $0xFFFFE000  }
0x50: {  	[hbm4b:s24+s2] =	stream.linear.scatter [tilespmem:s7], [sflag:$0x2], $0x2000, $0x38;
	[tilespmem:$0x2500] =	vst v63  }
0x51: {  	s29 =	sshrl.u32 s28, $0x1;
	_ =	swait.ge [sflag:s3], $0x2000  }
0x52: {  	s28 =	ssub.s32 s28, s29;
	[sflag:s3] =	ssyncset.done $0x0  }
0x53: {  	s25 =	simm.s32 $0x480;
	s28 =	smax.u32 s28, $0x1;
	[sflag:s3] =	ssyncadd.s32 $0xFFFFE000  }
0x54: {  	[tilespmem:s7], [sflag:$0x1] =	stream.indirect.gather [hbm4b:s5+s6], $0x40, s25, s6, $0xb8;
	[tilespmem:$0x2500] =	vst v63  }
0x55: {  	p0 =	sne.s32 s28, $0x1;
	_ =	swait.ge [sflag:s8], $0x2000  }
.Ltmp0:
0x56: {  	[sflag:s8] =	ssyncset.done $0x0;
	(pc) =	sbr.rel @!p0 .LBB2_2-.Ltmp0, $4  }
0x57: {  	s26 =	sadd.s32 $0x164C00, s26;
	[sflag:s8] =	ssyncadd.s32 $0xFFFFE000  }
0x58: {  	[hbm4b:s26+s2] =	stream.linear.scatter [tilespmem:s7], [sflag:$0x2], $0x2000, $0x38;
	[tilespmem:$0x2500] =	vst v63  }
0x59: {  	_ =	swait.ge [sflag:s3], $0x2000  }
0x5a: {  	s28 =	sadd.s32 $0xFFFFFFFF, s28;
	[sflag:s3] =	ssyncset.done $0x0  }
.LBB2_1:
0x5b: {  	p0 =	sne.s32 s28, $0x1;
	s28 =	sadd.s32 $0xFFFFFFFF, s28;
	[sflag:s3] =	ssyncadd.s32 $0xFFFFE000  }
0x5c: {  	[tilespmem:s2], [sflag:$0x2] =	stream.linear.gather [hbm4b:s4+s2], $0x500, $0x38;
	[tilespmem:$0x2500] =	vst v63  }
0x5d: {  	_ =	swait.ge [sflag:s3], $0x500  }
0x5e: {  	[sflag:s3] =	ssyncset.done $0x0  }
0x5f: {  	[sflag:s3] =	ssyncadd.s32 $0xFFFFFB00  }
0x60: {  	[tilespmem:s7], [sflag:$0x1] =	stream.indirect.gather [hbm4b:s5+s6], $0x40, s2, s6, $0xb8;
	[tilespmem:$0x2500] =	vst v63  }
0x61: {  	_ =	swait.ge [sflag:s8], $0x2000  }
0x62: {  	[sflag:s8] =	ssyncset.done $0x0  }
0x63: {  	[sflag:s8] =	ssyncadd.s32 $0xFFFFE000  }
0x64: {  	[hbm4b:s9+s2] =	stream.linear.scatter [tilespmem:s7], [sflag:$0x2], $0x2000, $0x38;
	[tilespmem:$0x2500] =	vst v63  }
0x65: {  	_ =	swait.ge [sflag:s3], $0x2000  }
0x66: {  	[sflag:s3] =	ssyncset.done $0x0  }
0x67: {  	[sflag:s3] =	ssyncadd.s32 $0xFFFFE000  }
0x68: {  	[tilespmem:s7], [sflag:$0x1] =	stream.indirect.gather [hbm4b:s5+s6], $0x40, s6, s6, $0xb8;
	[tilespmem:$0x2500] =	vst v63  }
0x69: {  	_ =	swait.ge [sflag:s8], $0x2000  }
0x6a: {  	[sflag:s8] =	ssyncset.done $0x0  }
0x6b: {  	[sflag:s8] =	ssyncadd.s32 $0xFFFFE000  }
0x6c: {  	[hbm4b:s10+s2] =	stream.linear.scatter [tilespmem:s7], [sflag:$0x2], $0x2000, $0x38;
	[tilespmem:$0x2500] =	vst v63  }
0x6d: {  	_ =	swait.ge [sflag:s3], $0x2000  }
0x6e: {  	[sflag:s3] =	ssyncset.done $0x0  }
0x6f: {  	[sflag:s3] =	ssyncadd.s32 $0xFFFFE000  }
0x70: {  	[tilespmem:s7], [sflag:$0x1] =	stream.indirect.gather [hbm4b:s5+s6], $0x40, s11, s6, $0xb8;
	[tilespmem:$0x2500] =	vst v63  }
0x71: {  	_ =	swait.ge [sflag:s8], $0x2000  }
0x72: {  	[sflag:s8] =	ssyncset.done $0x0  }
0x73: {  	[sflag:s8] =	ssyncadd.s32 $0xFFFFE000  }
0x74: {  	[hbm4b:s12+s2] =	stream.linear.scatter [tilespmem:s7], [sflag:$0x2], $0x2000, $0x38;
	[tilespmem:$0x2500] =	vst v63  }
0x75: {  	_ =	swait.ge [sflag:s3], $0x2000  }
0x76: {  	[sflag:s3] =	ssyncset.done $0x0  }
0x77: {  	[sflag:s3] =	ssyncadd.s32 $0xFFFFE000  }
0x78: {  	[tilespmem:s7], [sflag:$0x1] =	stream.indirect.gather [hbm4b:s5+s6], $0x40, s13, s6, $0xb8;
	[tilespmem:$0x2500] =	vst v63  }
0x79: {  	_ =	swait.ge [sflag:s8], $0x2000  }
0x7a: {  	[sflag:s8] =	ssyncset.done $0x0  }
0x7b: {  	[sflag:s8] =	ssyncadd.s32 $0xFFFFE000  }
0x7c: {  	[hbm4b:s14+s2] =	stream.linear.scatter [tilespmem:s7], [sflag:$0x2], $0x2000, $0x38;
	[tilespmem:$0x2500] =	vst v63  }
0x7d: {  	_ =	swait.ge [sflag:s3], $0x2000  }
0x7e: {  	[sflag:s3] =	ssyncset.done $0x0  }
0x7f: {  	[sflag:s3] =	ssyncadd.s32 $0xFFFFE000  }
0x80: {  	[tilespmem:s7], [sflag:$0x1] =	stream.indirect.gather [hbm4b:s5+s6], $0x40, s15, s6, $0xb8;
	[tilespmem:$0x2500] =	vst v63  }
0x81: {  	_ =	swait.ge [sflag:s8], $0x2000  }
0x82: {  	[sflag:s8] =	ssyncset.done $0x0  }
0x83: {  	[sflag:s8] =	ssyncadd.s32 $0xFFFFE000  }
0x84: {  	[hbm4b:s16+s2] =	stream.linear.scatter [tilespmem:s7], [sflag:$0x2], $0x2000, $0x38;
	[tilespmem:$0x2500] =	vst v63  }
0x85: {  	_ =	swait.ge [sflag:s3], $0x2000  }
0x86: {  	[sflag:s3] =	ssyncset.done $0x0  }
0x87: {  	[sflag:s3] =	ssyncadd.s32 $0xFFFFE000  }
0x88: {  	[tilespmem:s7], [sflag:$0x1] =	stream.indirect.gather [hbm4b:s5+s6], $0x40, s17, s6, $0xb8;
	[tilespmem:$0x2500] =	vst v63  }
0x89: {  	_ =	swait.ge [sflag:s8], $0x2000  }
0x8a: {  	[sflag:s8] =	ssyncset.done $0x0  }
0x8b: {  	[sflag:s8] =	ssyncadd.s32 $0xFFFFE000  }
0x8c: {  	[hbm4b:s18+s2] =	stream.linear.scatter [tilespmem:s7], [sflag:$0x2], $0x2000, $0x38;
	[tilespmem:$0x2500] =	vst v63  }
0x8d: {  	_ =	swait.ge [sflag:s3], $0x2000  }
0x8e: {  	[sflag:s3] =	ssyncset.done $0x0  }
0x8f: {  	[sflag:s3] =	ssyncadd.s32 $0xFFFFE000  }
0x90: {  	[tilespmem:s7], [sflag:$0x1] =	stream.indirect.gather [hbm4b:s5+s6], $0x40, s19, s6, $0xb8;
	[tilespmem:$0x2500] =	vst v63  }
0x91: {  	_ =	swait.ge [sflag:s8], $0x2000  }
0x92: {  	[sflag:s8] =	ssyncset.done $0x0  }
0x93: {  	[sflag:s8] =	ssyncadd.s32 $0xFFFFE000  }
0x94: {  	[hbm4b:s20+s2] =	stream.linear.scatter [tilespmem:s7], [sflag:$0x2], $0x2000, $0x38;
	[tilespmem:$0x2500] =	vst v63  }
0x95: {  	_ =	swait.ge [sflag:s3], $0x2000  }
0x96: {  	[sflag:s3] =	ssyncset.done $0x0  }
0x97: {  	[sflag:s3] =	ssyncadd.s32 $0xFFFFE000  }
0x98: {  	[tilespmem:s7], [sflag:$0x1] =	stream.indirect.gather [hbm4b:s5+s6], $0x40, s21, s6, $0xb8;
	[tilespmem:$0x2500] =	vst v63  }
0x99: {  	_ =	swait.ge [sflag:s8], $0x2000  }
0x9a: {  	[sflag:s8] =	ssyncset.done $0x0  }
0x9b: {  	[sflag:s8] =	ssyncadd.s32 $0xFFFFE000  }
0x9c: {  	[hbm4b:s22+s2] =	stream.linear.scatter [tilespmem:s7], [sflag:$0x2], $0x2000, $0x38;
	[tilespmem:$0x2500] =	vst v63  }
0x9d: {  	_ =	swait.ge [sflag:s3], $0x2000  }
0x9e: {  	[sflag:s3] =	ssyncset.done $0x0  }
0x9f: {  	[sflag:s3] =	ssyncadd.s32 $0xFFFFE000  }
0xa0: {  	[tilespmem:s7], [sflag:$0x1] =	stream.indirect.gather [hbm4b:s5+s6], $0x40, s23, s6, $0xb8;
	[tilespmem:$0x2500] =	vst v63  }
0xa1: {  	_ =	swait.ge [sflag:s8], $0x2000  }
0xa2: {  	[sflag:s8] =	ssyncset.done $0x0  }
0xa3: {  	[sflag:s8] =	ssyncadd.s32 $0xFFFFE000  }
0xa4: {  	[hbm4b:s24+s2] =	stream.linear.scatter [tilespmem:s7], [sflag:$0x2], $0x2000, $0x38;
	[tilespmem:$0x2500] =	vst v63  }
0xa5: {  	_ =	swait.ge [sflag:s3], $0x2000  }
0xa6: {  	[sflag:s3] =	ssyncset.done $0x0  }
0xa7: {  	[sflag:s3] =	ssyncadd.s32 $0xFFFFE000  }
0xa8: {  	[tilespmem:s7], [sflag:$0x1] =	stream.indirect.gather [hbm4b:s5+s6], $0x40, s25, s6, $0xb8;
	[tilespmem:$0x2500] =	vst v63  }
0xa9: {  	_ =	swait.ge [sflag:s8], $0x2000  }
.Ltmp1:
0xaa: {  	[sflag:s8] =	ssyncset.done $0x0;
	(pc) =	sbr.rel @p0 .LBB2_1-.Ltmp1, $4  }
0xab: {  	[sflag:s8] =	ssyncadd.s32 $0xFFFFE000  }
0xac: {  	[hbm4b:s26+s2] =	stream.linear.scatter [tilespmem:s7], [sflag:$0x2], $0x2000, $0x38;
	[tilespmem:$0x2500] =	vst v63  }
0xad: {  	_ =	swait.ge [sflag:s3], $0x2000  }
0xae: {  	[sflag:s3] =	ssyncset.done $0x0  }
.LBB2_2:
0xaf: {  	[sflag:s3] =	ssyncadd.s32 $0xFFFFE000  }
0xb0: {  	_ =	sfence.sel $0x180000  }
0xb1: {  	[bflag:$0x0] =	sbarrier.arrive $0xFFFF  }
0xb2: {  	p0 =	sne.s32 s0, $0x0;
	_ =	strace $0x9000004D  }
0xb3: {  	s0 =	sadd.s32 @!p0 $0x100000, s1;
	[bflag:$0x2] =	sbarrier.arrive $0xFFFF  }
0xb4: {  	[sflag:s0] =	ssyncadd.tile.s32 @!p0 $0x1;
	_ =	shalt  }
.Lfunc_end2:
_tile_overlayer_lowered:
.L_overlay_start_2:
0xb5: {  	(tag) =	ssettag $0x2  }
0xb6: {  	s0 =	rddreg [dreg:$0x0];
	s2 =	stileid.u32  }
0xb7: {  	s1 =	rddreg [dreg:$0x1];
	p0 =	sne.s32 s2, $0x0  }
0xb8: {  	s3 =	rddreg [dreg:$0x2];
	[bflag:$0x3] =	sbarrier.arrive $0xFFFF;
	s2 =	simm.s32 @!p0 $0x1C02  }
0xb9: {  	[timem:s3], [sflag:s2] =	dma.local @!p0 [hbm:s0], s1  }
0xba: {  	s0 =	simm.s32 @!p0 $0x2  }
0xbb: {  	_ =	swait.ge @!p0 [sflag:s0], s1  }
0xbc: {  	s1 =	ssub.s32 @!p0 $0x0, s1;
	[sflag:s0] =	ssyncset.done @!p0 $0x0  }
0xbd: {  	[sflag:s0] =	ssyncadd.s32 @!p0 s1  }
0xbe: {  	[bflag:$0x3] =	sbarrier.arrive $0xFFFF  }
0xbf: {  	_ =	shalt  }

</sc_bundles>
